<compile_context>
chip_gen: v7x
topology: tpu7x:2x2x1
jax: 0.10.2.dev20260603
libtpu: 0.0.44.dev20260713+nightly
codegen_flags: <defaults>
</compile_context>

<pallas_src>
import functools

import jax
import jax.numpy as jnp
from jax import lax
from jax.experimental import pallas as pl
from jax.experimental.pallas import tpu as pltpu
from jax.experimental.pallas import tpu_sc as plsc

N = 10000
E = 320000
D = 8
NG = 64
STEPS = 3

NC = 2
NS = 16
NW = NC * NS
EPW = E // NW
CW = 125
SUB = 8
SCW = CW * SUB
NSC = EPW // SCW
NCH = EPW // CW
ROWS_PER_TILE = N // NS

_SC_PARAMS = pltpu.CompilerParams(use_tc_tiling_on_sc=False)


@functools.cache
def _sc_mesh():
    return plsc.VectorSubcoreMesh(
        core_axis_name="c", subcore_axis_name="s", num_cores=NC, num_subcores=NS
    )


WAVE = 32


def _gather_body(h_hbm, src_hbm, out_hbm, idx_v, rows_v, gsem, ssem):
    wid = lax.axis_index("s") * NC + lax.axis_index("c")
    base = wid * EPW
    pltpu.sync_copy(src_hbm.at[wid], idx_v)

    def gdesc(j):
        return pltpu.make_async_copy(
            h_hbm.at[idx_v.at[j]], rows_v.at[pl.ds(j * CW, CW)], gsem
        )

    def body(j, carry):
        @pl.when(j < NCH)
        def _():
            gdesc(j).start()

        @pl.when(j >= WAVE)
        def _():
            gdesc(j - WAVE).wait()

        return carry

    lax.fori_loop(0, NCH + WAVE, body, 0)
    pltpu.sync_copy(rows_v, out_hbm.at[pl.ds(base, EPW)])


def _sc_gather(h, src3):
    kern = pl.kernel(
        _gather_body,
        out_type=jax.ShapeDtypeStruct((E, D), jnp.float32),
        mesh=_sc_mesh(),
        scratch_types=[
            pltpu.VMEM((NCH, CW), jnp.int32),
            pltpu.VMEM((EPW, D), jnp.float32),
            pltpu.SemaphoreType.DMA,
            pltpu.SemaphoreType.DMA,
        ],
        compiler_params=_SC_PARAMS,
    )
    return kern(h, src3)


def _scatter_body(msg_hbm, dst_hbm, zeros_hbm, out_hbm, didx_v, mrows_v, agg_sh,
                  lsem, asem):
    cid = lax.axis_index("c")
    sid = lax.axis_index("s")
    wid = sid * NC + cid
    base = wid * EPW

    pltpu.sync_copy(
        zeros_hbm.at[pl.ds(sid * ROWS_PER_TILE, ROWS_PER_TILE)],
        agg_sh.at[pl.ds(sid * ROWS_PER_TILE, ROWS_PER_TILE)],
    )
    mload = pltpu.make_async_copy(
        msg_hbm.at[pl.ds(base, EPW)], mrows_v, lsem
    )
    mload.start()
    pltpu.sync_copy(dst_hbm.at[wid], didx_v)
    plsc.subcore_barrier()
    mload.wait()

    def sdesc(j):
        return pltpu.make_async_copy(
            mrows_v.at[pl.ds(j * CW, CW)], agg_sh.at[didx_v.at[j]], asem
        )

    def body(j, carry):
        @pl.when(j < NCH)
        def _():
            pltpu.async_copy(
                mrows_v.at[pl.ds(j * CW, CW)], agg_sh.at[didx_v.at[j]],
                asem, add=True,
            )

        @pl.when(j >= WAVE)
        def _():
            sdesc(j - WAVE).wait()

        return carry

    lax.fori_loop(0, NCH + WAVE, body, 0)
    plsc.subcore_barrier()

    pltpu.sync_copy(
        agg_sh.at[pl.ds(sid * ROWS_PER_TILE, ROWS_PER_TILE)],
        out_hbm.at[cid, pl.ds(sid * ROWS_PER_TILE, ROWS_PER_TILE)],
    )


def _sc_scatter_add(msg, dst3, zeros_nd):
    kern = pl.kernel(
        _scatter_body,
        out_type=jax.ShapeDtypeStruct((NC, N, D), jnp.float32),
        mesh=_sc_mesh(),
        scratch_types=[
            pltpu.VMEM((NCH, CW), jnp.int32),
            pltpu.VMEM((EPW, D), jnp.float32),
            pltpu.VMEM_SHARED((N, D), jnp.float32),
            pltpu.SemaphoreType.DMA,
            pltpu.SemaphoreType.DMA,
        ],
        compiler_params=_SC_PARAMS,
    )
    return kern(msg, dst3, zeros_nd)


def _proj_body(x_ref, w_ref, b_ref, o_ref):
    o_ref[...] = jnp.maximum(
        jnp.dot(x_ref[...], w_ref[...], preferred_element_type=jnp.float32)
        + b_ref[...],
        0.0,
    )


def _tc_project(x, W_proj, b_proj):
    return pl.pallas_call(
        _proj_body,
        out_shape=jax.ShapeDtypeStruct((N, D), jnp.float32),
    )(x, W_proj, b_proj.reshape(1, D))


MSG_BM = 32000


EHP_BM = 6400


def _ehp_body(eat_ref, we1_ref, be1_ref, o_ref, s3_ref):
    eh = jnp.maximum(
        lax.dot_general(
            eat_ref[...], we1_ref[...], (((0,), (0,)), ((), ())),
            preferred_element_type=jnp.float32,
        )
        + be1_ref[...],
        0.0,
    )
    s3_ref[...] = eh.reshape(EHP_BM // 16, 16, 16)
    o_ref[...] = s3_ref[...].reshape(EHP_BM // 16, 256)


def _tc_ehp(eaT, W_e1, b_e1):
    grid = E // EHP_BM
    return pl.pallas_call(
        _ehp_body,
        grid=(grid,),
        in_specs=[
            pl.BlockSpec((16, EHP_BM), lambda i: (0, i)),
            pl.BlockSpec((16, 16), lambda i: (0, 0)),
            pl.BlockSpec((1, 16), lambda i: (0, 0)),
        ],
        out_specs=pl.BlockSpec((EHP_BM // 16, 256), lambda i: (i, 0)),
        out_shape=jax.ShapeDtypeStruct((E // 16, 256), jnp.float32),
        scratch_shapes=[pltpu.VMEM((EHP_BM // 16, 16, 16), jnp.float32)],
    )(eaT, W_e1, b_e1.reshape(1, 16))


def _msg_body(ehp_ref, hsp_ref, bd2_ref, b2t_ref, g_ref, o_ref):
    ehp = ehp_ref[...]
    ew2 = jnp.dot(ehp, bd2_ref[...], preferred_element_type=jnp.float32)
    hs2 = jnp.dot(hsp_ref[...], g_ref[...], preferred_element_type=jnp.float32)
    b2t = b2t_ref[...]
    acc = hs2[:, 0:128] * (ew2[:, 0:128] + b2t[0:1, :])
    for i in range(1, D):
        acc += hs2[:, 128 * i:128 * (i + 1)] * (
            ew2[:, 128 * i:128 * (i + 1)] + b2t[i:i + 1, :]
        )
    o_ref[...] = acc


def _tc_message(ehp, h_src_p, BD2, b2t, G):
    grid = E // MSG_BM
    pb = MSG_BM // 16
    return pl.pallas_call(
        _msg_body,
        grid=(grid,),
        in_specs=[
            pl.BlockSpec((pb, 256), lambda i: (i, 0)),
            pl.BlockSpec((pb, 128), lambda i: (i, 0)),
            pl.BlockSpec((256, D * 128), lambda i: (0, 0)),
            pl.BlockSpec((D, 128), lambda i: (0, 0)),
            pl.BlockSpec((128, D * 128), lambda i: (0, 0)),
        ],
        out_specs=pl.BlockSpec((pb, 128), lambda i: (i, 0)),
        out_shape=jax.ShapeDtypeStruct((E // 16, 128), jnp.float32),
    )(ehp, h_src_p, BD2, b2t, G)


NP = N // 16


def _gru_body(
    agg2_ref, h_ref, hid_ref, wroot_ref, bconv_ref,
    wir_ref, wiz_ref, win_ref, bir_ref, biz_ref, bin_ref,
    whr_ref, whz_ref, whn_ref, bhr_ref, bhz_ref, bhn_ref,
    o_ref,
):
    agg = agg2_ref[0] + agg2_ref[1]
    h = h_ref[...]
    hidden = hid_ref[...]
    m = jnp.maximum(
        agg
        + jnp.dot(h, wroot_ref[...], preferred_element_type=jnp.float32)
        + bconv_ref[...],
        0.0,
    )
    i_r = jnp.dot(m, wir_ref[...], preferred_element_type=jnp.float32) + bir_ref[...]
    i_z = jnp.dot(m, wiz_ref[...], preferred_element_type=jnp.float32) + biz_ref[...]
    i_n = jnp.dot(m, win_ref[...], preferred_element_type=jnp.float32) + bin_ref[...]
    h_r = jnp.dot(hidden, whr_ref[...], preferred_element_type=jnp.float32) + bhr_ref[...]
    h_z = jnp.dot(hidden, whz_ref[...], preferred_element_type=jnp.float32) + bhz_ref[...]
    h_n = jnp.dot(hidden, whn_ref[...], preferred_element_type=jnp.float32) + bhn_ref[...]
    r = jax.nn.sigmoid(i_r + h_r)
    z = jax.nn.sigmoid(i_z + h_z)
    n = jnp.tanh(i_n + r * h_n)
    o_ref[...] = (1.0 - z) * n + z * hidden


def _tc_gru(agg2p, hp, hiddenp, kron_w):
    return pl.pallas_call(
        _gru_body,
        out_shape=jax.ShapeDtypeStruct((NP, 128), jnp.float32),
    )(agg2p, hp, hiddenp, *kron_w)


def _gru_readout_body(
    agg2_ref, h_ref, hid_ref, wroot_ref, bconv_ref,
    wir_ref, wiz_ref, win_ref, bir_ref, biz_ref, bin_ref,
    whr_ref, whz_ref, whn_ref, bhr_ref, bhz_ref, bhn_ref,
    batchp_ref, kr1_ref, br1_ref, kr2_ref, br2_ref, wp_ref, bp_ref,
    o_ref,
):
    agg = agg2_ref[0] + agg2_ref[1]
    h = h_ref[...]
    hidden = hid_ref[...]
    m = jnp.maximum(
        agg
        + jnp.dot(h, wroot_ref[...], preferred_element_type=jnp.float32)
        + bconv_ref[...],
        0.0,
    )
    i_r = jnp.dot(m, wir_ref[...], preferred_element_type=jnp.float32) + bir_ref[...]
    i_z = jnp.dot(m, wiz_ref[...], preferred_element_type=jnp.float32) + biz_ref[...]
    i_n = jnp.dot(m, win_ref[...], preferred_element_type=jnp.float32) + bin_ref[...]
    h_r = jnp.dot(hidden, whr_ref[...], preferred_element_type=jnp.float32) + bhr_ref[...]
    h_z = jnp.dot(hidden, whz_ref[...], preferred_element_type=jnp.float32) + bhz_ref[...]
    h_n = jnp.dot(hidden, whn_ref[...], preferred_element_type=jnp.float32) + bhn_ref[...]
    r = jax.nn.sigmoid(i_r + h_r)
    z = jax.nn.sigmoid(i_z + h_z)
    n = jnp.tanh(i_n + r * h_n)
    hp = (1.0 - z) * n + z * hidden

    nfp = jnp.maximum(
        jnp.dot(hp, kr1_ref[...], preferred_element_type=jnp.float32)
        + br1_ref[...],
        0.0,
    )
    nfp = jnp.dot(nfp, kr2_ref[...], preferred_element_type=jnp.float32) + br2_ref[...]
    batchp = batchp_ref[...]
    gid = lax.broadcasted_iota(jnp.int32, (1, NG), 1)
    sums = jnp.zeros((NG, D), jnp.float32)
    oh_sum = jnp.zeros((NP, NG), jnp.float32)
    for k in range(16):
        ohk = (batchp[:, k:k + 1] == gid).astype(jnp.float32)
        oh_sum = oh_sum + ohk
        sk = lax.dot_general(
            ohk, nfp, (((0,), (0,)), ((), ())), preferred_element_type=jnp.float32
        )
        sums = sums + sk[:, D * k:D * (k + 1)]
    counts = lax.dot_general(
        oh_sum, jnp.ones((NP, 1), jnp.float32), (((0,), (0,)), ((), ())),
        preferred_element_type=jnp.float32,
    )
    g = sums / jnp.maximum(counts, 1.0)
    o_ref[...] = (
        jnp.dot(g, wp_ref[...], preferred_element_type=jnp.float32) + bp_ref[...]
    )


def _tc_gru_readout(agg2p, hp, hiddenp, kron_w, batchp,
                    W_r1, b_r1, W_r2, b_r2, W_p, b_p):
    eye16 = jnp.eye(16, dtype=jnp.float32)
    return pl.pallas_call(
        _gru_readout_body,
        out_shape=jax.ShapeDtypeStruct((NG, 1), jnp.float32),
    )(agg2p, hp, hiddenp, *kron_w, batchp,
      jnp.kron(eye16, W_r1), jnp.tile(b_r1, 16).reshape(1, 128),
      jnp.kron(eye16, W_r2), jnp.tile(b_r2, 16).reshape(1, 128),
      W_p, b_p.reshape(1, 1))


def _readout_body(
    hp_ref, batchp_ref, kr1_ref, br1_ref, kr2_ref, br2_ref, wp_ref, bp_ref, o_ref
):
    hp = hp_ref[...]
    nfp = jnp.maximum(
        jnp.dot(hp, kr1_ref[...], preferred_element_type=jnp.float32)
        + br1_ref[...],
        0.0,
    )
    nfp = jnp.dot(nfp, kr2_ref[...], preferred_element_type=jnp.float32) + br2_ref[...]
    batchp = batchp_ref[...]
    gid = lax.broadcasted_iota(jnp.int32, (1, NG), 1)
    sums = jnp.zeros((NG, D), jnp.float32)
    oh_sum = jnp.zeros((NP, NG), jnp.float32)
    for k in range(16):
        ohk = (batchp[:, k:k + 1] == gid).astype(jnp.float32)
        oh_sum = oh_sum + ohk
        sk = lax.dot_general(
            ohk, nfp, (((0,), (0,)), ((), ())), preferred_element_type=jnp.float32
        )
        sums = sums + sk[:, D * k:D * (k + 1)]
    counts = lax.dot_general(
        oh_sum, jnp.ones((NP, 1), jnp.float32), (((0,), (0,)), ((), ())),
        preferred_element_type=jnp.float32,
    )
    g = sums / jnp.maximum(counts, 1.0)
    o_ref[...] = (
        jnp.dot(g, wp_ref[...], preferred_element_type=jnp.float32) + bp_ref[...]
    )


def _tc_readout(hp, batchp, W_r1, b_r1, W_r2, b_r2, W_p, b_p):
    eye16 = jnp.eye(16, dtype=jnp.float32)
    return pl.pallas_call(
        _readout_body,
        out_shape=jax.ShapeDtypeStruct((NG, 1), jnp.float32),
    )(hp, batchp, jnp.kron(eye16, W_r1), jnp.tile(b_r1, 16).reshape(1, 128),
      jnp.kron(eye16, W_r2), jnp.tile(b_r2, 16).reshape(1, 128),
      W_p, b_p.reshape(1, 1))


def kernel(x, edge_index, edge_attr, batch,
           W_proj, b_proj, W_e1, b_e1, W_e2, b_e2, W_root, b_conv,
           W_gru_ih, b_gru_ih, W_gru_hh, b_gru_hh,
           W_r1, b_r1, W_r2, b_r2, W_p, b_p):
    src3 = edge_index[0].reshape(NW, NCH, CW)
    dst3 = edge_index[1].reshape(NW, NCH, CW)
    batch2d = batch.reshape(N, 1)
    zeros_nd = jnp.zeros((N, D), jnp.float32)

    eye16 = jnp.eye(16, dtype=jnp.float32)
    BD2 = jnp.concatenate(
        [jnp.kron(eye16, W_e2[:, D * i:D * (i + 1)]) for i in range(D)], axis=1
    )
    b2t = jnp.stack([jnp.tile(b_e2[D * i:D * (i + 1)], 16) for i in range(D)])
    onehot8 = jnp.eye(D, dtype=jnp.float32)
    G = jnp.concatenate(
        [jnp.kron(eye16, onehot8[:, i:i + 1] * jnp.ones((1, D), jnp.float32))
         for i in range(D)], axis=1
    )

    def kt(w):
        return jnp.kron(eye16, w)

    def bt(b):
        return jnp.tile(b, 16).reshape(1, 128)

    kron_w = (
        kt(W_root), bt(b_conv),
        kt(W_gru_ih[:, 0:D]), kt(W_gru_ih[:, D:2 * D]), kt(W_gru_ih[:, 2 * D:]),
        bt(b_gru_ih[0:D]), bt(b_gru_ih[D:2 * D]), bt(b_gru_ih[2 * D:]),
        kt(W_gru_hh[:, 0:D]), kt(W_gru_hh[:, D:2 * D]), kt(W_gru_hh[:, 2 * D:]),
        bt(b_gru_hh[0:D]), bt(b_gru_hh[D:2 * D]), bt(b_gru_hh[2 * D:]),
    )

    ehp = _tc_ehp(edge_attr.T, W_e1, b_e1)
    hp = _tc_project(x, W_proj, b_proj).reshape(NP, 128)
    hiddenp = hp
    for step in range(STEPS):
        h_src = _sc_gather(hp.reshape(N, D), src3)
        msg_p = _tc_message(ehp, h_src.reshape(E // 16, 128),
                            BD2, b2t, G)
        agg2 = _sc_scatter_add(msg_p.reshape(E, D), dst3, zeros_nd)
        if step < STEPS - 1:
            hiddenp = _tc_gru(agg2.reshape(NC, NP, 128), hp, hiddenp, kron_w)
            hp = hiddenp
        else:
            return _tc_gru_readout(
                agg2.reshape(NC, NP, 128), hp, hiddenp, kron_w,
                batch.reshape(NP, 16), W_r1, b_r1, W_r2, b_r2, W_p, b_p)

# --- scband reference (transcript-rebuilt; emitter-appended) ---
"""Pipeline reference for scband-mpnn-8538394985124 (READ-ONLY COPY).

The authoritative reference and input builder live on the scoring server;
editing this copy changes nothing except your own understanding.
"""

import jax, jax.numpy as jnp
import numpy as np

HID = 8
STEPS = 3
NG = 64

def setup_inputs(seed: int = 0) -> dict:
    key = jax.random.key(seed)
    k = lambda i: jax.random.fold_in(key, i)
    N, E, DF, DE = 10000, 320000, 128, 16
    inp = {}
    inp["x"] = jax.random.normal(k(0), (N, DF), dtype=jnp.float32)
    inp["edge_index"] = jax.random.randint(k(1), (2, E), 0, N)
    inp["edge_attr"] = jax.random.normal(k(2), (E, DE), dtype=jnp.float32)
    inp["batch"] = jnp.sort(jax.random.randint(k(3), (N,), 0, NG))
    def p(i, shape):
        return 0.1 * jax.random.normal(k(10 + i), shape, dtype=jnp.float32)
    inp["W_proj"] = p(0, (DF, HID)); inp["b_proj"] = p(1, (HID,))
    inp["W_e1"] = p(2, (DE, 16)); inp["b_e1"] = p(3, (16,))
    inp["W_e2"] = p(4, (16, HID * HID)); inp["b_e2"] = p(5, (HID * HID,))
    inp["W_root"] = p(6, (HID, HID)); inp["b_conv"] = p(7, (HID,))
    inp["W_gru_ih"] = p(8, (HID, 3 * HID)); inp["b_gru_ih"] = p(9, (3 * HID,))
    inp["W_gru_hh"] = p(10, (HID, 3 * HID)); inp["b_gru_hh"] = p(11, (3 * HID,))
    inp["W_r1"] = p(12, (HID, 8)); inp["b_r1"] = p(13, (8,))
    inp["W_r2"] = p(14, (8, 8)); inp["b_r2"] = p(15, (8,))
    inp["W_p"] = p(16, (8, 1)); inp["b_p"] = p(17, (1,))
    return inp

def _forward(x, edge_attr, W_proj, b_proj, W_e1, b_e1, W_e2, b_e2, W_root, b_conv, W_gru_ih, b_gru_ih, W_gru_hh, b_gru_hh, W_r1, b_r1, W_r2, b_r2, W_p, b_p, edge_index, batch):
    N = x.shape[0]
    src = edge_index[0]
    dst = edge_index[1]
    # MPNNGNN: project node feats, then NNConv + GRU message passing
    h = jax.nn.relu(x @ W_proj + b_proj)
    hidden = h
    # edge network (shared across steps): edge_attr -> [E, HID, HID] weight matrices
    e_h = jax.nn.relu(edge_attr @ W_e1 + b_e1)
    e_w = (e_h @ W_e2 + b_e2).reshape(-1, HID, HID)
    for _ in range(STEPS):
        msg = jnp.einsum('ei,eio->eo', h[src], e_w)
        agg = jax.ops.segment_sum(msg, dst, num_segments=N)
        m = jax.nn.relu(agg + h @ W_root + b_conv)
        # single-step GRU (seq_len=1)
        gi = m @ W_gru_ih + b_gru_ih
        gh = hidden @ W_gru_hh + b_gru_hh
        i_r, i_z, i_n = jnp.split(gi, 3, axis=-1)
        h_r, h_z, h_n = jnp.split(gh, 3, axis=-1)
        r = jax.nn.sigmoid(i_r + h_r)
        z = jax.nn.sigmoid(i_z + h_z)
        n = jnp.tanh(i_n + r * h_n)
        hidden = (1.0 - z) * n + z * hidden
        h = hidden
    # MLPReadout: node MLP (dropout inactive in eval) + mean pooling per graph
    nf = jax.nn.relu(h @ W_r1 + b_r1)
    nf = nf @ W_r2 + b_r2
    sums = jax.ops.segment_sum(nf, batch, num_segments=NG)
    counts = jax.ops.segment_sum(jnp.ones((N, 1), dtype=nf.dtype), batch, num_segments=NG)
    g = sums / jnp.clip(counts, 1.0)
    return g @ W_p + b_p

def reference(x, edge_index, edge_attr, batch, W_proj, b_proj, W_e1, b_e1, W_e2, b_e2, W_root, b_conv, W_gru_ih, b_gru_ih, W_gru_hh, b_gru_hh, W_r1, b_r1, W_r2, b_r2, W_p, b_p):
    return _forward(x, edge_attr, W_proj, b_proj, W_e1, b_e1, W_e2, b_e2, W_root, b_conv, W_gru_ih, b_gru_ih, W_gru_hh, b_gru_hh, W_r1, b_r1, W_r2, b_r2, W_p, b_p, edge_index, batch)

if __name__ == "__main__":
    import jax
    _d = setup_inputs()
    print(jax.jit(kernel)(*tuple(_d.values())))

</pallas_src>

<mosaic_0001>
#map = affine_map<(d0, d1) -> (0, 0)>
#map1 = affine_map<(d0, d1) -> (0, 0, 0)>
module attributes {stable_mosaic.version = 14 : i64} {
  func.func @_scatter_body(%arg0: i32, %arg1: i32, %arg2: memref<320000x8xf32, #tpu.memory_space<hbm>>, %arg3: memref<32x80x125xi32, #tpu.memory_space<hbm>>, %arg4: memref<10000x8xf32, #tpu.memory_space<hbm>>, %arg5: memref<2x10000x8xf32, #tpu.memory_space<hbm>>, %arg6: memref<80x125xi32, #tpu.memory_space<vmem>>, %arg7: memref<10000x8xf32, #tpu.memory_space<vmem>>, %arg8: memref<10000x8xf32, #tpu.memory_space<vmem_shared>>, %arg9: memref<!tpu.dma_semaphore, #tpu.memory_space<semaphore_mem>>, %arg10: memref<!tpu.dma_semaphore, #tpu.memory_space<semaphore_mem>>) attributes {dimension_semantics = [#tpu.dimension_semantics<core_parallel>, #tpu.dimension_semantics<subcore_parallel>], iteration_bounds = array<i64: 2, 16>, scalar_prefetch = 0 : i64, scratch_operands = 5 : i64, tpu.core_type = #tpu.core_type<sc_vector_subcore>, window_params = [{transform_indices = #map}, {transform_indices = #map1}, {transform_indices = #map}, {transform_indices = #map1}]} {
    %mul3A = arith.constant 2 : i32
    %mul3A_0 = arith.muli %arg1, %mul3A : i32
    %add3A = arith.addi %mul3A_0, %arg0 : i32
    %mul3A_1 = arith.constant 10000 : i32
    %mul3A_2 = arith.muli %add3A, %mul3A_1 : i32
    %mul3A_3 = arith.constant 625 : i32
    %mul3A_4 = arith.muli %arg1, %mul3A_3 : i32
    %mul3A_5 = arith.constant 625 : i32
    %mul3A_6 = arith.muli %arg1, %mul3A_5 : i32
    "tpu.region"() ({
      %run_scoped3A = tpu.sem_alloc : memref<!tpu.dma_semaphore, #tpu.memory_space<semaphore_mem>>
      %dma_start3A_23 = arith.constant 0 : i32
      %dma_start3A_24 = tpu.memref_slice %arg8[%mul3A_6, %dma_start3A_23] : memref<10000x8xf32, #tpu.memory_space<vmem_shared>> -> memref<625x8xf32, #tpu.memory_space<vmem_shared>>
      %dma_start3A_25 = arith.constant 0 : i32
      %dma_start3A_26 = tpu.memref_slice %arg4[%mul3A_4, %dma_start3A_25] : memref<10000x8xf32, #tpu.memory_space<hbm>> -> memref<625x8xf32, #tpu.memory_space<hbm>>
      tpu.enqueue_dma source(%dma_start3A_26 : memref<625x8xf32, #tpu.memory_space<hbm>>) target(%dma_start3A_24 : memref<625x8xf32, #tpu.memory_space<vmem_shared>>) target_semaphore(%run_scoped3A : memref<!tpu.dma_semaphore, #tpu.memory_space<semaphore_mem>>)
      %dma_wait3A_27 = arith.constant 0 : i32
      %dma_wait3A_28 = tpu.memref_slice %arg8[%mul3A_6, %dma_wait3A_27] : memref<10000x8xf32, #tpu.memory_space<vmem_shared>> -> memref<625x8xf32, #tpu.memory_space<vmem_shared>>
      %dma_wait3A_29 = arith.constant 0 : i32
      %dma_wait3A_30 = tpu.memref_slice %arg4[%mul3A_4, %dma_wait3A_29] : memref<10000x8xf32, #tpu.memory_space<hbm>> -> memref<625x8xf32, #tpu.memory_space<hbm>>
      tpu.wait_dma2 semaphore(%run_scoped3A : memref<!tpu.dma_semaphore, #tpu.memory_space<semaphore_mem>>) src(%dma_wait3A_30 : memref<625x8xf32, #tpu.memory_space<hbm>>) dst(%dma_wait3A_28 : memref<625x8xf32, #tpu.memory_space<vmem_shared>>)
      tpu.yield
    }) : () -> ()
    %dma_start3A = arith.constant 0 : i32
    %dma_start3A_7 = tpu.memref_slice %arg2[%mul3A_2, %dma_start3A] : memref<320000x8xf32, #tpu.memory_space<hbm>> -> memref<10000x8xf32, #tpu.memory_space<hbm>>
    %dma_start3A_8 = arith.constant 0 : i32
    %dma_start3A_9 = tpu.memref_slice %arg2[%mul3A_2, %dma_start3A_8] : memref<320000x8xf32, #tpu.memory_space<hbm>> -> memref<10000x8xf32, #tpu.memory_space<hbm>>
    tpu.enqueue_dma source(%dma_start3A_9 : memref<10000x8xf32, #tpu.memory_space<hbm>>) target(%arg7 : memref<10000x8xf32, #tpu.memory_space<vmem>>) target_semaphore(%arg9 : memref<!tpu.dma_semaphore, #tpu.memory_space<semaphore_mem>>)
    "tpu.region"() ({
      %run_scoped3A = tpu.sem_alloc : memref<!tpu.dma_semaphore, #tpu.memory_space<semaphore_mem>>
      %dma_start3A_23 = arith.constant 0 : i32
      %dma_start3A_24 = arith.constant 0 : i32
      %dma_start3A_25 = tpu.memref_slice %arg3[%add3A, %dma_start3A_23, %dma_start3A_24] : memref<32x80x125xi32, #tpu.memory_space<hbm>> -> memref<1x80x125xi32, #tpu.memory_space<hbm>>
      %dma_start3A_26 = tpu.memref_squeeze %dma_start3A_25 : memref<1x80x125xi32, #tpu.memory_space<hbm>> -> memref<80x125xi32, #tpu.memory_space<hbm>>
      %dma_start3A_27 = arith.constant 0 : i32
      %dma_start3A_28 = arith.constant 0 : i32
      %dma_start3A_29 = tpu.memref_slice %arg3[%add3A, %dma_start3A_27, %dma_start3A_28] : memref<32x80x125xi32, #tpu.memory_space<hbm>> -> memref<1x80x125xi32, #tpu.memory_space<hbm>>
      %dma_start3A_30 = tpu.memref_squeeze %dma_start3A_29 : memref<1x80x125xi32, #tpu.memory_space<hbm>> -> memref<80x125xi32, #tpu.memory_space<hbm>>
      tpu.enqueue_dma source(%dma_start3A_30 : memref<80x125xi32, #tpu.memory_space<hbm>>) target(%arg6 : memref<80x125xi32, #tpu.memory_space<vmem>>) target_semaphore(%run_scoped3A : memref<!tpu.dma_semaphore, #tpu.memory_space<semaphore_mem>>)
      %dma_wait3A_31 = arith.constant 0 : i32
      %dma_wait3A_32 = arith.constant 0 : i32
      %dma_wait3A_33 = tpu.memref_slice %arg3[%add3A, %dma_wait3A_31, %dma_wait3A_32] : memref<32x80x125xi32, #tpu.memory_space<hbm>> -> memref<1x80x125xi32, #tpu.memory_space<hbm>>
      %dma_wait3A_34 = tpu.memref_squeeze %dma_wait3A_33 : memref<1x80x125xi32, #tpu.memory_space<hbm>> -> memref<80x125xi32, #tpu.memory_space<hbm>>
      %dma_wait3A_35 = arith.constant 0 : i32
      %dma_wait3A_36 = arith.constant 0 : i32
      %dma_wait3A_37 = tpu.memref_slice %arg3[%add3A, %dma_wait3A_35, %dma_wait3A_36] : memref<32x80x125xi32, #tpu.memory_space<hbm>> -> memref<1x80x125xi32, #tpu.memory_space<hbm>>
      %dma_wait3A_38 = tpu.memref_squeeze %dma_wait3A_37 : memref<1x80x125xi32, #tpu.memory_space<hbm>> -> memref<80x125xi32, #tpu.memory_space<hbm>>
      tpu.wait_dma2 semaphore(%run_scoped3A : memref<!tpu.dma_semaphore, #tpu.memory_space<semaphore_mem>>) src(%dma_wait3A_38 : memref<80x125xi32, #tpu.memory_space<hbm>>) dst(%arg6 : memref<80x125xi32, #tpu.memory_space<vmem>>)
      tpu.yield
    }) : () -> ()
    %barrier3A = arith.constant 0 : index
    tpu.barrier barrier_id(%barrier3A)
    %dma_wait3A = arith.constant 0 : i32
    %dma_wait3A_10 = tpu.memref_slice %arg2[%mul3A_2, %dma_wait3A] : memref<320000x8xf32, #tpu.memory_space<hbm>> -> memref<10000x8xf32, #tpu.memory_space<hbm>>
    %dma_wait3A_11 = arith.constant 0 : i32
    %dma_wait3A_12 = tpu.memref_slice %arg2[%mul3A_2, %dma_wait3A_11] : memref<320000x8xf32, #tpu.memory_space<hbm>> -> memref<10000x8xf32, #tpu.memory_space<hbm>>
    tpu.wait_dma2 semaphore(%arg9 : memref<!tpu.dma_semaphore, #tpu.memory_space<semaphore_mem>>) src(%dma_wait3A_12 : memref<10000x8xf32, #tpu.memory_space<hbm>>) dst(%arg7 : memref<10000x8xf32, #tpu.memory_space<vmem>>)
    %scan3A = arith.constant 0 : i32
    %scan3A_13 = arith.constant 0 : i32
    %scan3A_14 = arith.constant 112 : i32
    %scan3A_15 = arith.addi %scan3A_13, %scan3A_14 : i32
    %scan3A_16 = arith.constant 1 : i32
    scf.for %scan3A_23 = %scan3A_13 to %scan3A_15 step %scan3A_16  : i32 {
      %lt3A = arith.constant 80 : i32
      %lt3A_24 = arith.cmpi slt, %scan3A_23, %lt3A : i32
      %convert_element_type3A = arith.extui %lt3A_24 : i1 to i32
      %cond3A = arith.constant 0 : i32
      %cond3A_25 = arith.cmpi ne, %convert_element_type3A, %cond3A : i32
      scf.if %cond3A_25 {
        %mul3A_30 = arith.constant 125 : i32
        %mul3A_31 = arith.muli %scan3A_23, %mul3A_30 : i32
        %dma_start3A_32 = arith.constant 0 : i32
        %dma_start3A_33 = tpu.memref_slice %arg7[%mul3A_31, %dma_start3A_32] : memref<10000x8xf32, #tpu.memory_space<vmem>> -> memref<125x8xf32, #tpu.memory_space<vmem>>
        %dma_start3A_34 = arith.constant 0 : i32
        %dma_start3A_35 = tpu.memref_slice %arg6[%scan3A_23, %dma_start3A_34] : memref<80x125xi32, #tpu.memory_space<vmem>> -> memref<1x125xi32, #tpu.memory_space<vmem>>
        %dma_start3A_36 = tpu.memref_squeeze %dma_start3A_35 : memref<1x125xi32, #tpu.memory_space<vmem>> -> memref<125xi32, #tpu.memory_space<vmem>>
        %dma_start3A_37 = arith.constant 0 : i32
        %dma_start3A_38 = arith.constant 0 : i32
        %dma_start3A_39 = tpu.memref_slice %arg8[%dma_start3A_37, %dma_start3A_38] : memref<10000x8xf32, #tpu.memory_space<vmem_shared>> -> memref<10000x8xf32, #tpu.memory_space<vmem_shared>>
        tpu.enqueue_indirect_dma source(%dma_start3A_33 : memref<125x8xf32, #tpu.memory_space<vmem>>) target(%dma_start3A_39 : memref<10000x8xf32, #tpu.memory_space<vmem_shared>>) offsets(%dma_start3A_36 : memref<125xi32, #tpu.memory_space<vmem>>) semaphore(%arg10 : memref<!tpu.dma_semaphore, #tpu.memory_space<semaphore_mem>>) {add = true}
      } else {
      }
      %ge3A = arith.constant 32 : i32
      %ge3A_26 = arith.cmpi sge, %scan3A_23, %ge3A : i32
      %convert_element_type3A_27 = arith.extui %ge3A_26 : i1 to i32
      %cond3A_28 = arith.constant 0 : i32
      %cond3A_29 = arith.cmpi ne, %convert_element_type3A_27, %cond3A_28 : i32
      scf.if %cond3A_29 {
        %sub3A = arith.constant 32 : i32
        %sub3A_30 = arith.subi %scan3A_23, %sub3A : i32
        %mul3A_31 = arith.constant 125 : i32
        %mul3A_32 = arith.muli %sub3A_30, %mul3A_31 : i32
        %dma_wait3A_33 = arith.constant 0 : i32
        %dma_wait3A_34 = tpu.memref_slice %arg7[%mul3A_32, %dma_wait3A_33] : memref<10000x8xf32, #tpu.memory_space<vmem>> -> memref<125x8xf32, #tpu.memory_space<vmem>>
        %dma_wait3A_35 = arith.constant 0 : i32
        %dma_wait3A_36 = tpu.memref_slice %arg6[%sub3A_30, %dma_wait3A_35] : memref<80x125xi32, #tpu.memory_space<vmem>> -> memref<1x125xi32, #tpu.memory_space<vmem>>
        %dma_wait3A_37 = tpu.memref_squeeze %dma_wait3A_36 : memref<1x125xi32, #tpu.memory_space<vmem>> -> memref<125xi32, #tpu.memory_space<vmem>>
        %dma_wait3A_38 = arith.constant 0 : i32
        %dma_wait3A_39 = arith.constant 0 : i32
        %dma_wait3A_40 = tpu.memref_slice %arg8[%dma_wait3A_38, %dma_wait3A_39] : memref<10000x8xf32, #tpu.memory_space<vmem_shared>> -> memref<10000x8xf32, #tpu.memory_space<vmem_shared>>
        tpu.wait_indirect_dma semaphore(%arg10 : memref<!tpu.dma_semaphore, #tpu.memory_space<semaphore_mem>>) src(%dma_wait3A_34 : memref<125x8xf32, #tpu.memory_space<vmem>>) dst(%dma_wait3A_40 : memref<10000x8xf32, #tpu.memory_space<vmem_shared>>)
      } else {
      }
    }
    %scan3A_17 = arith.constant 112 : i32
    %barrier3A_18 = arith.constant 0 : index
    tpu.barrier barrier_id(%barrier3A_18)
    %mul3A_19 = arith.constant 625 : i32
    %mul3A_20 = arith.muli %arg1, %mul3A_19 : i32
    %mul3A_21 = arith.constant 625 : i32
    %mul3A_22 = arith.muli %arg1, %mul3A_21 : i32
    "tpu.region"() ({
      %run_scoped3A = tpu.sem_alloc : memref<!tpu.dma_semaphore, #tpu.memory_space<semaphore_mem>>
      %dma_start3A_23 = arith.constant 0 : i32
      %dma_start3A_24 = tpu.memref_slice %arg5[%arg0, %mul3A_22, %dma_start3A_23] : memref<2x10000x8xf32, #tpu.memory_space<hbm>> -> memref<1x625x8xf32, #tpu.memory_space<hbm>>
      %dma_start3A_25 = tpu.memref_squeeze %dma_start3A_24 : memref<1x625x8xf32, #tpu.memory_space<hbm>> -> memref<625x8xf32, #tpu.memory_space<hbm>>
      %dma_start3A_26 = arith.constant 0 : i32
      %dma_start3A_27 = tpu.memref_slice %arg8[%mul3A_20, %dma_start3A_26] : memref<10000x8xf32, #tpu.memory_space<vmem_shared>> -> memref<625x8xf32, #tpu.memory_space<vmem_shared>>
      tpu.enqueue_dma source(%dma_start3A_27 : memref<625x8xf32, #tpu.memory_space<vmem_shared>>) target(%dma_start3A_25 : memref<625x8xf32, #tpu.memory_space<hbm>>) target_semaphore(%run_scoped3A : memref<!tpu.dma_semaphore, #tpu.memory_space<semaphore_mem>>)
      %dma_wait3A_28 = arith.constant 0 : i32
      %dma_wait3A_29 = tpu.memref_slice %arg5[%arg0, %mul3A_22, %dma_wait3A_28] : memref<2x10000x8xf32, #tpu.memory_space<hbm>> -> memref<1x625x8xf32, #tpu.memory_space<hbm>>
      %dma_wait3A_30 = tpu.memref_squeeze %dma_wait3A_29 : memref<1x625x8xf32, #tpu.memory_space<hbm>> -> memref<625x8xf32, #tpu.memory_space<hbm>>
      %dma_wait3A_31 = arith.constant 0 : i32
      %dma_wait3A_32 = tpu.memref_slice %arg8[%mul3A_20, %dma_wait3A_31] : memref<10000x8xf32, #tpu.memory_space<vmem_shared>> -> memref<625x8xf32, #tpu.memory_space<vmem_shared>>
      tpu.wait_dma2 semaphore(%run_scoped3A : memref<!tpu.dma_semaphore, #tpu.memory_space<semaphore_mem>>) src(%dma_wait3A_32 : memref<625x8xf32, #tpu.memory_space<vmem_shared>>) dst(%dma_wait3A_30 : memref<625x8xf32, #tpu.memory_space<hbm>>)
      tpu.yield
    }) : () -> ()
    return
  }
}

#map = affine_map<(d0, d1) -> (0, 0)>
#map1 = affine_map<(d0, d1) -> (0, 0, 0)>
module attributes {stable_mosaic.version = 14 : i64} {
  func.func @_gather_body(%arg0: i32, %arg1: i32, %arg2: memref<10000x8xf32, #tpu.memory_space<hbm>>, %arg3: memref<32x80x125xi32, #tpu.memory_space<hbm>>, %arg4: memref<320000x8xf32, #tpu.memory_space<hbm>>, %arg5: memref<80x125xi32, #tpu.memory_space<vmem>>, %arg6: memref<10000x8xf32, #tpu.memory_space<vmem>>, %arg7: memref<!tpu.dma_semaphore, #tpu.memory_space<semaphore_mem>>, %arg8: memref<!tpu.dma_semaphore, #tpu.memory_space<semaphore_mem>>) attributes {dimension_semantics = [#tpu.dimension_semantics<core_parallel>, #tpu.dimension_semantics<subcore_parallel>], iteration_bounds = array<i64: 2, 16>, scalar_prefetch = 0 : i64, scratch_operands = 4 : i64, tpu.core_type = #tpu.core_type<sc_vector_subcore>, window_params = [{transform_indices = #map}, {transform_indices = #map1}, {transform_indices = #map}]} {
    %mul3A = arith.constant 2 : i32
    %mul3A_0 = arith.muli %arg1, %mul3A : i32
    %add3A = arith.addi %mul3A_0, %arg0 : i32
    %mul3A_1 = arith.constant 10000 : i32
    %mul3A_2 = arith.muli %add3A, %mul3A_1 : i32
    "tpu.region"() ({
      %run_scoped3A = tpu.sem_alloc : memref<!tpu.dma_semaphore, #tpu.memory_space<semaphore_mem>>
      %dma_start3A = arith.constant 0 : i32
      %dma_start3A_8 = arith.constant 0 : i32
      %dma_start3A_9 = tpu.memref_slice %arg3[%add3A, %dma_start3A, %dma_start3A_8] : memref<32x80x125xi32, #tpu.memory_space<hbm>> -> memref<1x80x125xi32, #tpu.memory_space<hbm>>
      %dma_start3A_10 = tpu.memref_squeeze %dma_start3A_9 : memref<1x80x125xi32, #tpu.memory_space<hbm>> -> memref<80x125xi32, #tpu.memory_space<hbm>>
      %dma_start3A_11 = arith.constant 0 : i32
      %dma_start3A_12 = arith.constant 0 : i32
      %dma_start3A_13 = tpu.memref_slice %arg3[%add3A, %dma_start3A_11, %dma_start3A_12] : memref<32x80x125xi32, #tpu.memory_space<hbm>> -> memref<1x80x125xi32, #tpu.memory_space<hbm>>
      %dma_start3A_14 = tpu.memref_squeeze %dma_start3A_13 : memref<1x80x125xi32, #tpu.memory_space<hbm>> -> memref<80x125xi32, #tpu.memory_space<hbm>>
      tpu.enqueue_dma source(%dma_start3A_14 : memref<80x125xi32, #tpu.memory_space<hbm>>) target(%arg5 : memref<80x125xi32, #tpu.memory_space<vmem>>) target_semaphore(%run_scoped3A : memref<!tpu.dma_semaphore, #tpu.memory_space<semaphore_mem>>)
      %dma_wait3A = arith.constant 0 : i32
      %dma_wait3A_15 = arith.constant 0 : i32
      %dma_wait3A_16 = tpu.memref_slice %arg3[%add3A, %dma_wait3A, %dma_wait3A_15] : memref<32x80x125xi32, #tpu.memory_space<hbm>> -> memref<1x80x125xi32, #tpu.memory_space<hbm>>
      %dma_wait3A_17 = tpu.memref_squeeze %dma_wait3A_16 : memref<1x80x125xi32, #tpu.memory_space<hbm>> -> memref<80x125xi32, #tpu.memory_space<hbm>>
      %dma_wait3A_18 = arith.constant 0 : i32
      %dma_wait3A_19 = arith.constant 0 : i32
      %dma_wait3A_20 = tpu.memref_slice %arg3[%add3A, %dma_wait3A_18, %dma_wait3A_19] : memref<32x80x125xi32, #tpu.memory_space<hbm>> -> memref<1x80x125xi32, #tpu.memory_space<hbm>>
      %dma_wait3A_21 = tpu.memref_squeeze %dma_wait3A_20 : memref<1x80x125xi32, #tpu.memory_space<hbm>> -> memref<80x125xi32, #tpu.memory_space<hbm>>
      tpu.wait_dma2 semaphore(%run_scoped3A : memref<!tpu.dma_semaphore, #tpu.memory_space<semaphore_mem>>) src(%dma_wait3A_21 : memref<80x125xi32, #tpu.memory_space<hbm>>) dst(%arg5 : memref<80x125xi32, #tpu.memory_space<vmem>>)
      tpu.yield
    }) : () -> ()
    %scan3A = arith.constant 0 : i32
    %scan3A_3 = arith.constant 0 : i32
    %scan3A_4 = arith.constant 112 : i32
    %scan3A_5 = arith.addi %scan3A_3, %scan3A_4 : i32
    %scan3A_6 = arith.constant 1 : i32
    scf.for %scan3A_8 = %scan3A_3 to %scan3A_5 step %scan3A_6  : i32 {
      %lt3A = arith.constant 80 : i32
      %lt3A_9 = arith.cmpi slt, %scan3A_8, %lt3A : i32
      %convert_element_type3A = arith.extui %lt3A_9 : i1 to i32
      %cond3A = arith.constant 0 : i32
      %cond3A_10 = arith.cmpi ne, %convert_element_type3A, %cond3A : i32
      scf.if %cond3A_10 {
        %mul3A_15 = arith.constant 125 : i32
        %mul3A_16 = arith.muli %scan3A_8, %mul3A_15 : i32
        %dma_start3A = arith.constant 0 : i32
        %dma_start3A_17 = tpu.memref_slice %arg6[%mul3A_16, %dma_start3A] : memref<10000x8xf32, #tpu.memory_space<vmem>> -> memref<125x8xf32, #tpu.memory_space<vmem>>
        %dma_start3A_18 = arith.constant 0 : i32
        %dma_start3A_19 = tpu.memref_slice %arg5[%scan3A_8, %dma_start3A_18] : memref<80x125xi32, #tpu.memory_space<vmem>> -> memref<1x125xi32, #tpu.memory_space<vmem>>
        %dma_start3A_20 = tpu.memref_squeeze %dma_start3A_19 : memref<1x125xi32, #tpu.memory_space<vmem>> -> memref<125xi32, #tpu.memory_space<vmem>>
        %dma_start3A_21 = arith.constant 0 : i32
        %dma_start3A_22 = arith.constant 0 : i32
        %dma_start3A_23 = tpu.memref_slice %arg2[%dma_start3A_21, %dma_start3A_22] : memref<10000x8xf32, #tpu.memory_space<hbm>> -> memref<10000x8xf32, #tpu.memory_space<hbm>>
        tpu.enqueue_indirect_dma source(%dma_start3A_23 : memref<10000x8xf32, #tpu.memory_space<hbm>>) target(%dma_start3A_17 : memref<125x8xf32, #tpu.memory_space<vmem>>) offsets(%dma_start3A_20 : memref<125xi32, #tpu.memory_space<vmem>>) semaphore(%arg7 : memref<!tpu.dma_semaphore, #tpu.memory_space<semaphore_mem>>)
      } else {
      }
      %ge3A = arith.constant 32 : i32
      %ge3A_11 = arith.cmpi sge, %scan3A_8, %ge3A : i32
      %convert_element_type3A_12 = arith.extui %ge3A_11 : i1 to i32
      %cond3A_13 = arith.constant 0 : i32
      %cond3A_14 = arith.cmpi ne, %convert_element_type3A_12, %cond3A_13 : i32
      scf.if %cond3A_14 {
        %sub3A = arith.constant 32 : i32
        %sub3A_15 = arith.subi %scan3A_8, %sub3A : i32
        %mul3A_16 = arith.constant 125 : i32
        %mul3A_17 = arith.muli %sub3A_15, %mul3A_16 : i32
        %dma_wait3A = arith.constant 0 : i32
        %dma_wait3A_18 = tpu.memref_slice %arg6[%mul3A_17, %dma_wait3A] : memref<10000x8xf32, #tpu.memory_space<vmem>> -> memref<125x8xf32, #tpu.memory_space<vmem>>
        %dma_wait3A_19 = arith.constant 0 : i32
        %dma_wait3A_20 = tpu.memref_slice %arg5[%sub3A_15, %dma_wait3A_19] : memref<80x125xi32, #tpu.memory_space<vmem>> -> memref<1x125xi32, #tpu.memory_space<vmem>>
        %dma_wait3A_21 = tpu.memref_squeeze %dma_wait3A_20 : memref<1x125xi32, #tpu.memory_space<vmem>> -> memref<125xi32, #tpu.memory_space<vmem>>
        %dma_wait3A_22 = arith.constant 0 : i32
        %dma_wait3A_23 = arith.constant 0 : i32
        %dma_wait3A_24 = tpu.memref_slice %arg2[%dma_wait3A_22, %dma_wait3A_23] : memref<10000x8xf32, #tpu.memory_space<hbm>> -> memref<10000x8xf32, #tpu.memory_space<hbm>>
        tpu.wait_indirect_dma semaphore(%arg7 : memref<!tpu.dma_semaphore, #tpu.memory_space<semaphore_mem>>) src(%dma_wait3A_24 : memref<10000x8xf32, #tpu.memory_space<hbm>>) dst(%dma_wait3A_18 : memref<125x8xf32, #tpu.memory_space<vmem>>)
      } else {
      }
    }
    %scan3A_7 = arith.constant 112 : i32
    "tpu.region"() ({
      %run_scoped3A = tpu.sem_alloc : memref<!tpu.dma_semaphore, #tpu.memory_space<semaphore_mem>>
      %dma_start3A = arith.constant 0 : i32
      %dma_start3A_8 = tpu.memref_slice %arg4[%mul3A_2, %dma_start3A] : memref<320000x8xf32, #tpu.memory_space<hbm>> -> memref<10000x8xf32, #tpu.memory_space<hbm>>
      %dma_start3A_9 = arith.constant 0 : i32
      %dma_start3A_10 = tpu.memref_slice %arg4[%mul3A_2, %dma_start3A_9] : memref<320000x8xf32, #tpu.memory_space<hbm>> -> memref<10000x8xf32, #tpu.memory_space<hbm>>
      tpu.enqueue_dma source(%arg6 : memref<10000x8xf32, #tpu.memory_space<vmem>>) target(%dma_start3A_10 : memref<10000x8xf32, #tpu.memory_space<hbm>>) target_semaphore(%run_scoped3A : memref<!tpu.dma_semaphore, #tpu.memory_space<semaphore_mem>>)
      %dma_wait3A = arith.constant 0 : i32
      %dma_wait3A_11 = tpu.memref_slice %arg4[%mul3A_2, %dma_wait3A] : memref<320000x8xf32, #tpu.memory_space<hbm>> -> memref<10000x8xf32, #tpu.memory_space<hbm>>
      %dma_wait3A_12 = arith.constant 0 : i32
      %dma_wait3A_13 = tpu.memref_slice %arg4[%mul3A_2, %dma_wait3A_12] : memref<320000x8xf32, #tpu.memory_space<hbm>> -> memref<10000x8xf32, #tpu.memory_space<hbm>>
      tpu.wait_dma2 semaphore(%run_scoped3A : memref<!tpu.dma_semaphore, #tpu.memory_space<semaphore_mem>>) src(%arg6 : memref<10000x8xf32, #tpu.memory_space<vmem>>) dst(%dma_wait3A_13 : memref<10000x8xf32, #tpu.memory_space<hbm>>)
      tpu.yield
    }) : () -> ()
    return
  }
}

#map = affine_map<(d0, d1) -> (0, 0)>
#map1 = affine_map<(d0, d1) -> (0, 0, 0)>
module attributes {stable_mosaic.version = 14 : i64} {
  func.func @_gather_body(%arg0: i32, %arg1: i32, %arg2: memref<10000x8xf32, #tpu.memory_space<hbm>>, %arg3: memref<32x80x125xi32, #tpu.memory_space<hbm>>, %arg4: memref<320000x8xf32, #tpu.memory_space<hbm>>, %arg5: memref<80x125xi32, #tpu.memory_space<vmem>>, %arg6: memref<10000x8xf32, #tpu.memory_space<vmem>>, %arg7: memref<!tpu.dma_semaphore, #tpu.memory_space<semaphore_mem>>, %arg8: memref<!tpu.dma_semaphore, #tpu.memory_space<semaphore_mem>>) attributes {dimension_semantics = [#tpu.dimension_semantics<core_parallel>, #tpu.dimension_semantics<subcore_parallel>], iteration_bounds = array<i64: 2, 16>, scalar_prefetch = 0 : i64, scratch_operands = 4 : i64, tpu.core_type = #tpu.core_type<sc_vector_subcore>, window_params = [{transform_indices = #map}, {transform_indices = #map1}, {transform_indices = #map}]} {
    %mul3A = arith.constant 2 : i32
    %mul3A_0 = arith.muli %arg1, %mul3A : i32
    %add3A = arith.addi %mul3A_0, %arg0 : i32
    %mul3A_1 = arith.constant 10000 : i32
    %mul3A_2 = arith.muli %add3A, %mul3A_1 : i32
    "tpu.region"() ({
      %run_scoped3A = tpu.sem_alloc : memref<!tpu.dma_semaphore, #tpu.memory_space<semaphore_mem>>
      %dma_start3A = arith.constant 0 : i32
      %dma_start3A_8 = arith.constant 0 : i32
      %dma_start3A_9 = tpu.memref_slice %arg3[%add3A, %dma_start3A, %dma_start3A_8] : memref<32x80x125xi32, #tpu.memory_space<hbm>> -> memref<1x80x125xi32, #tpu.memory_space<hbm>>
      %dma_start3A_10 = tpu.memref_squeeze %dma_start3A_9 : memref<1x80x125xi32, #tpu.memory_space<hbm>> -> memref<80x125xi32, #tpu.memory_space<hbm>>
      %dma_start3A_11 = arith.constant 0 : i32
      %dma_start3A_12 = arith.constant 0 : i32
      %dma_start3A_13 = tpu.memref_slice %arg3[%add3A, %dma_start3A_11, %dma_start3A_12] : memref<32x80x125xi32, #tpu.memory_space<hbm>> -> memref<1x80x125xi32, #tpu.memory_space<hbm>>
      %dma_start3A_14 = tpu.memref_squeeze %dma_start3A_13 : memref<1x80x125xi32, #tpu.memory_space<hbm>> -> memref<80x125xi32, #tpu.memory_space<hbm>>
      tpu.enqueue_dma source(%dma_start3A_14 : memref<80x125xi32, #tpu.memory_space<hbm>>) target(%arg5 : memref<80x125xi32, #tpu.memory_space<vmem>>) target_semaphore(%run_scoped3A : memref<!tpu.dma_semaphore, #tpu.memory_space<semaphore_mem>>)
      %dma_wait3A = arith.constant 0 : i32
      %dma_wait3A_15 = arith.constant 0 : i32
      %dma_wait3A_16 = tpu.memref_slice %arg3[%add3A, %dma_wait3A, %dma_wait3A_15] : memref<32x80x125xi32, #tpu.memory_space<hbm>> -> memref<1x80x125xi32, #tpu.memory_space<hbm>>
      %dma_wait3A_17 = tpu.memref_squeeze %dma_wait3A_16 : memref<1x80x125xi32, #tpu.memory_space<hbm>> -> memref<80x125xi32, #tpu.memory_space<hbm>>
      %dma_wait3A_18 = arith.constant 0 : i32
      %dma_wait3A_19 = arith.constant 0 : i32
      %dma_wait3A_20 = tpu.memref_slice %arg3[%add3A, %dma_wait3A_18, %dma_wait3A_19] : memref<32x80x125xi32, #tpu.memory_space<hbm>> -> memref<1x80x125xi32, #tpu.memory_space<hbm>>
      %dma_wait3A_21 = tpu.memref_squeeze %dma_wait3A_20 : memref<1x80x125xi32, #tpu.memory_space<hbm>> -> memref<80x125xi32, #tpu.memory_space<hbm>>
      tpu.wait_dma2 semaphore(%run_scoped3A : memref<!tpu.dma_semaphore, #tpu.memory_space<semaphore_mem>>) src(%dma_wait3A_21 : memref<80x125xi32, #tpu.memory_space<hbm>>) dst(%arg5 : memref<80x125xi32, #tpu.memory_space<vmem>>)
      tpu.yield
    }) : () -> ()
    %scan3A = arith.constant 0 : i32
    %scan3A_3 = arith.constant 0 : i32
    %scan3A_4 = arith.constant 112 : i32
    %scan3A_5 = arith.addi %scan3A_3, %scan3A_4 : i32
    %scan3A_6 = arith.constant 1 : i32
    scf.for %scan3A_8 = %scan3A_3 to %scan3A_5 step %scan3A_6  : i32 {
      %lt3A = arith.constant 80 : i32
      %lt3A_9 = arith.cmpi slt, %scan3A_8, %lt3A : i32
      %convert_element_type3A = arith.extui %lt3A_9 : i1 to i32
      %cond3A = arith.constant 0 : i32
      %cond3A_10 = arith.cmpi ne, %convert_element_type3A, %cond3A : i32
      scf.if %cond3A_10 {
        %mul3A_15 = arith.constant 125 : i32
        %mul3A_16 = arith.muli %scan3A_8, %mul3A_15 : i32
        %dma_start3A = arith.constant 0 : i32
        %dma_start3A_17 = tpu.memref_slice %arg6[%mul3A_16, %dma_start3A] : memref<10000x8xf32, #tpu.memory_space<vmem>> -> memref<125x8xf32, #tpu.memory_space<vmem>>
        %dma_start3A_18 = arith.constant 0 : i32
        %dma_start3A_19 = tpu.memref_slice %arg5[%scan3A_8, %dma_start3A_18] : memref<80x125xi32, #tpu.memory_space<vmem>> -> memref<1x125xi32, #tpu.memory_space<vmem>>
        %dma_start3A_20 = tpu.memref_squeeze %dma_start3A_19 : memref<1x125xi32, #tpu.memory_space<vmem>> -> memref<125xi32, #tpu.memory_space<vmem>>
        %dma_start3A_21 = arith.constant 0 : i32
        %dma_start3A_22 = arith.constant 0 : i32
        %dma_start3A_23 = tpu.memref_slice %arg2[%dma_start3A_21, %dma_start3A_22] : memref<10000x8xf32, #tpu.memory_space<hbm>> -> memref<10000x8xf32, #tpu.memory_space<hbm>>
        tpu.enqueue_indirect_dma source(%dma_start3A_23 : memref<10000x8xf32, #tpu.memory_space<hbm>>) target(%dma_start3A_17 : memref<125x8xf32, #tpu.memory_space<vmem>>) offsets(%dma_start3A_20 : memref<125xi32, #tpu.memory_space<vmem>>) semaphore(%arg7 : memref<!tpu.dma_semaphore, #tpu.memory_space<semaphore_mem>>)
      } else {
      }
      %ge3A = arith.constant 32 : i32
      %ge3A_11 = arith.cmpi sge, %scan3A_8, %ge3A : i32
      %convert_element_type3A_12 = arith.extui %ge3A_11 : i1 to i32
      %cond3A_13 = arith.constant 0 : i32
      %cond3A_14 = arith.cmpi ne, %convert_element_type3A_12, %cond3A_13 : i32
      scf.if %cond3A_14 {
        %sub3A = arith.constant 32 : i32
        %sub3A_15 = arith.subi %scan3A_8, %sub3A : i32
        %mul3A_16 = arith.constant 125 : i32
        %mul3A_17 = arith.muli %sub3A_15, %mul3A_16 : i32
        %dma_wait3A = arith.constant 0 : i32
        %dma_wait3A_18 = tpu.memref_slice %arg6[%mul3A_17, %dma_wait3A] : memref<10000x8xf32, #tpu.memory_space<vmem>> -> memref<125x8xf32, #tpu.memory_space<vmem>>
        %dma_wait3A_19 = arith.constant 0 : i32
        %dma_wait3A_20 = tpu.memref_slice %arg5[%sub3A_15, %dma_wait3A_19] : memref<80x125xi32, #tpu.memory_space<vmem>> -> memref<1x125xi32, #tpu.memory_space<vmem>>
        %dma_wait3A_21 = tpu.memref_squeeze %dma_wait3A_20 : memref<1x125xi32, #tpu.memory_space<vmem>> -> memref<125xi32, #tpu.memory_space<vmem>>
        %dma_wait3A_22 = arith.constant 0 : i32
        %dma_wait3A_23 = arith.constant 0 : i32
        %dma_wait3A_24 = tpu.memref_slice %arg2[%dma_wait3A_22, %dma_wait3A_23] : memref<10000x8xf32, #tpu.memory_space<hbm>> -> memref<10000x8xf32, #tpu.memory_space<hbm>>
        tpu.wait_indirect_dma semaphore(%arg7 : memref<!tpu.dma_semaphore, #tpu.memory_space<semaphore_mem>>) src(%dma_wait3A_24 : memref<10000x8xf32, #tpu.memory_space<hbm>>) dst(%dma_wait3A_18 : memref<125x8xf32, #tpu.memory_space<vmem>>)
      } else {
      }
    }
    %scan3A_7 = arith.constant 112 : i32
    "tpu.region"() ({
      %run_scoped3A = tpu.sem_alloc : memref<!tpu.dma_semaphore, #tpu.memory_space<semaphore_mem>>
      %dma_start3A = arith.constant 0 : i32
      %dma_start3A_8 = tpu.memref_slice %arg4[%mul3A_2, %dma_start3A] : memref<320000x8xf32, #tpu.memory_space<hbm>> -> memref<10000x8xf32, #tpu.memory_space<hbm>>
      %dma_start3A_9 = arith.constant 0 : i32
      %dma_start3A_10 = tpu.memref_slice %arg4[%mul3A_2, %dma_start3A_9] : memref<320000x8xf32, #tpu.memory_space<hbm>> -> memref<10000x8xf32, #tpu.memory_space<hbm>>
      tpu.enqueue_dma source(%arg6 : memref<10000x8xf32, #tpu.memory_space<vmem>>) target(%dma_start3A_10 : memref<10000x8xf32, #tpu.memory_space<hbm>>) target_semaphore(%run_scoped3A : memref<!tpu.dma_semaphore, #tpu.memory_space<semaphore_mem>>)
      %dma_wait3A = arith.constant 0 : i32
      %dma_wait3A_11 = tpu.memref_slice %arg4[%mul3A_2, %dma_wait3A] : memref<320000x8xf32, #tpu.memory_space<hbm>> -> memref<10000x8xf32, #tpu.memory_space<hbm>>
      %dma_wait3A_12 = arith.constant 0 : i32
      %dma_wait3A_13 = tpu.memref_slice %arg4[%mul3A_2, %dma_wait3A_12] : memref<320000x8xf32, #tpu.memory_space<hbm>> -> memref<10000x8xf32, #tpu.memory_space<hbm>>
      tpu.wait_dma2 semaphore(%run_scoped3A : memref<!tpu.dma_semaphore, #tpu.memory_space<semaphore_mem>>) src(%arg6 : memref<10000x8xf32, #tpu.memory_space<vmem>>) dst(%dma_wait3A_13 : memref<10000x8xf32, #tpu.memory_space<hbm>>)
      tpu.yield
    }) : () -> ()
    return
  }
}

#map = affine_map<(d0, d1) -> (0, 0)>
#map1 = affine_map<(d0, d1) -> (0, 0, 0)>
module attributes {stable_mosaic.version = 14 : i64} {
  func.func @_scatter_body(%arg0: i32, %arg1: i32, %arg2: memref<320000x8xf32, #tpu.memory_space<hbm>>, %arg3: memref<32x80x125xi32, #tpu.memory_space<hbm>>, %arg4: memref<10000x8xf32, #tpu.memory_space<hbm>>, %arg5: memref<2x10000x8xf32, #tpu.memory_space<hbm>>, %arg6: memref<80x125xi32, #tpu.memory_space<vmem>>, %arg7: memref<10000x8xf32, #tpu.memory_space<vmem>>, %arg8: memref<10000x8xf32, #tpu.memory_space<vmem_shared>>, %arg9: memref<!tpu.dma_semaphore, #tpu.memory_space<semaphore_mem>>, %arg10: memref<!tpu.dma_semaphore, #tpu.memory_space<semaphore_mem>>) attributes {dimension_semantics = [#tpu.dimension_semantics<core_parallel>, #tpu.dimension_semantics<subcore_parallel>], iteration_bounds = array<i64: 2, 16>, scalar_prefetch = 0 : i64, scratch_operands = 5 : i64, tpu.core_type = #tpu.core_type<sc_vector_subcore>, window_params = [{transform_indices = #map}, {transform_indices = #map1}, {transform_indices = #map}, {transform_indices = #map1}]} {
    %mul3A = arith.constant 2 : i32
    %mul3A_0 = arith.muli %arg1, %mul3A : i32
    %add3A = arith.addi %mul3A_0, %arg0 : i32
    %mul3A_1 = arith.constant 10000 : i32
    %mul3A_2 = arith.muli %add3A, %mul3A_1 : i32
    %mul3A_3 = arith.constant 625 : i32
    %mul3A_4 = arith.muli %arg1, %mul3A_3 : i32
    %mul3A_5 = arith.constant 625 : i32
    %mul3A_6 = arith.muli %arg1, %mul3A_5 : i32
    "tpu.region"() ({
      %run_scoped3A = tpu.sem_alloc : memref<!tpu.dma_semaphore, #tpu.memory_space<semaphore_mem>>
      %dma_start3A_23 = arith.constant 0 : i32
      %dma_start3A_24 = tpu.memref_slice %arg8[%mul3A_6, %dma_start3A_23] : memref<10000x8xf32, #tpu.memory_space<vmem_shared>> -> memref<625x8xf32, #tpu.memory_space<vmem_shared>>
      %dma_start3A_25 = arith.constant 0 : i32
      %dma_start3A_26 = tpu.memref_slice %arg4[%mul3A_4, %dma_start3A_25] : memref<10000x8xf32, #tpu.memory_space<hbm>> -> memref<625x8xf32, #tpu.memory_space<hbm>>
      tpu.enqueue_dma source(%dma_start3A_26 : memref<625x8xf32, #tpu.memory_space<hbm>>) target(%dma_start3A_24 : memref<625x8xf32, #tpu.memory_space<vmem_shared>>) target_semaphore(%run_scoped3A : memref<!tpu.dma_semaphore, #tpu.memory_space<semaphore_mem>>)
      %dma_wait3A_27 = arith.constant 0 : i32
      %dma_wait3A_28 = tpu.memref_slice %arg8[%mul3A_6, %dma_wait3A_27] : memref<10000x8xf32, #tpu.memory_space<vmem_shared>> -> memref<625x8xf32, #tpu.memory_space<vmem_shared>>
      %dma_wait3A_29 = arith.constant 0 : i32
      %dma_wait3A_30 = tpu.memref_slice %arg4[%mul3A_4, %dma_wait3A_29] : memref<10000x8xf32, #tpu.memory_space<hbm>> -> memref<625x8xf32, #tpu.memory_space<hbm>>
      tpu.wait_dma2 semaphore(%run_scoped3A : memref<!tpu.dma_semaphore, #tpu.memory_space<semaphore_mem>>) src(%dma_wait3A_30 : memref<625x8xf32, #tpu.memory_space<hbm>>) dst(%dma_wait3A_28 : memref<625x8xf32, #tpu.memory_space<vmem_shared>>)
      tpu.yield
    }) : () -> ()
    %dma_start3A = arith.constant 0 : i32
    %dma_start3A_7 = tpu.memref_slice %arg2[%mul3A_2, %dma_start3A] : memref<320000x8xf32, #tpu.memory_space<hbm>> -> memref<10000x8xf32, #tpu.memory_space<hbm>>
    %dma_start3A_8 = arith.constant 0 : i32
    %dma_start3A_9 = tpu.memref_slice %arg2[%mul3A_2, %dma_start3A_8] : memref<320000x8xf32, #tpu.memory_space<hbm>> -> memref<10000x8xf32, #tpu.memory_space<hbm>>
    tpu.enqueue_dma source(%dma_start3A_9 : memref<10000x8xf32, #tpu.memory_space<hbm>>) target(%arg7 : memref<10000x8xf32, #tpu.memory_space<vmem>>) target_semaphore(%arg9 : memref<!tpu.dma_semaphore, #tpu.memory_space<semaphore_mem>>)
    "tpu.region"() ({
      %run_scoped3A = tpu.sem_alloc : memref<!tpu.dma_semaphore, #tpu.memory_space<semaphore_mem>>
      %dma_start3A_23 = arith.constant 0 : i32
      %dma_start3A_24 = arith.constant 0 : i32
      %dma_start3A_25 = tpu.memref_slice %arg3[%add3A, %dma_start3A_23, %dma_start3A_24] : memref<32x80x125xi32, #tpu.memory_space<hbm>> -> memref<1x80x125xi32, #tpu.memory_space<hbm>>
      %dma_start3A_26 = tpu.memref_squeeze %dma_start3A_25 : memref<1x80x125xi32, #tpu.memory_space<hbm>> -> memref<80x125xi32, #tpu.memory_space<hbm>>
      %dma_start3A_27 = arith.constant 0 : i32
      %dma_start3A_28 = arith.constant 0 : i32
      %dma_start3A_29 = tpu.memref_slice %arg3[%add3A, %dma_start3A_27, %dma_start3A_28] : memref<32x80x125xi32, #tpu.memory_space<hbm>> -> memref<1x80x125xi32, #tpu.memory_space<hbm>>
      %dma_start3A_30 = tpu.memref_squeeze %dma_start3A_29 : memref<1x80x125xi32, #tpu.memory_space<hbm>> -> memref<80x125xi32, #tpu.memory_space<hbm>>
      tpu.enqueue_dma source(%dma_start3A_30 : memref<80x125xi32, #tpu.memory_space<hbm>>) target(%arg6 : memref<80x125xi32, #tpu.memory_space<vmem>>) target_semaphore(%run_scoped3A : memref<!tpu.dma_semaphore, #tpu.memory_space<semaphore_mem>>)
      %dma_wait3A_31 = arith.constant 0 : i32
      %dma_wait3A_32 = arith.constant 0 : i32
      %dma_wait3A_33 = tpu.memref_slice %arg3[%add3A, %dma_wait3A_31, %dma_wait3A_32] : memref<32x80x125xi32, #tpu.memory_space<hbm>> -> memref<1x80x125xi32, #tpu.memory_space<hbm>>
      %dma_wait3A_34 = tpu.memref_squeeze %dma_wait3A_33 : memref<1x80x125xi32, #tpu.memory_space<hbm>> -> memref<80x125xi32, #tpu.memory_space<hbm>>
      %dma_wait3A_35 = arith.constant 0 : i32
      %dma_wait3A_36 = arith.constant 0 : i32
      %dma_wait3A_37 = tpu.memref_slice %arg3[%add3A, %dma_wait3A_35, %dma_wait3A_36] : memref<32x80x125xi32, #tpu.memory_space<hbm>> -> memref<1x80x125xi32, #tpu.memory_space<hbm>>
      %dma_wait3A_38 = tpu.memref_squeeze %dma_wait3A_37 : memref<1x80x125xi32, #tpu.memory_space<hbm>> -> memref<80x125xi32, #tpu.memory_space<hbm>>
      tpu.wait_dma2 semaphore(%run_scoped3A : memref<!tpu.dma_semaphore, #tpu.memory_space<semaphore_mem>>) src(%dma_wait3A_38 : memref<80x125xi32, #tpu.memory_space<hbm>>) dst(%arg6 : memref<80x125xi32, #tpu.memory_space<vmem>>)
      tpu.yield
    }) : () -> ()
    %barrier3A = arith.constant 0 : index
    tpu.barrier barrier_id(%barrier3A)
    %dma_wait3A = arith.constant 0 : i32
    %dma_wait3A_10 = tpu.memref_slice %arg2[%mul3A_2, %dma_wait3A] : memref<320000x8xf32, #tpu.memory_space<hbm>> -> memref<10000x8xf32, #tpu.memory_space<hbm>>
    %dma_wait3A_11 = arith.constant 0 : i32
    %dma_wait3A_12 = tpu.memref_slice %arg2[%mul3A_2, %dma_wait3A_11] : memref<320000x8xf32, #tpu.memory_space<hbm>> -> memref<10000x8xf32, #tpu.memory_space<hbm>>
    tpu.wait_dma2 semaphore(%arg9 : memref<!tpu.dma_semaphore, #tpu.memory_space<semaphore_mem>>) src(%dma_wait3A_12 : memref<10000x8xf32, #tpu.memory_space<hbm>>) dst(%arg7 : memref<10000x8xf32, #tpu.memory_space<vmem>>)
    %scan3A = arith.constant 0 : i32
    %scan3A_13 = arith.constant 0 : i32
    %scan3A_14 = arith.constant 112 : i32
    %scan3A_15 = arith.addi %scan3A_13, %scan3A_14 : i32
    %scan3A_16 = arith.constant 1 : i32
    scf.for %scan3A_23 = %scan3A_13 to %scan3A_15 step %scan3A_16  : i32 {
      %lt3A = arith.constant 80 : i32
      %lt3A_24 = arith.cmpi slt, %scan3A_23, %lt3A : i32
      %convert_element_type3A = arith.extui %lt3A_24 : i1 to i32
      %cond3A = arith.constant 0 : i32
      %cond3A_25 = arith.cmpi ne, %convert_element_type3A, %cond3A : i32
      scf.if %cond3A_25 {
        %mul3A_30 = arith.constant 125 : i32
        %mul3A_31 = arith.muli %scan3A_23, %mul3A_30 : i32
        %dma_start3A_32 = arith.constant 0 : i32
        %dma_start3A_33 = tpu.memref_slice %arg7[%mul3A_31, %dma_start3A_32] : memref<10000x8xf32, #tpu.memory_space<vmem>> -> memref<125x8xf32, #tpu.memory_space<vmem>>
        %dma_start3A_34 = arith.constant 0 : i32
        %dma_start3A_35 = tpu.memref_slice %arg6[%scan3A_23, %dma_start3A_34] : memref<80x125xi32, #tpu.memory_space<vmem>> -> memref<1x125xi32, #tpu.memory_space<vmem>>
        %dma_start3A_36 = tpu.memref_squeeze %dma_start3A_35 : memref<1x125xi32, #tpu.memory_space<vmem>> -> memref<125xi32, #tpu.memory_space<vmem>>
        %dma_start3A_37 = arith.constant 0 : i32
        %dma_start3A_38 = arith.constant 0 : i32
        %dma_start3A_39 = tpu.memref_slice %arg8[%dma_start3A_37, %dma_start3A_38] : memref<10000x8xf32, #tpu.memory_space<vmem_shared>> -> memref<10000x8xf32, #tpu.memory_space<vmem_shared>>
        tpu.enqueue_indirect_dma source(%dma_start3A_33 : memref<125x8xf32, #tpu.memory_space<vmem>>) target(%dma_start3A_39 : memref<10000x8xf32, #tpu.memory_space<vmem_shared>>) offsets(%dma_start3A_36 : memref<125xi32, #tpu.memory_space<vmem>>) semaphore(%arg10 : memref<!tpu.dma_semaphore, #tpu.memory_space<semaphore_mem>>) {add = true}
      } else {
      }
      %ge3A = arith.constant 32 : i32
      %ge3A_26 = arith.cmpi sge, %scan3A_23, %ge3A : i32
      %convert_element_type3A_27 = arith.extui %ge3A_26 : i1 to i32
      %cond3A_28 = arith.constant 0 : i32
      %cond3A_29 = arith.cmpi ne, %convert_element_type3A_27, %cond3A_28 : i32
      scf.if %cond3A_29 {
        %sub3A = arith.constant 32 : i32
        %sub3A_30 = arith.subi %scan3A_23, %sub3A : i32
        %mul3A_31 = arith.constant 125 : i32
        %mul3A_32 = arith.muli %sub3A_30, %mul3A_31 : i32
        %dma_wait3A_33 = arith.constant 0 : i32
        %dma_wait3A_34 = tpu.memref_slice %arg7[%mul3A_32, %dma_wait3A_33] : memref<10000x8xf32, #tpu.memory_space<vmem>> -> memref<125x8xf32, #tpu.memory_space<vmem>>
        %dma_wait3A_35 = arith.constant 0 : i32
        %dma_wait3A_36 = tpu.memref_slice %arg6[%sub3A_30, %dma_wait3A_35] : memref<80x125xi32, #tpu.memory_space<vmem>> -> memref<1x125xi32, #tpu.memory_space<vmem>>
        %dma_wait3A_37 = tpu.memref_squeeze %dma_wait3A_36 : memref<1x125xi32, #tpu.memory_space<vmem>> -> memref<125xi32, #tpu.memory_space<vmem>>
        %dma_wait3A_38 = arith.constant 0 : i32
        %dma_wait3A_39 = arith.constant 0 : i32
        %dma_wait3A_40 = tpu.memref_slice %arg8[%dma_wait3A_38, %dma_wait3A_39] : memref<10000x8xf32, #tpu.memory_space<vmem_shared>> -> memref<10000x8xf32, #tpu.memory_space<vmem_shared>>
        tpu.wait_indirect_dma semaphore(%arg10 : memref<!tpu.dma_semaphore, #tpu.memory_space<semaphore_mem>>) src(%dma_wait3A_34 : memref<125x8xf32, #tpu.memory_space<vmem>>) dst(%dma_wait3A_40 : memref<10000x8xf32, #tpu.memory_space<vmem_shared>>)
      } else {
      }
    }
    %scan3A_17 = arith.constant 112 : i32
    %barrier3A_18 = arith.constant 0 : index
    tpu.barrier barrier_id(%barrier3A_18)
    %mul3A_19 = arith.constant 625 : i32
    %mul3A_20 = arith.muli %arg1, %mul3A_19 : i32
    %mul3A_21 = arith.constant 625 : i32
    %mul3A_22 = arith.muli %arg1, %mul3A_21 : i32
    "tpu.region"() ({
      %run_scoped3A = tpu.sem_alloc : memref<!tpu.dma_semaphore, #tpu.memory_space<semaphore_mem>>
      %dma_start3A_23 = arith.constant 0 : i32
      %dma_start3A_24 = tpu.memref_slice %arg5[%arg0, %mul3A_22, %dma_start3A_23] : memref<2x10000x8xf32, #tpu.memory_space<hbm>> -> memref<1x625x8xf32, #tpu.memory_space<hbm>>
      %dma_start3A_25 = tpu.memref_squeeze %dma_start3A_24 : memref<1x625x8xf32, #tpu.memory_space<hbm>> -> memref<625x8xf32, #tpu.memory_space<hbm>>
      %dma_start3A_26 = arith.constant 0 : i32
      %dma_start3A_27 = tpu.memref_slice %arg8[%mul3A_20, %dma_start3A_26] : memref<10000x8xf32, #tpu.memory_space<vmem_shared>> -> memref<625x8xf32, #tpu.memory_space<vmem_shared>>
      tpu.enqueue_dma source(%dma_start3A_27 : memref<625x8xf32, #tpu.memory_space<vmem_shared>>) target(%dma_start3A_25 : memref<625x8xf32, #tpu.memory_space<hbm>>) target_semaphore(%run_scoped3A : memref<!tpu.dma_semaphore, #tpu.memory_space<semaphore_mem>>)
      %dma_wait3A_28 = arith.constant 0 : i32
      %dma_wait3A_29 = tpu.memref_slice %arg5[%arg0, %mul3A_22, %dma_wait3A_28] : memref<2x10000x8xf32, #tpu.memory_space<hbm>> -> memref<1x625x8xf32, #tpu.memory_space<hbm>>
      %dma_wait3A_30 = tpu.memref_squeeze %dma_wait3A_29 : memref<1x625x8xf32, #tpu.memory_space<hbm>> -> memref<625x8xf32, #tpu.memory_space<hbm>>
      %dma_wait3A_31 = arith.constant 0 : i32
      %dma_wait3A_32 = tpu.memref_slice %arg8[%mul3A_20, %dma_wait3A_31] : memref<10000x8xf32, #tpu.memory_space<vmem_shared>> -> memref<625x8xf32, #tpu.memory_space<vmem_shared>>
      tpu.wait_dma2 semaphore(%run_scoped3A : memref<!tpu.dma_semaphore, #tpu.memory_space<semaphore_mem>>) src(%dma_wait3A_32 : memref<625x8xf32, #tpu.memory_space<vmem_shared>>) dst(%dma_wait3A_30 : memref<625x8xf32, #tpu.memory_space<hbm>>)
      tpu.yield
    }) : () -> ()
    return
  }
}

#map = affine_map<(d0, d1) -> (0, 0)>
#map1 = affine_map<(d0, d1) -> (0, 0, 0)>
module attributes {stable_mosaic.version = 14 : i64} {
  func.func @_gather_body(%arg0: i32, %arg1: i32, %arg2: memref<10000x8xf32, #tpu.memory_space<hbm>>, %arg3: memref<32x80x125xi32, #tpu.memory_space<hbm>>, %arg4: memref<320000x8xf32, #tpu.memory_space<hbm>>, %arg5: memref<80x125xi32, #tpu.memory_space<vmem>>, %arg6: memref<10000x8xf32, #tpu.memory_space<vmem>>, %arg7: memref<!tpu.dma_semaphore, #tpu.memory_space<semaphore_mem>>, %arg8: memref<!tpu.dma_semaphore, #tpu.memory_space<semaphore_mem>>) attributes {dimension_semantics = [#tpu.dimension_semantics<core_parallel>, #tpu.dimension_semantics<subcore_parallel>], iteration_bounds = array<i64: 2, 16>, scalar_prefetch = 0 : i64, scratch_operands = 4 : i64, tpu.core_type = #tpu.core_type<sc_vector_subcore>, window_params = [{transform_indices = #map}, {transform_indices = #map1}, {transform_indices = #map}]} {
    %mul3A = arith.constant 2 : i32
    %mul3A_0 = arith.muli %arg1, %mul3A : i32
    %add3A = arith.addi %mul3A_0, %arg0 : i32
    %mul3A_1 = arith.constant 10000 : i32
    %mul3A_2 = arith.muli %add3A, %mul3A_1 : i32
    "tpu.region"() ({
      %run_scoped3A = tpu.sem_alloc : memref<!tpu.dma_semaphore, #tpu.memory_space<semaphore_mem>>
      %dma_start3A = arith.constant 0 : i32
      %dma_start3A_8 = arith.constant 0 : i32
      %dma_start3A_9 = tpu.memref_slice %arg3[%add3A, %dma_start3A, %dma_start3A_8] : memref<32x80x125xi32, #tpu.memory_space<hbm>> -> memref<1x80x125xi32, #tpu.memory_space<hbm>>
      %dma_start3A_10 = tpu.memref_squeeze %dma_start3A_9 : memref<1x80x125xi32, #tpu.memory_space<hbm>> -> memref<80x125xi32, #tpu.memory_space<hbm>>
      %dma_start3A_11 = arith.constant 0 : i32
      %dma_start3A_12 = arith.constant 0 : i32
      %dma_start3A_13 = tpu.memref_slice %arg3[%add3A, %dma_start3A_11, %dma_start3A_12] : memref<32x80x125xi32, #tpu.memory_space<hbm>> -> memref<1x80x125xi32, #tpu.memory_space<hbm>>
      %dma_start3A_14 = tpu.memref_squeeze %dma_start3A_13 : memref<1x80x125xi32, #tpu.memory_space<hbm>> -> memref<80x125xi32, #tpu.memory_space<hbm>>
      tpu.enqueue_dma source(%dma_start3A_14 : memref<80x125xi32, #tpu.memory_space<hbm>>) target(%arg5 : memref<80x125xi32, #tpu.memory_space<vmem>>) target_semaphore(%run_scoped3A : memref<!tpu.dma_semaphore, #tpu.memory_space<semaphore_mem>>)
      %dma_wait3A = arith.constant 0 : i32
      %dma_wait3A_15 = arith.constant 0 : i32
      %dma_wait3A_16 = tpu.memref_slice %arg3[%add3A, %dma_wait3A, %dma_wait3A_15] : memref<32x80x125xi32, #tpu.memory_space<hbm>> -> memref<1x80x125xi32, #tpu.memory_space<hbm>>
      %dma_wait3A_17 = tpu.memref_squeeze %dma_wait3A_16 : memref<1x80x125xi32, #tpu.memory_space<hbm>> -> memref<80x125xi32, #tpu.memory_space<hbm>>
      %dma_wait3A_18 = arith.constant 0 : i32
      %dma_wait3A_19 = arith.constant 0 : i32
      %dma_wait3A_20 = tpu.memref_slice %arg3[%add3A, %dma_wait3A_18, %dma_wait3A_19] : memref<32x80x125xi32, #tpu.memory_space<hbm>> -> memref<1x80x125xi32, #tpu.memory_space<hbm>>
      %dma_wait3A_21 = tpu.memref_squeeze %dma_wait3A_20 : memref<1x80x125xi32, #tpu.memory_space<hbm>> -> memref<80x125xi32, #tpu.memory_space<hbm>>
      tpu.wait_dma2 semaphore(%run_scoped3A : memref<!tpu.dma_semaphore, #tpu.memory_space<semaphore_mem>>) src(%dma_wait3A_21 : memref<80x125xi32, #tpu.memory_space<hbm>>) dst(%arg5 : memref<80x125xi32, #tpu.memory_space<vmem>>)
      tpu.yield
    }) : () -> ()
    %scan3A = arith.constant 0 : i32
    %scan3A_3 = arith.constant 0 : i32
    %scan3A_4 = arith.constant 112 : i32
    %scan3A_5 = arith.addi %scan3A_3, %scan3A_4 : i32
    %scan3A_6 = arith.constant 1 : i32
    scf.for %scan3A_8 = %scan3A_3 to %scan3A_5 step %scan3A_6  : i32 {
      %lt3A = arith.constant 80 : i32
      %lt3A_9 = arith.cmpi slt, %scan3A_8, %lt3A : i32
      %convert_element_type3A = arith.extui %lt3A_9 : i1 to i32
      %cond3A = arith.constant 0 : i32
      %cond3A_10 = arith.cmpi ne, %convert_element_type3A, %cond3A : i32
      scf.if %cond3A_10 {
        %mul3A_15 = arith.constant 125 : i32
        %mul3A_16 = arith.muli %scan3A_8, %mul3A_15 : i32
        %dma_start3A = arith.constant 0 : i32
        %dma_start3A_17 = tpu.memref_slice %arg6[%mul3A_16, %dma_start3A] : memref<10000x8xf32, #tpu.memory_space<vmem>> -> memref<125x8xf32, #tpu.memory_space<vmem>>
        %dma_start3A_18 = arith.constant 0 : i32
        %dma_start3A_19 = tpu.memref_slice %arg5[%scan3A_8, %dma_start3A_18] : memref<80x125xi32, #tpu.memory_space<vmem>> -> memref<1x125xi32, #tpu.memory_space<vmem>>
        %dma_start3A_20 = tpu.memref_squeeze %dma_start3A_19 : memref<1x125xi32, #tpu.memory_space<vmem>> -> memref<125xi32, #tpu.memory_space<vmem>>
        %dma_start3A_21 = arith.constant 0 : i32
        %dma_start3A_22 = arith.constant 0 : i32
        %dma_start3A_23 = tpu.memref_slice %arg2[%dma_start3A_21, %dma_start3A_22] : memref<10000x8xf32, #tpu.memory_space<hbm>> -> memref<10000x8xf32, #tpu.memory_space<hbm>>
        tpu.enqueue_indirect_dma source(%dma_start3A_23 : memref<10000x8xf32, #tpu.memory_space<hbm>>) target(%dma_start3A_17 : memref<125x8xf32, #tpu.memory_space<vmem>>) offsets(%dma_start3A_20 : memref<125xi32, #tpu.memory_space<vmem>>) semaphore(%arg7 : memref<!tpu.dma_semaphore, #tpu.memory_space<semaphore_mem>>)
      } else {
      }
      %ge3A = arith.constant 32 : i32
      %ge3A_11 = arith.cmpi sge, %scan3A_8, %ge3A : i32
      %convert_element_type3A_12 = arith.extui %ge3A_11 : i1 to i32
      %cond3A_13 = arith.constant 0 : i32
      %cond3A_14 = arith.cmpi ne, %convert_element_type3A_12, %cond3A_13 : i32
      scf.if %cond3A_14 {
        %sub3A = arith.constant 32 : i32
        %sub3A_15 = arith.subi %scan3A_8, %sub3A : i32
        %mul3A_16 = arith.constant 125 : i32
        %mul3A_17 = arith.muli %sub3A_15, %mul3A_16 : i32
        %dma_wait3A = arith.constant 0 : i32
        %dma_wait3A_18 = tpu.memref_slice %arg6[%mul3A_17, %dma_wait3A] : memref<10000x8xf32, #tpu.memory_space<vmem>> -> memref<125x8xf32, #tpu.memory_space<vmem>>
        %dma_wait3A_19 = arith.constant 0 : i32
        %dma_wait3A_20 = tpu.memref_slice %arg5[%sub3A_15, %dma_wait3A_19] : memref<80x125xi32, #tpu.memory_space<vmem>> -> memref<1x125xi32, #tpu.memory_space<vmem>>
        %dma_wait3A_21 = tpu.memref_squeeze %dma_wait3A_20 : memref<1x125xi32, #tpu.memory_space<vmem>> -> memref<125xi32, #tpu.memory_space<vmem>>
        %dma_wait3A_22 = arith.constant 0 : i32
        %dma_wait3A_23 = arith.constant 0 : i32
        %dma_wait3A_24 = tpu.memref_slice %arg2[%dma_wait3A_22, %dma_wait3A_23] : memref<10000x8xf32, #tpu.memory_space<hbm>> -> memref<10000x8xf32, #tpu.memory_space<hbm>>
        tpu.wait_indirect_dma semaphore(%arg7 : memref<!tpu.dma_semaphore, #tpu.memory_space<semaphore_mem>>) src(%dma_wait3A_24 : memref<10000x8xf32, #tpu.memory_space<hbm>>) dst(%dma_wait3A_18 : memref<125x8xf32, #tpu.memory_space<vmem>>)
      } else {
      }
    }
    %scan3A_7 = arith.constant 112 : i32
    "tpu.region"() ({
      %run_scoped3A = tpu.sem_alloc : memref<!tpu.dma_semaphore, #tpu.memory_space<semaphore_mem>>
      %dma_start3A = arith.constant 0 : i32
      %dma_start3A_8 = tpu.memref_slice %arg4[%mul3A_2, %dma_start3A] : memref<320000x8xf32, #tpu.memory_space<hbm>> -> memref<10000x8xf32, #tpu.memory_space<hbm>>
      %dma_start3A_9 = arith.constant 0 : i32
      %dma_start3A_10 = tpu.memref_slice %arg4[%mul3A_2, %dma_start3A_9] : memref<320000x8xf32, #tpu.memory_space<hbm>> -> memref<10000x8xf32, #tpu.memory_space<hbm>>
      tpu.enqueue_dma source(%arg6 : memref<10000x8xf32, #tpu.memory_space<vmem>>) target(%dma_start3A_10 : memref<10000x8xf32, #tpu.memory_space<hbm>>) target_semaphore(%run_scoped3A : memref<!tpu.dma_semaphore, #tpu.memory_space<semaphore_mem>>)
      %dma_wait3A = arith.constant 0 : i32
      %dma_wait3A_11 = tpu.memref_slice %arg4[%mul3A_2, %dma_wait3A] : memref<320000x8xf32, #tpu.memory_space<hbm>> -> memref<10000x8xf32, #tpu.memory_space<hbm>>
      %dma_wait3A_12 = arith.constant 0 : i32
      %dma_wait3A_13 = tpu.memref_slice %arg4[%mul3A_2, %dma_wait3A_12] : memref<320000x8xf32, #tpu.memory_space<hbm>> -> memref<10000x8xf32, #tpu.memory_space<hbm>>
      tpu.wait_dma2 semaphore(%run_scoped3A : memref<!tpu.dma_semaphore, #tpu.memory_space<semaphore_mem>>) src(%arg6 : memref<10000x8xf32, #tpu.memory_space<vmem>>) dst(%dma_wait3A_13 : memref<10000x8xf32, #tpu.memory_space<hbm>>)
      tpu.yield
    }) : () -> ()
    return
  }
}

#map = affine_map<(d0, d1) -> (0, 0)>
#map1 = affine_map<(d0, d1) -> (0, 0, 0)>
module attributes {stable_mosaic.version = 14 : i64} {
  func.func @_scatter_body(%arg0: i32, %arg1: i32, %arg2: memref<320000x8xf32, #tpu.memory_space<hbm>>, %arg3: memref<32x80x125xi32, #tpu.memory_space<hbm>>, %arg4: memref<10000x8xf32, #tpu.memory_space<hbm>>, %arg5: memref<2x10000x8xf32, #tpu.memory_space<hbm>>, %arg6: memref<80x125xi32, #tpu.memory_space<vmem>>, %arg7: memref<10000x8xf32, #tpu.memory_space<vmem>>, %arg8: memref<10000x8xf32, #tpu.memory_space<vmem_shared>>, %arg9: memref<!tpu.dma_semaphore, #tpu.memory_space<semaphore_mem>>, %arg10: memref<!tpu.dma_semaphore, #tpu.memory_space<semaphore_mem>>) attributes {dimension_semantics = [#tpu.dimension_semantics<core_parallel>, #tpu.dimension_semantics<subcore_parallel>], iteration_bounds = array<i64: 2, 16>, scalar_prefetch = 0 : i64, scratch_operands = 5 : i64, tpu.core_type = #tpu.core_type<sc_vector_subcore>, window_params = [{transform_indices = #map}, {transform_indices = #map1}, {transform_indices = #map}, {transform_indices = #map1}]} {
    %mul3A = arith.constant 2 : i32
    %mul3A_0 = arith.muli %arg1, %mul3A : i32
    %add3A = arith.addi %mul3A_0, %arg0 : i32
    %mul3A_1 = arith.constant 10000 : i32
    %mul3A_2 = arith.muli %add3A, %mul3A_1 : i32
    %mul3A_3 = arith.constant 625 : i32
    %mul3A_4 = arith.muli %arg1, %mul3A_3 : i32
    %mul3A_5 = arith.constant 625 : i32
    %mul3A_6 = arith.muli %arg1, %mul3A_5 : i32
    "tpu.region"() ({
      %run_scoped3A = tpu.sem_alloc : memref<!tpu.dma_semaphore, #tpu.memory_space<semaphore_mem>>
      %dma_start3A_23 = arith.constant 0 : i32
      %dma_start3A_24 = tpu.memref_slice %arg8[%mul3A_6, %dma_start3A_23] : memref<10000x8xf32, #tpu.memory_space<vmem_shared>> -> memref<625x8xf32, #tpu.memory_space<vmem_shared>>
      %dma_start3A_25 = arith.constant 0 : i32
      %dma_start3A_26 = tpu.memref_slice %arg4[%mul3A_4, %dma_start3A_25] : memref<10000x8xf32, #tpu.memory_space<hbm>> -> memref<625x8xf32, #tpu.memory_space<hbm>>
      tpu.enqueue_dma source(%dma_start3A_26 : memref<625x8xf32, #tpu.memory_space<hbm>>) target(%dma_start3A_24 : memref<625x8xf32, #tpu.memory_space<vmem_shared>>) target_semaphore(%run_scoped3A : memref<!tpu.dma_semaphore, #tpu.memory_space<semaphore_mem>>)
      %dma_wait3A_27 = arith.constant 0 : i32
      %dma_wait3A_28 = tpu.memref_slice %arg8[%mul3A_6, %dma_wait3A_27] : memref<10000x8xf32, #tpu.memory_space<vmem_shared>> -> memref<625x8xf32, #tpu.memory_space<vmem_shared>>
      %dma_wait3A_29 = arith.constant 0 : i32
      %dma_wait3A_30 = tpu.memref_slice %arg4[%mul3A_4, %dma_wait3A_29] : memref<10000x8xf32, #tpu.memory_space<hbm>> -> memref<625x8xf32, #tpu.memory_space<hbm>>
      tpu.wait_dma2 semaphore(%run_scoped3A : memref<!tpu.dma_semaphore, #tpu.memory_space<semaphore_mem>>) src(%dma_wait3A_30 : memref<625x8xf32, #tpu.memory_space<hbm>>) dst(%dma_wait3A_28 : memref<625x8xf32, #tpu.memory_space<vmem_shared>>)
      tpu.yield
    }) : () -> ()
    %dma_start3A = arith.constant 0 : i32
    %dma_start3A_7 = tpu.memref_slice %arg2[%mul3A_2, %dma_start3A] : memref<320000x8xf32, #tpu.memory_space<hbm>> -> memref<10000x8xf32, #tpu.memory_space<hbm>>
    %dma_start3A_8 = arith.constant 0 : i32
    %dma_start3A_9 = tpu.memref_slice %arg2[%mul3A_2, %dma_start3A_8] : memref<320000x8xf32, #tpu.memory_space<hbm>> -> memref<10000x8xf32, #tpu.memory_space<hbm>>
    tpu.enqueue_dma source(%dma_start3A_9 : memref<10000x8xf32, #tpu.memory_space<hbm>>) target(%arg7 : memref<10000x8xf32, #tpu.memory_space<vmem>>) target_semaphore(%arg9 : memref<!tpu.dma_semaphore, #tpu.memory_space<semaphore_mem>>)
    "tpu.region"() ({
      %run_scoped3A = tpu.sem_alloc : memref<!tpu.dma_semaphore, #tpu.memory_space<semaphore_mem>>
      %dma_start3A_23 = arith.constant 0 : i32
      %dma_start3A_24 = arith.constant 0 : i32
      %dma_start3A_25 = tpu.memref_slice %arg3[%add3A, %dma_start3A_23, %dma_start3A_24] : memref<32x80x125xi32, #tpu.memory_space<hbm>> -> memref<1x80x125xi32, #tpu.memory_space<hbm>>
      %dma_start3A_26 = tpu.memref_squeeze %dma_start3A_25 : memref<1x80x125xi32, #tpu.memory_space<hbm>> -> memref<80x125xi32, #tpu.memory_space<hbm>>
      %dma_start3A_27 = arith.constant 0 : i32
      %dma_start3A_28 = arith.constant 0 : i32
      %dma_start3A_29 = tpu.memref_slice %arg3[%add3A, %dma_start3A_27, %dma_start3A_28] : memref<32x80x125xi32, #tpu.memory_space<hbm>> -> memref<1x80x125xi32, #tpu.memory_space<hbm>>
      %dma_start3A_30 = tpu.memref_squeeze %dma_start3A_29 : memref<1x80x125xi32, #tpu.memory_space<hbm>> -> memref<80x125xi32, #tpu.memory_space<hbm>>
      tpu.enqueue_dma source(%dma_start3A_30 : memref<80x125xi32, #tpu.memory_space<hbm>>) target(%arg6 : memref<80x125xi32, #tpu.memory_space<vmem>>) target_semaphore(%run_scoped3A : memref<!tpu.dma_semaphore, #tpu.memory_space<semaphore_mem>>)
      %dma_wait3A_31 = arith.constant 0 : i32
      %dma_wait3A_32 = arith.constant 0 : i32
      %dma_wait3A_33 = tpu.memref_slice %arg3[%add3A, %dma_wait3A_31, %dma_wait3A_32] : memref<32x80x125xi32, #tpu.memory_space<hbm>> -> memref<1x80x125xi32, #tpu.memory_space<hbm>>
      %dma_wait3A_34 = tpu.memref_squeeze %dma_wait3A_33 : memref<1x80x125xi32, #tpu.memory_space<hbm>> -> memref<80x125xi32, #tpu.memory_space<hbm>>
      %dma_wait3A_35 = arith.constant 0 : i32
      %dma_wait3A_36 = arith.constant 0 : i32
      %dma_wait3A_37 = tpu.memref_slice %arg3[%add3A, %dma_wait3A_35, %dma_wait3A_36] : memref<32x80x125xi32, #tpu.memory_space<hbm>> -> memref<1x80x125xi32, #tpu.memory_space<hbm>>
      %dma_wait3A_38 = tpu.memref_squeeze %dma_wait3A_37 : memref<1x80x125xi32, #tpu.memory_space<hbm>> -> memref<80x125xi32, #tpu.memory_space<hbm>>
      tpu.wait_dma2 semaphore(%run_scoped3A : memref<!tpu.dma_semaphore, #tpu.memory_space<semaphore_mem>>) src(%dma_wait3A_38 : memref<80x125xi32, #tpu.memory_space<hbm>>) dst(%arg6 : memref<80x125xi32, #tpu.memory_space<vmem>>)
      tpu.yield
    }) : () -> ()
    %barrier3A = arith.constant 0 : index
    tpu.barrier barrier_id(%barrier3A)
    %dma_wait3A = arith.constant 0 : i32
    %dma_wait3A_10 = tpu.memref_slice %arg2[%mul3A_2, %dma_wait3A] : memref<320000x8xf32, #tpu.memory_space<hbm>> -> memref<10000x8xf32, #tpu.memory_space<hbm>>
    %dma_wait3A_11 = arith.constant 0 : i32
    %dma_wait3A_12 = tpu.memref_slice %arg2[%mul3A_2, %dma_wait3A_11] : memref<320000x8xf32, #tpu.memory_space<hbm>> -> memref<10000x8xf32, #tpu.memory_space<hbm>>
    tpu.wait_dma2 semaphore(%arg9 : memref<!tpu.dma_semaphore, #tpu.memory_space<semaphore_mem>>) src(%dma_wait3A_12 : memref<10000x8xf32, #tpu.memory_space<hbm>>) dst(%arg7 : memref<10000x8xf32, #tpu.memory_space<vmem>>)
    %scan3A = arith.constant 0 : i32
    %scan3A_13 = arith.constant 0 : i32
    %scan3A_14 = arith.constant 112 : i32
    %scan3A_15 = arith.addi %scan3A_13, %scan3A_14 : i32
    %scan3A_16 = arith.constant 1 : i32
    scf.for %scan3A_23 = %scan3A_13 to %scan3A_15 step %scan3A_16  : i32 {
      %lt3A = arith.constant 80 : i32
      %lt3A_24 = arith.cmpi slt, %scan3A_23, %lt3A : i32
      %convert_element_type3A = arith.extui %lt3A_24 : i1 to i32
      %cond3A = arith.constant 0 : i32
      %cond3A_25 = arith.cmpi ne, %convert_element_type3A, %cond3A : i32
      scf.if %cond3A_25 {
        %mul3A_30 = arith.constant 125 : i32
        %mul3A_31 = arith.muli %scan3A_23, %mul3A_30 : i32
        %dma_start3A_32 = arith.constant 0 : i32
        %dma_start3A_33 = tpu.memref_slice %arg7[%mul3A_31, %dma_start3A_32] : memref<10000x8xf32, #tpu.memory_space<vmem>> -> memref<125x8xf32, #tpu.memory_space<vmem>>
        %dma_start3A_34 = arith.constant 0 : i32
        %dma_start3A_35 = tpu.memref_slice %arg6[%scan3A_23, %dma_start3A_34] : memref<80x125xi32, #tpu.memory_space<vmem>> -> memref<1x125xi32, #tpu.memory_space<vmem>>
        %dma_start3A_36 = tpu.memref_squeeze %dma_start3A_35 : memref<1x125xi32, #tpu.memory_space<vmem>> -> memref<125xi32, #tpu.memory_space<vmem>>
        %dma_start3A_37 = arith.constant 0 : i32
        %dma_start3A_38 = arith.constant 0 : i32
        %dma_start3A_39 = tpu.memref_slice %arg8[%dma_start3A_37, %dma_start3A_38] : memref<10000x8xf32, #tpu.memory_space<vmem_shared>> -> memref<10000x8xf32, #tpu.memory_space<vmem_shared>>
        tpu.enqueue_indirect_dma source(%dma_start3A_33 : memref<125x8xf32, #tpu.memory_space<vmem>>) target(%dma_start3A_39 : memref<10000x8xf32, #tpu.memory_space<vmem_shared>>) offsets(%dma_start3A_36 : memref<125xi32, #tpu.memory_space<vmem>>) semaphore(%arg10 : memref<!tpu.dma_semaphore, #tpu.memory_space<semaphore_mem>>) {add = true}
      } else {
      }
      %ge3A = arith.constant 32 : i32
      %ge3A_26 = arith.cmpi sge, %scan3A_23, %ge3A : i32
      %convert_element_type3A_27 = arith.extui %ge3A_26 : i1 to i32
      %cond3A_28 = arith.constant 0 : i32
      %cond3A_29 = arith.cmpi ne, %convert_element_type3A_27, %cond3A_28 : i32
      scf.if %cond3A_29 {
        %sub3A = arith.constant 32 : i32
        %sub3A_30 = arith.subi %scan3A_23, %sub3A : i32
        %mul3A_31 = arith.constant 125 : i32
        %mul3A_32 = arith.muli %sub3A_30, %mul3A_31 : i32
        %dma_wait3A_33 = arith.constant 0 : i32
        %dma_wait3A_34 = tpu.memref_slice %arg7[%mul3A_32, %dma_wait3A_33] : memref<10000x8xf32, #tpu.memory_space<vmem>> -> memref<125x8xf32, #tpu.memory_space<vmem>>
        %dma_wait3A_35 = arith.constant 0 : i32
        %dma_wait3A_36 = tpu.memref_slice %arg6[%sub3A_30, %dma_wait3A_35] : memref<80x125xi32, #tpu.memory_space<vmem>> -> memref<1x125xi32, #tpu.memory_space<vmem>>
        %dma_wait3A_37 = tpu.memref_squeeze %dma_wait3A_36 : memref<1x125xi32, #tpu.memory_space<vmem>> -> memref<125xi32, #tpu.memory_space<vmem>>
        %dma_wait3A_38 = arith.constant 0 : i32
        %dma_wait3A_39 = arith.constant 0 : i32
        %dma_wait3A_40 = tpu.memref_slice %arg8[%dma_wait3A_38, %dma_wait3A_39] : memref<10000x8xf32, #tpu.memory_space<vmem_shared>> -> memref<10000x8xf32, #tpu.memory_space<vmem_shared>>
        tpu.wait_indirect_dma semaphore(%arg10 : memref<!tpu.dma_semaphore, #tpu.memory_space<semaphore_mem>>) src(%dma_wait3A_34 : memref<125x8xf32, #tpu.memory_space<vmem>>) dst(%dma_wait3A_40 : memref<10000x8xf32, #tpu.memory_space<vmem_shared>>)
      } else {
      }
    }
    %scan3A_17 = arith.constant 112 : i32
    %barrier3A_18 = arith.constant 0 : index
    tpu.barrier barrier_id(%barrier3A_18)
    %mul3A_19 = arith.constant 625 : i32
    %mul3A_20 = arith.muli %arg1, %mul3A_19 : i32
    %mul3A_21 = arith.constant 625 : i32
    %mul3A_22 = arith.muli %arg1, %mul3A_21 : i32
    "tpu.region"() ({
      %run_scoped3A = tpu.sem_alloc : memref<!tpu.dma_semaphore, #tpu.memory_space<semaphore_mem>>
      %dma_start3A_23 = arith.constant 0 : i32
      %dma_start3A_24 = tpu.memref_slice %arg5[%arg0, %mul3A_22, %dma_start3A_23] : memref<2x10000x8xf32, #tpu.memory_space<hbm>> -> memref<1x625x8xf32, #tpu.memory_space<hbm>>
      %dma_start3A_25 = tpu.memref_squeeze %dma_start3A_24 : memref<1x625x8xf32, #tpu.memory_space<hbm>> -> memref<625x8xf32, #tpu.memory_space<hbm>>
      %dma_start3A_26 = arith.constant 0 : i32
      %dma_start3A_27 = tpu.memref_slice %arg8[%mul3A_20, %dma_start3A_26] : memref<10000x8xf32, #tpu.memory_space<vmem_shared>> -> memref<625x8xf32, #tpu.memory_space<vmem_shared>>
      tpu.enqueue_dma source(%dma_start3A_27 : memref<625x8xf32, #tpu.memory_space<vmem_shared>>) target(%dma_start3A_25 : memref<625x8xf32, #tpu.memory_space<hbm>>) target_semaphore(%run_scoped3A : memref<!tpu.dma_semaphore, #tpu.memory_space<semaphore_mem>>)
      %dma_wait3A_28 = arith.constant 0 : i32
      %dma_wait3A_29 = tpu.memref_slice %arg5[%arg0, %mul3A_22, %dma_wait3A_28] : memref<2x10000x8xf32, #tpu.memory_space<hbm>> -> memref<1x625x8xf32, #tpu.memory_space<hbm>>
      %dma_wait3A_30 = tpu.memref_squeeze %dma_wait3A_29 : memref<1x625x8xf32, #tpu.memory_space<hbm>> -> memref<625x8xf32, #tpu.memory_space<hbm>>
      %dma_wait3A_31 = arith.constant 0 : i32
      %dma_wait3A_32 = tpu.memref_slice %arg8[%mul3A_20, %dma_wait3A_31] : memref<10000x8xf32, #tpu.memory_space<vmem_shared>> -> memref<625x8xf32, #tpu.memory_space<vmem_shared>>
      tpu.wait_dma2 semaphore(%run_scoped3A : memref<!tpu.dma_semaphore, #tpu.memory_space<semaphore_mem>>) src(%dma_wait3A_32 : memref<625x8xf32, #tpu.memory_space<vmem_shared>>) dst(%dma_wait3A_30 : memref<625x8xf32, #tpu.memory_space<hbm>>)
      tpu.yield
    }) : () -> ()
    return
  }
}

module attributes {stable_mosaic.version = 14 : i64} {
  func.func @_proj_body(%arg0: memref<10000x128xf32, #tpu.memory_space<vmem>>, %arg1: memref<128x8xf32, #tpu.memory_space<vmem>>, %arg2: memref<1x8xf32, #tpu.memory_space<vmem>>, %arg3: memref<10000x8xf32, #tpu.memory_space<vmem>>) attributes {dimension_semantics = [], scalar_prefetch = 0 : i64, scratch_operands = 0 : i64, tpu.core_type = #tpu.core_type<tc>} {
    %get3A = arith.constant 0 : index
    %get3A_0 = arith.constant 0 : index
    %get3A_1 = vector.load %arg0[%get3A, %get3A_0] : memref<10000x128xf32, #tpu.memory_space<vmem>>, vector<10000x128xf32>
    %get3A_2 = arith.constant 0 : index
    %get3A_3 = arith.constant 0 : index
    %get3A_4 = vector.load %arg1[%get3A_2, %get3A_3] : memref<128x8xf32, #tpu.memory_space<vmem>>, vector<128x8xf32>
    %dot_general3A = arith.constant dense<0.000000e+00> : vector<10000x8xf32>
    %dot_general3A_5 = tpu.matmul %get3A_1, %get3A_4, %dot_general3A {dimension_numbers = #tpu.dot_dimension_numbers<[1], [0], [0], [1], [0, 0, 1, 1], [], []>, transpose_lhs_hint = false} : vector<10000x128xf32>, vector<128x8xf32>, vector<10000x8xf32> -> vector<10000x8xf32>
    %get3A_6 = arith.constant 0 : index
    %get3A_7 = arith.constant 0 : index
    %get3A_8 = vector.load %arg2[%get3A_6, %get3A_7] : memref<1x8xf32, #tpu.memory_space<vmem>>, vector<1x8xf32>
    %add3A = vector.broadcast %get3A_8 : vector<1x8xf32> to vector<10000x8xf32>
    %add3A_9 = arith.addf %dot_general3A_5, %add3A : vector<10000x8xf32>
    %max3A = arith.constant 0.000000e+00 : f32
    %max3A_10 = vector.broadcast %max3A : f32 to vector<10000x8xf32>
    %max3A_11 = arith.maximumf %add3A_9, %max3A_10 : vector<10000x8xf32>
    %swap3A = arith.constant 0 : index
    %swap3A_12 = arith.constant 0 : index
    %swap3A_13 = vector.load %arg3[%swap3A, %swap3A_12] : memref<10000x8xf32, #tpu.memory_space<vmem>>, vector<10000x8xf32>
    tpu.vector_store %arg3[%swap3A, %swap3A_12], %max3A_11 {strides = array<i32>} : memref<10000x8xf32, #tpu.memory_space<vmem>>, vector<10000x8xf32>,
    return
  }
}

module attributes {stable_mosaic.version = 14 : i64} {
  func.func @_ehp_body(%arg0: i32, %arg1: memref<16x6400xf32, #tpu.memory_space<vmem>>, %arg2: memref<16x16xf32, #tpu.memory_space<vmem>>, %arg3: memref<1x16xf32, #tpu.memory_space<vmem>>, %arg4: memref<400x256xf32, #tpu.memory_space<vmem>>, %arg5: memref<400x16x16xf32, #tpu.memory_space<vmem>>) attributes {dimension_semantics = [#tpu.dimension_semantics<arbitrary>], iteration_bounds = array<i64: 50>, scalar_prefetch = 0 : i64, scratch_operands = 1 : i64, tpu.core_type = #tpu.core_type<tc>, window_params = [{transform_indices = @transform_0, window_bounds = array<i64: 16, 6400>}, {pipeline_mode = #tpu.pipeline_mode<synchronous>, transform_indices = @transform_1, window_bounds = array<i64: 16, 16>}, {pipeline_mode = #tpu.pipeline_mode<synchronous>, transform_indices = @transform_2, window_bounds = array<i64: 1, 16>}, {transform_indices = @transform_3, window_bounds = array<i64: 400, 256>}]} {
    %get3A = arith.constant 0 : index
    %get3A_0 = arith.constant 0 : index
    %get3A_1 = vector.load %arg1[%get3A, %get3A_0] : memref<16x6400xf32, #tpu.memory_space<vmem>>, vector<16x6400xf32>
    %get3A_2 = arith.constant 0 : index
    %get3A_3 = arith.constant 0 : index
    %get3A_4 = vector.load %arg2[%get3A_2, %get3A_3] : memref<16x16xf32, #tpu.memory_space<vmem>>, vector<16x16xf32>
    %dot_general3A = arith.constant dense<0.000000e+00> : vector<6400x16xf32>
    %dot_general3A_5 = tpu.matmul %get3A_1, %get3A_4, %dot_general3A {dimension_numbers = #tpu.dot_dimension_numbers<[0], [0], [1], [1], [0, 1, 1, 1], [], []>, transpose_lhs_hint = false} : vector<16x6400xf32>, vector<16x16xf32>, vector<6400x16xf32> -> vector<6400x16xf32>
    %get3A_6 = arith.constant 0 : index
    %get3A_7 = arith.constant 0 : index
    %get3A_8 = vector.load %arg3[%get3A_6, %get3A_7] : memref<1x16xf32, #tpu.memory_space<vmem>>, vector<1x16xf32>
    %add3A = vector.broadcast %get3A_8 : vector<1x16xf32> to vector<6400x16xf32>
    %add3A_9 = arith.addf %dot_general3A_5, %add3A : vector<6400x16xf32>
    %max3A = arith.constant 0.000000e+00 : f32
    %max3A_10 = vector.broadcast %max3A : f32 to vector<6400x16xf32>
    %max3A_11 = arith.maximumf %add3A_9, %max3A_10 : vector<6400x16xf32>
    %reshape3A = vector.shape_cast %max3A_11 : vector<6400x16xf32> to vector<400x16x16xf32>
    %swap3A = arith.constant 0 : index
    %swap3A_12 = arith.constant 0 : index
    %swap3A_13 = arith.constant 0 : index
    %swap3A_14 = vector.load %arg5[%swap3A, %swap3A_12, %swap3A_13] : memref<400x16x16xf32, #tpu.memory_space<vmem>>, vector<400x16x16xf32>
    tpu.vector_store %arg5[%swap3A, %swap3A_12, %swap3A_13], %reshape3A {strides = array<i32>} : memref<400x16x16xf32, #tpu.memory_space<vmem>>, vector<400x16x16xf32>,
    %get3A_15 = arith.constant 0 : index
    %get3A_16 = arith.constant 0 : index
    %get3A_17 = arith.constant 0 : index
    %get3A_18 = vector.load %arg5[%get3A_15, %get3A_16, %get3A_17] : memref<400x16x16xf32, #tpu.memory_space<vmem>>, vector<400x16x16xf32>
    %reshape3A_19 = vector.shape_cast %get3A_18 : vector<400x16x16xf32> to vector<400x256xf32>
    %swap3A_20 = arith.constant 0 : index
    %swap3A_21 = arith.constant 0 : index
    %swap3A_22 = vector.load %arg4[%swap3A_20, %swap3A_21] : memref<400x256xf32, #tpu.memory_space<vmem>>, vector<400x256xf32>
    tpu.vector_store %arg4[%swap3A_20, %swap3A_21], %reshape3A_19 {strides = array<i32>} : memref<400x256xf32, #tpu.memory_space<vmem>>, vector<400x256xf32>,
    return
  }
  func.func @transform_0(%arg0: i32) -> (i32, i32) {
    %c0_i32 = arith.constant 0 : i32
    %c0_i32_0 = arith.constant 0 : i32
    return %c0_i32, %arg0 : i32, i32
  }
  func.func @transform_1(%arg0: i32) -> (i32, i32) {
    %c0_i32 = arith.constant 0 : i32
    %c0_i32_0 = arith.constant 0 : i32
    %c0_i32_1 = arith.constant 0 : i32
    return %c0_i32, %c0_i32_0 : i32, i32
  }
  func.func @transform_2(%arg0: i32) -> (i32, i32) {
    %c0_i32 = arith.constant 0 : i32
    %c0_i32_0 = arith.constant 0 : i32
    %c0_i32_1 = arith.constant 0 : i32
    return %c0_i32, %c0_i32_0 : i32, i32
  }
  func.func @transform_3(%arg0: i32) -> (i32, i32) {
    %c0_i32 = arith.constant 0 : i32
    %c0_i32_0 = arith.constant 0 : i32
    return %arg0, %c0_i32 : i32, i32
  }
}

module attributes {stable_mosaic.version = 14 : i64} {
  func.func @_msg_body(%arg0: i32, %arg1: memref<2000x256xf32, #tpu.memory_space<vmem>>, %arg2: memref<2000x128xf32, #tpu.memory_space<vmem>>, %arg3: memref<256x1024xf32, #tpu.memory_space<vmem>>, %arg4: memref<8x128xf32, #tpu.memory_space<vmem>>, %arg5: memref<128x1024xf32, #tpu.memory_space<vmem>>, %arg6: memref<2000x128xf32, #tpu.memory_space<vmem>>) attributes {dimension_semantics = [#tpu.dimension_semantics<arbitrary>], iteration_bounds = array<i64: 10>, scalar_prefetch = 0 : i64, scratch_operands = 0 : i64, tpu.core_type = #tpu.core_type<tc>, window_params = [{transform_indices = @transform_0, window_bounds = array<i64: 2000, 256>}, {transform_indices = @transform_1, window_bounds = array<i64: 2000, 128>}, {pipeline_mode = #tpu.pipeline_mode<synchronous>, transform_indices = @transform_2, window_bounds = array<i64: 256, 1024>}, {pipeline_mode = #tpu.pipeline_mode<synchronous>, transform_indices = @transform_3, window_bounds = array<i64: 8, 128>}, {pipeline_mode = #tpu.pipeline_mode<synchronous>, transform_indices = @transform_4, window_bounds = array<i64: 128, 1024>}, {transform_indices = @transform_5, window_bounds = array<i64: 2000, 128>}]} {
    %get3A = arith.constant 0 : index
    %get3A_0 = arith.constant 0 : index
    %get3A_1 = vector.load %arg1[%get3A, %get3A_0] : memref<2000x256xf32, #tpu.memory_space<vmem>>, vector<2000x256xf32>
    %get3A_2 = arith.constant 0 : index
    %get3A_3 = arith.constant 0 : index
    %get3A_4 = vector.load %arg3[%get3A_2, %get3A_3] : memref<256x1024xf32, #tpu.memory_space<vmem>>, vector<256x1024xf32>
    %dot_general3A = arith.constant dense<0.000000e+00> : vector<2000x1024xf32>
    %dot_general3A_5 = tpu.matmul %get3A_1, %get3A_4, %dot_general3A {dimension_numbers = #tpu.dot_dimension_numbers<[1], [0], [0], [1], [0, 0, 1, 1], [], []>, transpose_lhs_hint = false} : vector<2000x256xf32>, vector<256x1024xf32>, vector<2000x1024xf32> -> vector<2000x1024xf32>
    %get3A_6 = arith.constant 0 : index
    %get3A_7 = arith.constant 0 : index
    %get3A_8 = vector.load %arg2[%get3A_6, %get3A_7] : memref<2000x128xf32, #tpu.memory_space<vmem>>, vector<2000x128xf32>
    %get3A_9 = arith.constant 0 : index
    %get3A_10 = arith.constant 0 : index
    %get3A_11 = vector.load %arg5[%get3A_9, %get3A_10] : memref<128x1024xf32, #tpu.memory_space<vmem>>, vector<128x1024xf32>
    %dot_general3A_12 = arith.constant dense<0.000000e+00> : vector<2000x1024xf32>
    %dot_general3A_13 = tpu.matmul %get3A_8, %get3A_11, %dot_general3A_12 {dimension_numbers = #tpu.dot_dimension_numbers<[1], [0], [0], [1], [0, 0, 1, 1], [], []>, transpose_lhs_hint = false} : vector<2000x128xf32>, vector<128x1024xf32>, vector<2000x1024xf32> -> vector<2000x1024xf32>
    %get3A_14 = arith.constant 0 : index
    %get3A_15 = arith.constant 0 : index
    %get3A_16 = vector.load %arg4[%get3A_14, %get3A_15] : memref<8x128xf32, #tpu.memory_space<vmem>>, vector<8x128xf32>
    %slice3A = vector.extract_strided_slice %dot_general3A_13 {offsets = [0, 0], sizes = [2000, 128], strides = [1, 1]} : vector<2000x1024xf32> to vector<2000x128xf32>
    %slice3A_17 = vector.extract_strided_slice %dot_general3A_5 {offsets = [0, 0], sizes = [2000, 128], strides = [1, 1]} : vector<2000x1024xf32> to vector<2000x128xf32>
    %slice3A_18 = vector.extract_strided_slice %get3A_16 {offsets = [0, 0], sizes = [1, 128], strides = [1, 1]} : vector<8x128xf32> to vector<1x128xf32>
    %add3A = vector.broadcast %slice3A_18 : vector<1x128xf32> to vector<2000x128xf32>
    %add3A_19 = arith.addf %slice3A_17, %add3A : vector<2000x128xf32>
    %mul3A = arith.mulf %slice3A, %add3A_19 : vector<2000x128xf32>
    %slice3A_20 = vector.extract_strided_slice %dot_general3A_13 {offsets = [0, 128], sizes = [2000, 128], strides = [1, 1]} : vector<2000x1024xf32> to vector<2000x128xf32>
    %slice3A_21 = vector.extract_strided_slice %dot_general3A_5 {offsets = [0, 128], sizes = [2000, 128], strides = [1, 1]} : vector<2000x1024xf32> to vector<2000x128xf32>
    %slice3A_22 = vector.extract_strided_slice %get3A_16 {offsets = [1, 0], sizes = [1, 128], strides = [1, 1]} : vector<8x128xf32> to vector<1x128xf32>
    %add3A_23 = vector.broadcast %slice3A_22 : vector<1x128xf32> to vector<2000x128xf32>
    %add3A_24 = arith.addf %slice3A_21, %add3A_23 : vector<2000x128xf32>
    %mul3A_25 = arith.mulf %slice3A_20, %add3A_24 : vector<2000x128xf32>
    %add3A_26 = arith.addf %mul3A, %mul3A_25 : vector<2000x128xf32>
    %slice3A_27 = vector.extract_strided_slice %dot_general3A_13 {offsets = [0, 256], sizes = [2000, 128], strides = [1, 1]} : vector<2000x1024xf32> to vector<2000x128xf32>
    %slice3A_28 = vector.extract_strided_slice %dot_general3A_5 {offsets = [0, 256], sizes = [2000, 128], strides = [1, 1]} : vector<2000x1024xf32> to vector<2000x128xf32>
    %slice3A_29 = vector.extract_strided_slice %get3A_16 {offsets = [2, 0], sizes = [1, 128], strides = [1, 1]} : vector<8x128xf32> to vector<1x128xf32>
    %add3A_30 = vector.broadcast %slice3A_29 : vector<1x128xf32> to vector<2000x128xf32>
    %add3A_31 = arith.addf %slice3A_28, %add3A_30 : vector<2000x128xf32>
    %mul3A_32 = arith.mulf %slice3A_27, %add3A_31 : vector<2000x128xf32>
    %add3A_33 = arith.addf %add3A_26, %mul3A_32 : vector<2000x128xf32>
    %slice3A_34 = vector.extract_strided_slice %dot_general3A_13 {offsets = [0, 384], sizes = [2000, 128], strides = [1, 1]} : vector<2000x1024xf32> to vector<2000x128xf32>
    %slice3A_35 = vector.extract_strided_slice %dot_general3A_5 {offsets = [0, 384], sizes = [2000, 128], strides = [1, 1]} : vector<2000x1024xf32> to vector<2000x128xf32>
    %slice3A_36 = vector.extract_strided_slice %get3A_16 {offsets = [3, 0], sizes = [1, 128], strides = [1, 1]} : vector<8x128xf32> to vector<1x128xf32>
    %add3A_37 = vector.broadcast %slice3A_36 : vector<1x128xf32> to vector<2000x128xf32>
    %add3A_38 = arith.addf %slice3A_35, %add3A_37 : vector<2000x128xf32>
    %mul3A_39 = arith.mulf %slice3A_34, %add3A_38 : vector<2000x128xf32>
    %add3A_40 = arith.addf %add3A_33, %mul3A_39 : vector<2000x128xf32>
    %slice3A_41 = vector.extract_strided_slice %dot_general3A_13 {offsets = [0, 512], sizes = [2000, 128], strides = [1, 1]} : vector<2000x1024xf32> to vector<2000x128xf32>
    %slice3A_42 = vector.extract_strided_slice %dot_general3A_5 {offsets = [0, 512], sizes = [2000, 128], strides = [1, 1]} : vector<2000x1024xf32> to vector<2000x128xf32>
    %slice3A_43 = vector.extract_strided_slice %get3A_16 {offsets = [4, 0], sizes = [1, 128], strides = [1, 1]} : vector<8x128xf32> to vector<1x128xf32>
    %add3A_44 = vector.broadcast %slice3A_43 : vector<1x128xf32> to vector<2000x128xf32>
    %add3A_45 = arith.addf %slice3A_42, %add3A_44 : vector<2000x128xf32>
    %mul3A_46 = arith.mulf %slice3A_41, %add3A_45 : vector<2000x128xf32>
    %add3A_47 = arith.addf %add3A_40, %mul3A_46 : vector<2000x128xf32>
    %slice3A_48 = vector.extract_strided_slice %dot_general3A_13 {offsets = [0, 640], sizes = [2000, 128], strides = [1, 1]} : vector<2000x1024xf32> to vector<2000x128xf32>
    %slice3A_49 = vector.extract_strided_slice %dot_general3A_5 {offsets = [0, 640], sizes = [2000, 128], strides = [1, 1]} : vector<2000x1024xf32> to vector<2000x128xf32>
    %slice3A_50 = vector.extract_strided_slice %get3A_16 {offsets = [5, 0], sizes = [1, 128], strides = [1, 1]} : vector<8x128xf32> to vector<1x128xf32>
    %add3A_51 = vector.broadcast %slice3A_50 : vector<1x128xf32> to vector<2000x128xf32>
    %add3A_52 = arith.addf %slice3A_49, %add3A_51 : vector<2000x128xf32>
    %mul3A_53 = arith.mulf %slice3A_48, %add3A_52 : vector<2000x128xf32>
    %add3A_54 = arith.addf %add3A_47, %mul3A_53 : vector<2000x128xf32>
    %slice3A_55 = vector.extract_strided_slice %dot_general3A_13 {offsets = [0, 768], sizes = [2000, 128], strides = [1, 1]} : vector<2000x1024xf32> to vector<2000x128xf32>
    %slice3A_56 = vector.extract_strided_slice %dot_general3A_5 {offsets = [0, 768], sizes = [2000, 128], strides = [1, 1]} : vector<2000x1024xf32> to vector<2000x128xf32>
    %slice3A_57 = vector.extract_strided_slice %get3A_16 {offsets = [6, 0], sizes = [1, 128], strides = [1, 1]} : vector<8x128xf32> to vector<1x128xf32>
    %add3A_58 = vector.broadcast %slice3A_57 : vector<1x128xf32> to vector<2000x128xf32>
    %add3A_59 = arith.addf %slice3A_56, %add3A_58 : vector<2000x128xf32>
    %mul3A_60 = arith.mulf %slice3A_55, %add3A_59 : vector<2000x128xf32>
    %add3A_61 = arith.addf %add3A_54, %mul3A_60 : vector<2000x128xf32>
    %slice3A_62 = vector.extract_strided_slice %dot_general3A_13 {offsets = [0, 896], sizes = [2000, 128], strides = [1, 1]} : vector<2000x1024xf32> to vector<2000x128xf32>
    %slice3A_63 = vector.extract_strided_slice %dot_general3A_5 {offsets = [0, 896], sizes = [2000, 128], strides = [1, 1]} : vector<2000x1024xf32> to vector<2000x128xf32>
    %slice3A_64 = vector.extract_strided_slice %get3A_16 {offsets = [7, 0], sizes = [1, 128], strides = [1, 1]} : vector<8x128xf32> to vector<1x128xf32>
    %add3A_65 = vector.broadcast %slice3A_64 : vector<1x128xf32> to vector<2000x128xf32>
    %add3A_66 = arith.addf %slice3A_63, %add3A_65 : vector<2000x128xf32>
    %mul3A_67 = arith.mulf %slice3A_62, %add3A_66 : vector<2000x128xf32>
    %add3A_68 = arith.addf %add3A_61, %mul3A_67 : vector<2000x128xf32>
    %swap3A = arith.constant 0 : index
    %swap3A_69 = arith.constant 0 : index
    %swap3A_70 = vector.load %arg6[%swap3A, %swap3A_69] : memref<2000x128xf32, #tpu.memory_space<vmem>>, vector<2000x128xf32>
    tpu.vector_store %arg6[%swap3A, %swap3A_69], %add3A_68 {strides = array<i32>} : memref<2000x128xf32, #tpu.memory_space<vmem>>, vector<2000x128xf32>,
    return
  }
  func.func @transform_0(%arg0: i32) -> (i32, i32) {
    %c0_i32 = arith.constant 0 : i32
    %c0_i32_0 = arith.constant 0 : i32
    return %arg0, %c0_i32 : i32, i32
  }
  func.func @transform_1(%arg0: i32) -> (i32, i32) {
    %c0_i32 = arith.constant 0 : i32
    %c0_i32_0 = arith.constant 0 : i32
    return %arg0, %c0_i32 : i32, i32
  }
  func.func @transform_2(%arg0: i32) -> (i32, i32) {
    %c0_i32 = arith.constant 0 : i32
    %c0_i32_0 = arith.constant 0 : i32
    %c0_i32_1 = arith.constant 0 : i32
    return %c0_i32, %c0_i32_0 : i32, i32
  }
  func.func @transform_3(%arg0: i32) -> (i32, i32) {
    %c0_i32 = arith.constant 0 : i32
    %c0_i32_0 = arith.constant 0 : i32
    %c0_i32_1 = arith.constant 0 : i32
    return %c0_i32, %c0_i32_0 : i32, i32
  }
  func.func @transform_4(%arg0: i32) -> (i32, i32) {
    %c0_i32 = arith.constant 0 : i32
    %c0_i32_0 = arith.constant 0 : i32
    %c0_i32_1 = arith.constant 0 : i32
    return %c0_i32, %c0_i32_0 : i32, i32
  }
  func.func @transform_5(%arg0: i32) -> (i32, i32) {
    %c0_i32 = arith.constant 0 : i32
    %c0_i32_0 = arith.constant 0 : i32
    return %arg0, %c0_i32 : i32, i32
  }
}

module attributes {stable_mosaic.version = 14 : i64} {
  func.func @_gru_body(%arg0: memref<2x625x128xf32, #tpu.memory_space<vmem>>, %arg1: memref<625x128xf32, #tpu.memory_space<vmem>>, %arg2: memref<625x128xf32, #tpu.memory_space<vmem>>, %arg3: memref<128x128xf32, #tpu.memory_space<vmem>>, %arg4: memref<1x128xf32, #tpu.memory_space<vmem>>, %arg5: memref<128x128xf32, #tpu.memory_space<vmem>>, %arg6: memref<128x128xf32, #tpu.memory_space<vmem>>, %arg7: memref<128x128xf32, #tpu.memory_space<vmem>>, %arg8: memref<1x128xf32, #tpu.memory_space<vmem>>, %arg9: memref<1x128xf32, #tpu.memory_space<vmem>>, %arg10: memref<1x128xf32, #tpu.memory_space<vmem>>, %arg11: memref<128x128xf32, #tpu.memory_space<vmem>>, %arg12: memref<128x128xf32, #tpu.memory_space<vmem>>, %arg13: memref<128x128xf32, #tpu.memory_space<vmem>>, %arg14: memref<1x128xf32, #tpu.memory_space<vmem>>, %arg15: memref<1x128xf32, #tpu.memory_space<vmem>>, %arg16: memref<1x128xf32, #tpu.memory_space<vmem>>, %arg17: memref<625x128xf32, #tpu.memory_space<vmem>>) attributes {dimension_semantics = [], scalar_prefetch = 0 : i64, scratch_operands = 0 : i64, tpu.core_type = #tpu.core_type<tc>} {
    %get3A = arith.constant 0 : index
    %get3A_0 = arith.constant 0 : index
    %get3A_1 = arith.constant 0 : index
    %get3A_2 = vector.load %arg0[%get3A, %get3A_0, %get3A_1] : memref<2x625x128xf32, #tpu.memory_space<vmem>>, vector<1x625x128xf32>
    %get3A_3 = vector.shape_cast %get3A_2 : vector<1x625x128xf32> to vector<625x128xf32>
    %get3A_4 = arith.constant 1 : index
    %get3A_5 = arith.constant 0 : index
    %get3A_6 = arith.constant 0 : index
    %get3A_7 = vector.load %arg0[%get3A_4, %get3A_5, %get3A_6] : memref<2x625x128xf32, #tpu.memory_space<vmem>>, vector<1x625x128xf32>
    %get3A_8 = vector.shape_cast %get3A_7 : vector<1x625x128xf32> to vector<625x128xf32>
    %add3A = arith.addf %get3A_3, %get3A_8 : vector<625x128xf32>
    %get3A_9 = arith.constant 0 : index
    %get3A_10 = arith.constant 0 : index
    %get3A_11 = vector.load %arg1[%get3A_9, %get3A_10] : memref<625x128xf32, #tpu.memory_space<vmem>>, vector<625x128xf32>
    %get3A_12 = arith.constant 0 : index
    %get3A_13 = arith.constant 0 : index
    %get3A_14 = vector.load %arg2[%get3A_12, %get3A_13] : memref<625x128xf32, #tpu.memory_space<vmem>>, vector<625x128xf32>
    %get3A_15 = arith.constant 0 : index
    %get3A_16 = arith.constant 0 : index
    %get3A_17 = vector.load %arg3[%get3A_15, %get3A_16] : memref<128x128xf32, #tpu.memory_space<vmem>>, vector<128x128xf32>
    %dot_general3A = arith.constant dense<0.000000e+00> : vector<625x128xf32>
    %dot_general3A_18 = tpu.matmul %get3A_11, %get3A_17, %dot_general3A {dimension_numbers = #tpu.dot_dimension_numbers<[1], [0], [0], [1], [0, 0, 1, 1], [], []>, transpose_lhs_hint = false} : vector<625x128xf32>, vector<128x128xf32>, vector<625x128xf32> -> vector<625x128xf32>
    %add3A_19 = arith.addf %add3A, %dot_general3A_18 : vector<625x128xf32>
    %get3A_20 = arith.constant 0 : index
    %get3A_21 = arith.constant 0 : index
    %get3A_22 = vector.load %arg4[%get3A_20, %get3A_21] : memref<1x128xf32, #tpu.memory_space<vmem>>, vector<1x128xf32>
    %add3A_23 = vector.broadcast %get3A_22 : vector<1x128xf32> to vector<625x128xf32>
    %add3A_24 = arith.addf %add3A_19, %add3A_23 : vector<625x128xf32>
    %max3A = arith.constant 0.000000e+00 : f32
    %max3A_25 = vector.broadcast %max3A : f32 to vector<625x128xf32>
    %max3A_26 = arith.maximumf %add3A_24, %max3A_25 : vector<625x128xf32>
    %get3A_27 = arith.constant 0 : index
    %get3A_28 = arith.constant 0 : index
    %get3A_29 = vector.load %arg5[%get3A_27, %get3A_28] : memref<128x128xf32, #tpu.memory_space<vmem>>, vector<128x128xf32>
    %dot_general3A_30 = arith.constant dense<0.000000e+00> : vector<625x128xf32>
    %dot_general3A_31 = tpu.matmul %max3A_26, %get3A_29, %dot_general3A_30 {dimension_numbers = #tpu.dot_dimension_numbers<[1], [0], [0], [1], [0, 0, 1, 1], [], []>, transpose_lhs_hint = false} : vector<625x128xf32>, vector<128x128xf32>, vector<625x128xf32> -> vector<625x128xf32>
    %get3A_32 = arith.constant 0 : index
    %get3A_33 = arith.constant 0 : index
    %get3A_34 = vector.load %arg8[%get3A_32, %get3A_33] : memref<1x128xf32, #tpu.memory_space<vmem>>, vector<1x128xf32>
    %add3A_35 = vector.broadcast %get3A_34 : vector<1x128xf32> to vector<625x128xf32>
    %add3A_36 = arith.addf %dot_general3A_31, %add3A_35 : vector<625x128xf32>
    %get3A_37 = arith.constant 0 : index
    %get3A_38 = arith.constant 0 : index
    %get3A_39 = vector.load %arg6[%get3A_37, %get3A_38] : memref<128x128xf32, #tpu.memory_space<vmem>>, vector<128x128xf32>
    %dot_general3A_40 = arith.constant dense<0.000000e+00> : vector<625x128xf32>
    %dot_general3A_41 = tpu.matmul %max3A_26, %get3A_39, %dot_general3A_40 {dimension_numbers = #tpu.dot_dimension_numbers<[1], [0], [0], [1], [0, 0, 1, 1], [], []>, transpose_lhs_hint = false} : vector<625x128xf32>, vector<128x128xf32>, vector<625x128xf32> -> vector<625x128xf32>
    %get3A_42 = arith.constant 0 : index
    %get3A_43 = arith.constant 0 : index
    %get3A_44 = vector.load %arg9[%get3A_42, %get3A_43] : memref<1x128xf32, #tpu.memory_space<vmem>>, vector<1x128xf32>
    %add3A_45 = vector.broadcast %get3A_44 : vector<1x128xf32> to vector<625x128xf32>
    %add3A_46 = arith.addf %dot_general3A_41, %add3A_45 : vector<625x128xf32>
    %get3A_47 = arith.constant 0 : index
    %get3A_48 = arith.constant 0 : index
    %get3A_49 = vector.load %arg7[%get3A_47, %get3A_48] : memref<128x128xf32, #tpu.memory_space<vmem>>, vector<128x128xf32>
    %dot_general3A_50 = arith.constant dense<0.000000e+00> : vector<625x128xf32>
    %dot_general3A_51 = tpu.matmul %max3A_26, %get3A_49, %dot_general3A_50 {dimension_numbers = #tpu.dot_dimension_numbers<[1], [0], [0], [1], [0, 0, 1, 1], [], []>, transpose_lhs_hint = false} : vector<625x128xf32>, vector<128x128xf32>, vector<625x128xf32> -> vector<625x128xf32>
    %get3A_52 = arith.constant 0 : index
    %get3A_53 = arith.constant 0 : index
    %get3A_54 = vector.load %arg10[%get3A_52, %get3A_53] : memref<1x128xf32, #tpu.memory_space<vmem>>, vector<1x128xf32>
    %add3A_55 = vector.broadcast %get3A_54 : vector<1x128xf32> to vector<625x128xf32>
    %add3A_56 = arith.addf %dot_general3A_51, %add3A_55 : vector<625x128xf32>
    %get3A_57 = arith.constant 0 : index
    %get3A_58 = arith.constant 0 : index
    %get3A_59 = vector.load %arg11[%get3A_57, %get3A_58] : memref<128x128xf32, #tpu.memory_space<vmem>>, vector<128x128xf32>
    %dot_general3A_60 = arith.constant dense<0.000000e+00> : vector<625x128xf32>
    %dot_general3A_61 = tpu.matmul %get3A_14, %get3A_59, %dot_general3A_60 {dimension_numbers = #tpu.dot_dimension_numbers<[1], [0], [0], [1], [0, 0, 1, 1], [], []>, transpose_lhs_hint = false} : vector<625x128xf32>, vector<128x128xf32>, vector<625x128xf32> -> vector<625x128xf32>
    %get3A_62 = arith.constant 0 : index
    %get3A_63 = arith.constant 0 : index
    %get3A_64 = vector.load %arg14[%get3A_62, %get3A_63] : memref<1x128xf32, #tpu.memory_space<vmem>>, vector<1x128xf32>
    %add3A_65 = vector.broadcast %get3A_64 : vector<1x128xf32> to vector<625x128xf32>
    %add3A_66 = arith.addf %dot_general3A_61, %add3A_65 : vector<625x128xf32>
    %get3A_67 = arith.constant 0 : index
    %get3A_68 = arith.constant 0 : index
    %get3A_69 = vector.load %arg12[%get3A_67, %get3A_68] : memref<128x128xf32, #tpu.memory_space<vmem>>, vector<128x128xf32>
    %dot_general3A_70 = arith.constant dense<0.000000e+00> : vector<625x128xf32>
    %dot_general3A_71 = tpu.matmul %get3A_14, %get3A_69, %dot_general3A_70 {dimension_numbers = #tpu.dot_dimension_numbers<[1], [0], [0], [1], [0, 0, 1, 1], [], []>, transpose_lhs_hint = false} : vector<625x128xf32>, vector<128x128xf32>, vector<625x128xf32> -> vector<625x128xf32>
    %get3A_72 = arith.constant 0 : index
    %get3A_73 = arith.constant 0 : index
    %get3A_74 = vector.load %arg15[%get3A_72, %get3A_73] : memref<1x128xf32, #tpu.memory_space<vmem>>, vector<1x128xf32>
    %add3A_75 = vector.broadcast %get3A_74 : vector<1x128xf32> to vector<625x128xf32>
    %add3A_76 = arith.addf %dot_general3A_71, %add3A_75 : vector<625x128xf32>
    %get3A_77 = arith.constant 0 : index
    %get3A_78 = arith.constant 0 : index
    %get3A_79 = vector.load %arg13[%get3A_77, %get3A_78] : memref<128x128xf32, #tpu.memory_space<vmem>>, vector<128x128xf32>
    %dot_general3A_80 = arith.constant dense<0.000000e+00> : vector<625x128xf32>
    %dot_general3A_81 = tpu.matmul %get3A_14, %get3A_79, %dot_general3A_80 {dimension_numbers = #tpu.dot_dimension_numbers<[1], [0], [0], [1], [0, 0, 1, 1], [], []>, transpose_lhs_hint = false} : vector<625x128xf32>, vector<128x128xf32>, vector<625x128xf32> -> vector<625x128xf32>
    %get3A_82 = arith.constant 0 : index
    %get3A_83 = arith.constant 0 : index
    %get3A_84 = vector.load %arg16[%get3A_82, %get3A_83] : memref<1x128xf32, #tpu.memory_space<vmem>>, vector<1x128xf32>
    %add3A_85 = vector.broadcast %get3A_84 : vector<1x128xf32> to vector<625x128xf32>
    %add3A_86 = arith.addf %dot_general3A_81, %add3A_85 : vector<625x128xf32>
    %add3A_87 = arith.addf %add3A_36, %add3A_66 : vector<625x128xf32>
    %logistic3A = arith.negf %add3A_87 : vector<625x128xf32>
    %logistic3A_88 = math.exp %logistic3A : vector<625x128xf32>
    %logistic3A_89 = arith.constant 1.000000e+00 : f32
    %logistic3A_90 = vector.broadcast %logistic3A_89 : f32 to vector<625x128xf32>
    %logistic3A_91 = arith.addf %logistic3A_90, %logistic3A_88 : vector<625x128xf32>
    %logistic3A_92 = arith.divf %logistic3A_90, %logistic3A_91 : vector<625x128xf32>
    %add3A_93 = arith.addf %add3A_46, %add3A_76 : vector<625x128xf32>
    %logistic3A_94 = arith.negf %add3A_93 : vector<625x128xf32>
    %logistic3A_95 = math.exp %logistic3A_94 : vector<625x128xf32>
    %logistic3A_96 = arith.constant 1.000000e+00 : f32
    %logistic3A_97 = vector.broadcast %logistic3A_96 : f32 to vector<625x128xf32>
    %logistic3A_98 = arith.addf %logistic3A_97, %logistic3A_95 : vector<625x128xf32>
    %logistic3A_99 = arith.divf %logistic3A_97, %logistic3A_98 : vector<625x128xf32>
    %mul3A = arith.mulf %logistic3A_92, %add3A_86 : vector<625x128xf32>
    %add3A_100 = arith.addf %add3A_56, %mul3A : vector<625x128xf32>
    %tanh3A = math.tanh %add3A_100 : vector<625x128xf32>
    %sub3A = arith.constant 1.000000e+00 : f32
    %sub3A_101 = vector.broadcast %sub3A : f32 to vector<625x128xf32>
    %sub3A_102 = arith.subf %sub3A_101, %logistic3A_99 : vector<625x128xf32>
    %mul3A_103 = arith.mulf %sub3A_102, %tanh3A : vector<625x128xf32>
    %mul3A_104 = arith.mulf %logistic3A_99, %get3A_14 : vector<625x128xf32>
    %add3A_105 = arith.addf %mul3A_103, %mul3A_104 : vector<625x128xf32>
    %swap3A = arith.constant 0 : index
    %swap3A_106 = arith.constant 0 : index
    %swap3A_107 = vector.load %arg17[%swap3A, %swap3A_106] : memref<625x128xf32, #tpu.memory_space<vmem>>, vector<625x128xf32>
    tpu.vector_store %arg17[%swap3A, %swap3A_106], %add3A_105 {strides = array<i32>} : memref<625x128xf32, #tpu.memory_space<vmem>>, vector<625x128xf32>,
    return
  }
}

module attributes {stable_mosaic.version = 14 : i64} {
  func.func @_gru_readout_body(%arg0: memref<2x625x128xf32, #tpu.memory_space<vmem>>, %arg1: memref<625x128xf32, #tpu.memory_space<vmem>>, %arg2: memref<625x128xf32, #tpu.memory_space<vmem>>, %arg3: memref<128x128xf32, #tpu.memory_space<vmem>>, %arg4: memref<1x128xf32, #tpu.memory_space<vmem>>, %arg5: memref<128x128xf32, #tpu.memory_space<vmem>>, %arg6: memref<128x128xf32, #tpu.memory_space<vmem>>, %arg7: memref<128x128xf32, #tpu.memory_space<vmem>>, %arg8: memref<1x128xf32, #tpu.memory_space<vmem>>, %arg9: memref<1x128xf32, #tpu.memory_space<vmem>>, %arg10: memref<1x128xf32, #tpu.memory_space<vmem>>, %arg11: memref<128x128xf32, #tpu.memory_space<vmem>>, %arg12: memref<128x128xf32, #tpu.memory_space<vmem>>, %arg13: memref<128x128xf32, #tpu.memory_space<vmem>>, %arg14: memref<1x128xf32, #tpu.memory_space<vmem>>, %arg15: memref<1x128xf32, #tpu.memory_space<vmem>>, %arg16: memref<1x128xf32, #tpu.memory_space<vmem>>, %arg17: memref<625x16xi32, #tpu.memory_space<vmem>>, %arg18: memref<128x128xf32, #tpu.memory_space<vmem>>, %arg19: memref<1x128xf32, #tpu.memory_space<vmem>>, %arg20: memref<128x128xf32, #tpu.memory_space<vmem>>, %arg21: memref<1x128xf32, #tpu.memory_space<vmem>>, %arg22: memref<8x1xf32, #tpu.memory_space<vmem>>, %arg23: memref<1x1xf32, #tpu.memory_space<vmem>>, %arg24: memref<64x1xf32, #tpu.memory_space<vmem>>) attributes {dimension_semantics = [], scalar_prefetch = 0 : i64, scratch_operands = 0 : i64, tpu.core_type = #tpu.core_type<tc>} {
    %get3A = arith.constant 0 : index
    %get3A_0 = arith.constant 0 : index
    %get3A_1 = arith.constant 0 : index
    %get3A_2 = vector.load %arg0[%get3A, %get3A_0, %get3A_1] : memref<2x625x128xf32, #tpu.memory_space<vmem>>, vector<1x625x128xf32>
    %get3A_3 = vector.shape_cast %get3A_2 : vector<1x625x128xf32> to vector<625x128xf32>
    %get3A_4 = arith.constant 1 : index
    %get3A_5 = arith.constant 0 : index
    %get3A_6 = arith.constant 0 : index
    %get3A_7 = vector.load %arg0[%get3A_4, %get3A_5, %get3A_6] : memref<2x625x128xf32, #tpu.memory_space<vmem>>, vector<1x625x128xf32>
    %get3A_8 = vector.shape_cast %get3A_7 : vector<1x625x128xf32> to vector<625x128xf32>
    %add3A = arith.addf %get3A_3, %get3A_8 : vector<625x128xf32>
    %get3A_9 = arith.constant 0 : index
    %get3A_10 = arith.constant 0 : index
    %get3A_11 = vector.load %arg1[%get3A_9, %get3A_10] : memref<625x128xf32, #tpu.memory_space<vmem>>, vector<625x128xf32>
    %get3A_12 = arith.constant 0 : index
    %get3A_13 = arith.constant 0 : index
    %get3A_14 = vector.load %arg2[%get3A_12, %get3A_13] : memref<625x128xf32, #tpu.memory_space<vmem>>, vector<625x128xf32>
    %get3A_15 = arith.constant 0 : index
    %get3A_16 = arith.constant 0 : index
    %get3A_17 = vector.load %arg3[%get3A_15, %get3A_16] : memref<128x128xf32, #tpu.memory_space<vmem>>, vector<128x128xf32>
    %dot_general3A = arith.constant dense<0.000000e+00> : vector<625x128xf32>
    %dot_general3A_18 = tpu.matmul %get3A_11, %get3A_17, %dot_general3A {dimension_numbers = #tpu.dot_dimension_numbers<[1], [0], [0], [1], [0, 0, 1, 1], [], []>, transpose_lhs_hint = false} : vector<625x128xf32>, vector<128x128xf32>, vector<625x128xf32> -> vector<625x128xf32>
    %add3A_19 = arith.addf %add3A, %dot_general3A_18 : vector<625x128xf32>
    %get3A_20 = arith.constant 0 : index
    %get3A_21 = arith.constant 0 : index
    %get3A_22 = vector.load %arg4[%get3A_20, %get3A_21] : memref<1x128xf32, #tpu.memory_space<vmem>>, vector<1x128xf32>
    %add3A_23 = vector.broadcast %get3A_22 : vector<1x128xf32> to vector<625x128xf32>
    %add3A_24 = arith.addf %add3A_19, %add3A_23 : vector<625x128xf32>
    %max3A = arith.constant 0.000000e+00 : f32
    %max3A_25 = vector.broadcast %max3A : f32 to vector<625x128xf32>
    %max3A_26 = arith.maximumf %add3A_24, %max3A_25 : vector<625x128xf32>
    %get3A_27 = arith.constant 0 : index
    %get3A_28 = arith.constant 0 : index
    %get3A_29 = vector.load %arg5[%get3A_27, %get3A_28] : memref<128x128xf32, #tpu.memory_space<vmem>>, vector<128x128xf32>
    %dot_general3A_30 = arith.constant dense<0.000000e+00> : vector<625x128xf32>
    %dot_general3A_31 = tpu.matmul %max3A_26, %get3A_29, %dot_general3A_30 {dimension_numbers = #tpu.dot_dimension_numbers<[1], [0], [0], [1], [0, 0, 1, 1], [], []>, transpose_lhs_hint = false} : vector<625x128xf32>, vector<128x128xf32>, vector<625x128xf32> -> vector<625x128xf32>
    %get3A_32 = arith.constant 0 : index
    %get3A_33 = arith.constant 0 : index
    %get3A_34 = vector.load %arg8[%get3A_32, %get3A_33] : memref<1x128xf32, #tpu.memory_space<vmem>>, vector<1x128xf32>
    %add3A_35 = vector.broadcast %get3A_34 : vector<1x128xf32> to vector<625x128xf32>
    %add3A_36 = arith.addf %dot_general3A_31, %add3A_35 : vector<625x128xf32>
    %get3A_37 = arith.constant 0 : index
    %get3A_38 = arith.constant 0 : index
    %get3A_39 = vector.load %arg6[%get3A_37, %get3A_38] : memref<128x128xf32, #tpu.memory_space<vmem>>, vector<128x128xf32>
    %dot_general3A_40 = arith.constant dense<0.000000e+00> : vector<625x128xf32>
    %dot_general3A_41 = tpu.matmul %max3A_26, %get3A_39, %dot_general3A_40 {dimension_numbers = #tpu.dot_dimension_numbers<[1], [0], [0], [1], [0, 0, 1, 1], [], []>, transpose_lhs_hint = false} : vector<625x128xf32>, vector<128x128xf32>, vector<625x128xf32> -> vector<625x128xf32>
    %get3A_42 = arith.constant 0 : index
    %get3A_43 = arith.constant 0 : index
    %get3A_44 = vector.load %arg9[%get3A_42, %get3A_43] : memref<1x128xf32, #tpu.memory_space<vmem>>, vector<1x128xf32>
    %add3A_45 = vector.broadcast %get3A_44 : vector<1x128xf32> to vector<625x128xf32>
    %add3A_46 = arith.addf %dot_general3A_41, %add3A_45 : vector<625x128xf32>
    %get3A_47 = arith.constant 0 : index
    %get3A_48 = arith.constant 0 : index
    %get3A_49 = vector.load %arg7[%get3A_47, %get3A_48] : memref<128x128xf32, #tpu.memory_space<vmem>>, vector<128x128xf32>
    %dot_general3A_50 = arith.constant dense<0.000000e+00> : vector<625x128xf32>
    %dot_general3A_51 = tpu.matmul %max3A_26, %get3A_49, %dot_general3A_50 {dimension_numbers = #tpu.dot_dimension_numbers<[1], [0], [0], [1], [0, 0, 1, 1], [], []>, transpose_lhs_hint = false} : vector<625x128xf32>, vector<128x128xf32>, vector<625x128xf32> -> vector<625x128xf32>
    %get3A_52 = arith.constant 0 : index
    %get3A_53 = arith.constant 0 : index
    %get3A_54 = vector.load %arg10[%get3A_52, %get3A_53] : memref<1x128xf32, #tpu.memory_space<vmem>>, vector<1x128xf32>
    %add3A_55 = vector.broadcast %get3A_54 : vector<1x128xf32> to vector<625x128xf32>
    %add3A_56 = arith.addf %dot_general3A_51, %add3A_55 : vector<625x128xf32>
    %get3A_57 = arith.constant 0 : index
    %get3A_58 = arith.constant 0 : index
    %get3A_59 = vector.load %arg11[%get3A_57, %get3A_58] : memref<128x128xf32, #tpu.memory_space<vmem>>, vector<128x128xf32>
    %dot_general3A_60 = arith.constant dense<0.000000e+00> : vector<625x128xf32>
    %dot_general3A_61 = tpu.matmul %get3A_14, %get3A_59, %dot_general3A_60 {dimension_numbers = #tpu.dot_dimension_numbers<[1], [0], [0], [1], [0, 0, 1, 1], [], []>, transpose_lhs_hint = false} : vector<625x128xf32>, vector<128x128xf32>, vector<625x128xf32> -> vector<625x128xf32>
    %get3A_62 = arith.constant 0 : index
    %get3A_63 = arith.constant 0 : index
    %get3A_64 = vector.load %arg14[%get3A_62, %get3A_63] : memref<1x128xf32, #tpu.memory_space<vmem>>, vector<1x128xf32>
    %add3A_65 = vector.broadcast %get3A_64 : vector<1x128xf32> to vector<625x128xf32>
    %add3A_66 = arith.addf %dot_general3A_61, %add3A_65 : vector<625x128xf32>
    %get3A_67 = arith.constant 0 : index
    %get3A_68 = arith.constant 0 : index
    %get3A_69 = vector.load %arg12[%get3A_67, %get3A_68] : memref<128x128xf32, #tpu.memory_space<vmem>>, vector<128x128xf32>
    %dot_general3A_70 = arith.constant dense<0.000000e+00> : vector<625x128xf32>
    %dot_general3A_71 = tpu.matmul %get3A_14, %get3A_69, %dot_general3A_70 {dimension_numbers = #tpu.dot_dimension_numbers<[1], [0], [0], [1], [0, 0, 1, 1], [], []>, transpose_lhs_hint = false} : vector<625x128xf32>, vector<128x128xf32>, vector<625x128xf32> -> vector<625x128xf32>
    %get3A_72 = arith.constant 0 : index
    %get3A_73 = arith.constant 0 : index
    %get3A_74 = vector.load %arg15[%get3A_72, %get3A_73] : memref<1x128xf32, #tpu.memory_space<vmem>>, vector<1x128xf32>
    %add3A_75 = vector.broadcast %get3A_74 : vector<1x128xf32> to vector<625x128xf32>
    %add3A_76 = arith.addf %dot_general3A_71, %add3A_75 : vector<625x128xf32>
    %get3A_77 = arith.constant 0 : index
    %get3A_78 = arith.constant 0 : index
    %get3A_79 = vector.load %arg13[%get3A_77, %get3A_78] : memref<128x128xf32, #tpu.memory_space<vmem>>, vector<128x128xf32>
    %dot_general3A_80 = arith.constant dense<0.000000e+00> : vector<625x128xf32>
    %dot_general3A_81 = tpu.matmul %get3A_14, %get3A_79, %dot_general3A_80 {dimension_numbers = #tpu.dot_dimension_numbers<[1], [0], [0], [1], [0, 0, 1, 1], [], []>, transpose_lhs_hint = false} : vector<625x128xf32>, vector<128x128xf32>, vector<625x128xf32> -> vector<625x128xf32>
    %get3A_82 = arith.constant 0 : index
    %get3A_83 = arith.constant 0 : index
    %get3A_84 = vector.load %arg16[%get3A_82, %get3A_83] : memref<1x128xf32, #tpu.memory_space<vmem>>, vector<1x128xf32>
    %add3A_85 = vector.broadcast %get3A_84 : vector<1x128xf32> to vector<625x128xf32>
    %add3A_86 = arith.addf %dot_general3A_81, %add3A_85 : vector<625x128xf32>
    %add3A_87 = arith.addf %add3A_36, %add3A_66 : vector<625x128xf32>
    %logistic3A = arith.negf %add3A_87 : vector<625x128xf32>
    %logistic3A_88 = math.exp %logistic3A : vector<625x128xf32>
    %logistic3A_89 = arith.constant 1.000000e+00 : f32
    %logistic3A_90 = vector.broadcast %logistic3A_89 : f32 to vector<625x128xf32>
    %logistic3A_91 = arith.addf %logistic3A_90, %logistic3A_88 : vector<625x128xf32>
    %logistic3A_92 = arith.divf %logistic3A_90, %logistic3A_91 : vector<625x128xf32>
    %add3A_93 = arith.addf %add3A_46, %add3A_76 : vector<625x128xf32>
    %logistic3A_94 = arith.negf %add3A_93 : vector<625x128xf32>
    %logistic3A_95 = math.exp %logistic3A_94 : vector<625x128xf32>
    %logistic3A_96 = arith.constant 1.000000e+00 : f32
    %logistic3A_97 = vector.broadcast %logistic3A_96 : f32 to vector<625x128xf32>
    %logistic3A_98 = arith.addf %logistic3A_97, %logistic3A_95 : vector<625x128xf32>
    %logistic3A_99 = arith.divf %logistic3A_97, %logistic3A_98 : vector<625x128xf32>
    %mul3A = arith.mulf %logistic3A_92, %add3A_86 : vector<625x128xf32>
    %add3A_100 = arith.addf %add3A_56, %mul3A : vector<625x128xf32>
    %tanh3A = math.tanh %add3A_100 : vector<625x128xf32>
    %sub3A = arith.constant 1.000000e+00 : f32
    %sub3A_101 = vector.broadcast %sub3A : f32 to vector<625x128xf32>
    %sub3A_102 = arith.subf %sub3A_101, %logistic3A_99 : vector<625x128xf32>
    %mul3A_103 = arith.mulf %sub3A_102, %tanh3A : vector<625x128xf32>
    %mul3A_104 = arith.mulf %logistic3A_99, %get3A_14 : vector<625x128xf32>
    %add3A_105 = arith.addf %mul3A_103, %mul3A_104 : vector<625x128xf32>
    %get3A_106 = arith.constant 0 : index
    %get3A_107 = arith.constant 0 : index
    %get3A_108 = vector.load %arg18[%get3A_106, %get3A_107] : memref<128x128xf32, #tpu.memory_space<vmem>>, vector<128x128xf32>
    %dot_general3A_109 = arith.constant dense<0.000000e+00> : vector<625x128xf32>
    %dot_general3A_110 = tpu.matmul %add3A_105, %get3A_108, %dot_general3A_109 {dimension_numbers = #tpu.dot_dimension_numbers<[1], [0], [0], [1], [0, 0, 1, 1], [], []>, transpose_lhs_hint = false} : vector<625x128xf32>, vector<128x128xf32>, vector<625x128xf32> -> vector<625x128xf32>
    %get3A_111 = arith.constant 0 : index
    %get3A_112 = arith.constant 0 : index
    %get3A_113 = vector.load %arg19[%get3A_111, %get3A_112] : memref<1x128xf32, #tpu.memory_space<vmem>>, vector<1x128xf32>
    %add3A_114 = vector.broadcast %get3A_113 : vector<1x128xf32> to vector<625x128xf32>
    %add3A_115 = arith.addf %dot_general3A_110, %add3A_114 : vector<625x128xf32>
    %max3A_116 = arith.constant 0.000000e+00 : f32
    %max3A_117 = vector.broadcast %max3A_116 : f32 to vector<625x128xf32>
    %max3A_118 = arith.maximumf %add3A_115, %max3A_117 : vector<625x128xf32>
    %get3A_119 = arith.constant 0 : index
    %get3A_120 = arith.constant 0 : index
    %get3A_121 = vector.load %arg20[%get3A_119, %get3A_120] : memref<128x128xf32, #tpu.memory_space<vmem>>, vector<128x128xf32>
    %dot_general3A_122 = arith.constant dense<0.000000e+00> : vector<625x128xf32>
    %dot_general3A_123 = tpu.matmul %max3A_118, %get3A_121, %dot_general3A_122 {dimension_numbers = #tpu.dot_dimension_numbers<[1], [0], [0], [1], [0, 0, 1, 1], [], []>, transpose_lhs_hint = false} : vector<625x128xf32>, vector<128x128xf32>, vector<625x128xf32> -> vector<625x128xf32>
    %get3A_124 = arith.constant 0 : index
    %get3A_125 = arith.constant 0 : index
    %get3A_126 = vector.load %arg21[%get3A_124, %get3A_125] : memref<1x128xf32, #tpu.memory_space<vmem>>, vector<1x128xf32>
    %add3A_127 = vector.broadcast %get3A_126 : vector<1x128xf32> to vector<625x128xf32>
    %add3A_128 = arith.addf %dot_general3A_123, %add3A_127 : vector<625x128xf32>
    %get3A_129 = arith.constant 0 : index
    %get3A_130 = arith.constant 0 : index
    %get3A_131 = vector.load %arg17[%get3A_129, %get3A_130] : memref<625x16xi32, #tpu.memory_space<vmem>>, vector<625x16xi32>
    %iota3A = tpu.iota {dimensions = array<i32: 1>} : vector<1x64xi32>
    %broadcast_in_dim3A = arith.constant 0.000000e+00 : f32
    %broadcast_in_dim3A_132 = vector.broadcast %broadcast_in_dim3A : f32 to vector<64x8xf32>
    %broadcast_in_dim3A_133 = arith.constant 0.000000e+00 : f32
    %broadcast_in_dim3A_134 = vector.broadcast %broadcast_in_dim3A_133 : f32 to vector<625x64xf32>
    %slice3A = vector.extract_strided_slice %get3A_131 {offsets = [0, 0], sizes = [625, 1], strides = [1, 1]} : vector<625x16xi32> to vector<625x1xi32>
    %eq3A = vector.broadcast %slice3A : vector<625x1xi32> to vector<625x64xi32>
    %eq3A_135 = vector.broadcast %iota3A : vector<1x64xi32> to vector<625x64xi32>
    %eq3A_136 = arith.cmpi eq, %eq3A, %eq3A_135 : vector<625x64xi32>
    %convert_element_type3A = arith.extui %eq3A_136 : vector<625x64xi1> to vector<625x64xi32>
    %convert_element_type3A_137 = arith.sitofp %convert_element_type3A : vector<625x64xi32> to vector<625x64xf32>
    %add3A_138 = arith.addf %broadcast_in_dim3A_134, %convert_element_type3A_137 : vector<625x64xf32>
    %dot_general3A_139 = arith.constant dense<0.000000e+00> : vector<64x128xf32>
    %dot_general3A_140 = tpu.matmul %convert_element_type3A_137, %add3A_128, %dot_general3A_139 {dimension_numbers = #tpu.dot_dimension_numbers<[0], [0], [1], [1], [0, 1, 1, 1], [], []>, transpose_lhs_hint = false} : vector<625x64xf32>, vector<625x128xf32>, vector<64x128xf32> -> vector<64x128xf32>
    %slice3A_141 = vector.extract_strided_slice %dot_general3A_140 {offsets = [0, 0], sizes = [64, 8], strides = [1, 1]} : vector<64x128xf32> to vector<64x8xf32>
    %add3A_142 = arith.addf %broadcast_in_dim3A_132, %slice3A_141 : vector<64x8xf32>
    %slice3A_143 = vector.extract_strided_slice %get3A_131 {offsets = [0, 1], sizes = [625, 1], strides = [1, 1]} : vector<625x16xi32> to vector<625x1xi32>
    %eq3A_144 = vector.broadcast %slice3A_143 : vector<625x1xi32> to vector<625x64xi32>
    %eq3A_145 = vector.broadcast %iota3A : vector<1x64xi32> to vector<625x64xi32>
    %eq3A_146 = arith.cmpi eq, %eq3A_144, %eq3A_145 : vector<625x64xi32>
    %convert_element_type3A_147 = arith.extui %eq3A_146 : vector<625x64xi1> to vector<625x64xi32>
    %convert_element_type3A_148 = arith.sitofp %convert_element_type3A_147 : vector<625x64xi32> to vector<625x64xf32>
    %add3A_149 = arith.addf %add3A_138, %convert_element_type3A_148 : vector<625x64xf32>
    %dot_general3A_150 = arith.constant dense<0.000000e+00> : vector<64x128xf32>
    %dot_general3A_151 = tpu.matmul %convert_element_type3A_148, %add3A_128, %dot_general3A_150 {dimension_numbers = #tpu.dot_dimension_numbers<[0], [0], [1], [1], [0, 1, 1, 1], [], []>, transpose_lhs_hint = false} : vector<625x64xf32>, vector<625x128xf32>, vector<64x128xf32> -> vector<64x128xf32>
    %slice3A_152 = vector.extract_strided_slice %dot_general3A_151 {offsets = [0, 8], sizes = [64, 8], strides = [1, 1]} : vector<64x128xf32> to vector<64x8xf32>
    %add3A_153 = arith.addf %add3A_142, %slice3A_152 : vector<64x8xf32>
    %slice3A_154 = vector.extract_strided_slice %get3A_131 {offsets = [0, 2], sizes = [625, 1], strides = [1, 1]} : vector<625x16xi32> to vector<625x1xi32>
    %eq3A_155 = vector.broadcast %slice3A_154 : vector<625x1xi32> to vector<625x64xi32>
    %eq3A_156 = vector.broadcast %iota3A : vector<1x64xi32> to vector<625x64xi32>
    %eq3A_157 = arith.cmpi eq, %eq3A_155, %eq3A_156 : vector<625x64xi32>
    %convert_element_type3A_158 = arith.extui %eq3A_157 : vector<625x64xi1> to vector<625x64xi32>
    %convert_element_type3A_159 = arith.sitofp %convert_element_type3A_158 : vector<625x64xi32> to vector<625x64xf32>
    %add3A_160 = arith.addf %add3A_149, %convert_element_type3A_159 : vector<625x64xf32>
    %dot_general3A_161 = arith.constant dense<0.000000e+00> : vector<64x128xf32>
    %dot_general3A_162 = tpu.matmul %convert_element_type3A_159, %add3A_128, %dot_general3A_161 {dimension_numbers = #tpu.dot_dimension_numbers<[0], [0], [1], [1], [0, 1, 1, 1], [], []>, transpose_lhs_hint = false} : vector<625x64xf32>, vector<625x128xf32>, vector<64x128xf32> -> vector<64x128xf32>
    %slice3A_163 = vector.extract_strided_slice %dot_general3A_162 {offsets = [0, 16], sizes = [64, 8], strides = [1, 1]} : vector<64x128xf32> to vector<64x8xf32>
    %add3A_164 = arith.addf %add3A_153, %slice3A_163 : vector<64x8xf32>
    %slice3A_165 = vector.extract_strided_slice %get3A_131 {offsets = [0, 3], sizes = [625, 1], strides = [1, 1]} : vector<625x16xi32> to vector<625x1xi32>
    %eq3A_166 = vector.broadcast %slice3A_165 : vector<625x1xi32> to vector<625x64xi32>
    %eq3A_167 = vector.broadcast %iota3A : vector<1x64xi32> to vector<625x64xi32>
    %eq3A_168 = arith.cmpi eq, %eq3A_166, %eq3A_167 : vector<625x64xi32>
    %convert_element_type3A_169 = arith.extui %eq3A_168 : vector<625x64xi1> to vector<625x64xi32>
    %convert_element_type3A_170 = arith.sitofp %convert_element_type3A_169 : vector<625x64xi32> to vector<625x64xf32>
    %add3A_171 = arith.addf %add3A_160, %convert_element_type3A_170 : vector<625x64xf32>
    %dot_general3A_172 = arith.constant dense<0.000000e+00> : vector<64x128xf32>
    %dot_general3A_173 = tpu.matmul %convert_element_type3A_170, %add3A_128, %dot_general3A_172 {dimension_numbers = #tpu.dot_dimension_numbers<[0], [0], [1], [1], [0, 1, 1, 1], [], []>, transpose_lhs_hint = false} : vector<625x64xf32>, vector<625x128xf32>, vector<64x128xf32> -> vector<64x128xf32>
    %slice3A_174 = vector.extract_strided_slice %dot_general3A_173 {offsets = [0, 24], sizes = [64, 8], strides = [1, 1]} : vector<64x128xf32> to vector<64x8xf32>
    %add3A_175 = arith.addf %add3A_164, %slice3A_174 : vector<64x8xf32>
    %slice3A_176 = vector.extract_strided_slice %get3A_131 {offsets = [0, 4], sizes = [625, 1], strides = [1, 1]} : vector<625x16xi32> to vector<625x1xi32>
    %eq3A_177 = vector.broadcast %slice3A_176 : vector<625x1xi32> to vector<625x64xi32>
    %eq3A_178 = vector.broadcast %iota3A : vector<1x64xi32> to vector<625x64xi32>
    %eq3A_179 = arith.cmpi eq, %eq3A_177, %eq3A_178 : vector<625x64xi32>
    %convert_element_type3A_180 = arith.extui %eq3A_179 : vector<625x64xi1> to vector<625x64xi32>
    %convert_element_type3A_181 = arith.sitofp %convert_element_type3A_180 : vector<625x64xi32> to vector<625x64xf32>
    %add3A_182 = arith.addf %add3A_171, %convert_element_type3A_181 : vector<625x64xf32>
    %dot_general3A_183 = arith.constant dense<0.000000e+00> : vector<64x128xf32>
    %dot_general3A_184 = tpu.matmul %convert_element_type3A_181, %add3A_128, %dot_general3A_183 {dimension_numbers = #tpu.dot_dimension_numbers<[0], [0], [1], [1], [0, 1, 1, 1], [], []>, transpose_lhs_hint = false} : vector<625x64xf32>, vector<625x128xf32>, vector<64x128xf32> -> vector<64x128xf32>
    %slice3A_185 = vector.extract_strided_slice %dot_general3A_184 {offsets = [0, 32], sizes = [64, 8], strides = [1, 1]} : vector<64x128xf32> to vector<64x8xf32>
    %add3A_186 = arith.addf %add3A_175, %slice3A_185 : vector<64x8xf32>
    %slice3A_187 = vector.extract_strided_slice %get3A_131 {offsets = [0, 5], sizes = [625, 1], strides = [1, 1]} : vector<625x16xi32> to vector<625x1xi32>
    %eq3A_188 = vector.broadcast %slice3A_187 : vector<625x1xi32> to vector<625x64xi32>
    %eq3A_189 = vector.broadcast %iota3A : vector<1x64xi32> to vector<625x64xi32>
    %eq3A_190 = arith.cmpi eq, %eq3A_188, %eq3A_189 : vector<625x64xi32>
    %convert_element_type3A_191 = arith.extui %eq3A_190 : vector<625x64xi1> to vector<625x64xi32>
    %convert_element_type3A_192 = arith.sitofp %convert_element_type3A_191 : vector<625x64xi32> to vector<625x64xf32>
    %add3A_193 = arith.addf %add3A_182, %convert_element_type3A_192 : vector<625x64xf32>
    %dot_general3A_194 = arith.constant dense<0.000000e+00> : vector<64x128xf32>
    %dot_general3A_195 = tpu.matmul %convert_element_type3A_192, %add3A_128, %dot_general3A_194 {dimension_numbers = #tpu.dot_dimension_numbers<[0], [0], [1], [1], [0, 1, 1, 1], [], []>, transpose_lhs_hint = false} : vector<625x64xf32>, vector<625x128xf32>, vector<64x128xf32> -> vector<64x128xf32>
    %slice3A_196 = vector.extract_strided_slice %dot_general3A_195 {offsets = [0, 40], sizes = [64, 8], strides = [1, 1]} : vector<64x128xf32> to vector<64x8xf32>
    %add3A_197 = arith.addf %add3A_186, %slice3A_196 : vector<64x8xf32>
    %slice3A_198 = vector.extract_strided_slice %get3A_131 {offsets = [0, 6], sizes = [625, 1], strides = [1, 1]} : vector<625x16xi32> to vector<625x1xi32>
    %eq3A_199 = vector.broadcast %slice3A_198 : vector<625x1xi32> to vector<625x64xi32>
    %eq3A_200 = vector.broadcast %iota3A : vector<1x64xi32> to vector<625x64xi32>
    %eq3A_201 = arith.cmpi eq, %eq3A_199, %eq3A_200 : vector<625x64xi32>
    %convert_element_type3A_202 = arith.extui %eq3A_201 : vector<625x64xi1> to vector<625x64xi32>
    %convert_element_type3A_203 = arith.sitofp %convert_element_type3A_202 : vector<625x64xi32> to vector<625x64xf32>
    %add3A_204 = arith.addf %add3A_193, %convert_element_type3A_203 : vector<625x64xf32>
    %dot_general3A_205 = arith.constant dense<0.000000e+00> : vector<64x128xf32>
    %dot_general3A_206 = tpu.matmul %convert_element_type3A_203, %add3A_128, %dot_general3A_205 {dimension_numbers = #tpu.dot_dimension_numbers<[0], [0], [1], [1], [0, 1, 1, 1], [], []>, transpose_lhs_hint = false} : vector<625x64xf32>, vector<625x128xf32>, vector<64x128xf32> -> vector<64x128xf32>
    %slice3A_207 = vector.extract_strided_slice %dot_general3A_206 {offsets = [0, 48], sizes = [64, 8], strides = [1, 1]} : vector<64x128xf32> to vector<64x8xf32>
    %add3A_208 = arith.addf %add3A_197, %slice3A_207 : vector<64x8xf32>
    %slice3A_209 = vector.extract_strided_slice %get3A_131 {offsets = [0, 7], sizes = [625, 1], strides = [1, 1]} : vector<625x16xi32> to vector<625x1xi32>
    %eq3A_210 = vector.broadcast %slice3A_209 : vector<625x1xi32> to vector<625x64xi32>
    %eq3A_211 = vector.broadcast %iota3A : vector<1x64xi32> to vector<625x64xi32>
    %eq3A_212 = arith.cmpi eq, %eq3A_210, %eq3A_211 : vector<625x64xi32>
    %convert_element_type3A_213 = arith.extui %eq3A_212 : vector<625x64xi1> to vector<625x64xi32>
    %convert_element_type3A_214 = arith.sitofp %convert_element_type3A_213 : vector<625x64xi32> to vector<625x64xf32>
    %add3A_215 = arith.addf %add3A_204, %convert_element_type3A_214 : vector<625x64xf32>
    %dot_general3A_216 = arith.constant dense<0.000000e+00> : vector<64x128xf32>
    %dot_general3A_217 = tpu.matmul %convert_element_type3A_214, %add3A_128, %dot_general3A_216 {dimension_numbers = #tpu.dot_dimension_numbers<[0], [0], [1], [1], [0, 1, 1, 1], [], []>, transpose_lhs_hint = false} : vector<625x64xf32>, vector<625x128xf32>, vector<64x128xf32> -> vector<64x128xf32>
    %slice3A_218 = vector.extract_strided_slice %dot_general3A_217 {offsets = [0, 56], sizes = [64, 8], strides = [1, 1]} : vector<64x128xf32> to vector<64x8xf32>
    %add3A_219 = arith.addf %add3A_208, %slice3A_218 : vector<64x8xf32>
    %slice3A_220 = vector.extract_strided_slice %get3A_131 {offsets = [0, 8], sizes = [625, 1], strides = [1, 1]} : vector<625x16xi32> to vector<625x1xi32>
    %eq3A_221 = vector.broadcast %slice3A_220 : vector<625x1xi32> to vector<625x64xi32>
    %eq3A_222 = vector.broadcast %iota3A : vector<1x64xi32> to vector<625x64xi32>
    %eq3A_223 = arith.cmpi eq, %eq3A_221, %eq3A_222 : vector<625x64xi32>
    %convert_element_type3A_224 = arith.extui %eq3A_223 : vector<625x64xi1> to vector<625x64xi32>
    %convert_element_type3A_225 = arith.sitofp %convert_element_type3A_224 : vector<625x64xi32> to vector<625x64xf32>
    %add3A_226 = arith.addf %add3A_215, %convert_element_type3A_225 : vector<625x64xf32>
    %dot_general3A_227 = arith.constant dense<0.000000e+00> : vector<64x128xf32>
    %dot_general3A_228 = tpu.matmul %convert_element_type3A_225, %add3A_128, %dot_general3A_227 {dimension_numbers = #tpu.dot_dimension_numbers<[0], [0], [1], [1], [0, 1, 1, 1], [], []>, transpose_lhs_hint = false} : vector<625x64xf32>, vector<625x128xf32>, vector<64x128xf32> -> vector<64x128xf32>
    %slice3A_229 = vector.extract_strided_slice %dot_general3A_228 {offsets = [0, 64], sizes = [64, 8], strides = [1, 1]} : vector<64x128xf32> to vector<64x8xf32>
    %add3A_230 = arith.addf %add3A_219, %slice3A_229 : vector<64x8xf32>
    %slice3A_231 = vector.extract_strided_slice %get3A_131 {offsets = [0, 9], sizes = [625, 1], strides = [1, 1]} : vector<625x16xi32> to vector<625x1xi32>
    %eq3A_232 = vector.broadcast %slice3A_231 : vector<625x1xi32> to vector<625x64xi32>
    %eq3A_233 = vector.broadcast %iota3A : vector<1x64xi32> to vector<625x64xi32>
    %eq3A_234 = arith.cmpi eq, %eq3A_232, %eq3A_233 : vector<625x64xi32>
    %convert_element_type3A_235 = arith.extui %eq3A_234 : vector<625x64xi1> to vector<625x64xi32>
    %convert_element_type3A_236 = arith.sitofp %convert_element_type3A_235 : vector<625x64xi32> to vector<625x64xf32>
    %add3A_237 = arith.addf %add3A_226, %convert_element_type3A_236 : vector<625x64xf32>
    %dot_general3A_238 = arith.constant dense<0.000000e+00> : vector<64x128xf32>
    %dot_general3A_239 = tpu.matmul %convert_element_type3A_236, %add3A_128, %dot_general3A_238 {dimension_numbers = #tpu.dot_dimension_numbers<[0], [0], [1], [1], [0, 1, 1, 1], [], []>, transpose_lhs_hint = false} : vector<625x64xf32>, vector<625x128xf32>, vector<64x128xf32> -> vector<64x128xf32>
    %slice3A_240 = vector.extract_strided_slice %dot_general3A_239 {offsets = [0, 72], sizes = [64, 8], strides = [1, 1]} : vector<64x128xf32> to vector<64x8xf32>
    %add3A_241 = arith.addf %add3A_230, %slice3A_240 : vector<64x8xf32>
    %slice3A_242 = vector.extract_strided_slice %get3A_131 {offsets = [0, 10], sizes = [625, 1], strides = [1, 1]} : vector<625x16xi32> to vector<625x1xi32>
    %eq3A_243 = vector.broadcast %slice3A_242 : vector<625x1xi32> to vector<625x64xi32>
    %eq3A_244 = vector.broadcast %iota3A : vector<1x64xi32> to vector<625x64xi32>
    %eq3A_245 = arith.cmpi eq, %eq3A_243, %eq3A_244 : vector<625x64xi32>
    %convert_element_type3A_246 = arith.extui %eq3A_245 : vector<625x64xi1> to vector<625x64xi32>
    %convert_element_type3A_247 = arith.sitofp %convert_element_type3A_246 : vector<625x64xi32> to vector<625x64xf32>
    %add3A_248 = arith.addf %add3A_237, %convert_element_type3A_247 : vector<625x64xf32>
    %dot_general3A_249 = arith.constant dense<0.000000e+00> : vector<64x128xf32>
    %dot_general3A_250 = tpu.matmul %convert_element_type3A_247, %add3A_128, %dot_general3A_249 {dimension_numbers = #tpu.dot_dimension_numbers<[0], [0], [1], [1], [0, 1, 1, 1], [], []>, transpose_lhs_hint = false} : vector<625x64xf32>, vector<625x128xf32>, vector<64x128xf32> -> vector<64x128xf32>
    %slice3A_251 = vector.extract_strided_slice %dot_general3A_250 {offsets = [0, 80], sizes = [64, 8], strides = [1, 1]} : vector<64x128xf32> to vector<64x8xf32>
    %add3A_252 = arith.addf %add3A_241, %slice3A_251 : vector<64x8xf32>
    %slice3A_253 = vector.extract_strided_slice %get3A_131 {offsets = [0, 11], sizes = [625, 1], strides = [1, 1]} : vector<625x16xi32> to vector<625x1xi32>
    %eq3A_254 = vector.broadcast %slice3A_253 : vector<625x1xi32> to vector<625x64xi32>
    %eq3A_255 = vector.broadcast %iota3A : vector<1x64xi32> to vector<625x64xi32>
    %eq3A_256 = arith.cmpi eq, %eq3A_254, %eq3A_255 : vector<625x64xi32>
    %convert_element_type3A_257 = arith.extui %eq3A_256 : vector<625x64xi1> to vector<625x64xi32>
    %convert_element_type3A_258 = arith.sitofp %convert_element_type3A_257 : vector<625x64xi32> to vector<625x64xf32>
    %add3A_259 = arith.addf %add3A_248, %convert_element_type3A_258 : vector<625x64xf32>
    %dot_general3A_260 = arith.constant dense<0.000000e+00> : vector<64x128xf32>
    %dot_general3A_261 = tpu.matmul %convert_element_type3A_258, %add3A_128, %dot_general3A_260 {dimension_numbers = #tpu.dot_dimension_numbers<[0], [0], [1], [1], [0, 1, 1, 1], [], []>, transpose_lhs_hint = false} : vector<625x64xf32>, vector<625x128xf32>, vector<64x128xf32> -> vector<64x128xf32>
    %slice3A_262 = vector.extract_strided_slice %dot_general3A_261 {offsets = [0, 88], sizes = [64, 8], strides = [1, 1]} : vector<64x128xf32> to vector<64x8xf32>
    %add3A_263 = arith.addf %add3A_252, %slice3A_262 : vector<64x8xf32>
    %slice3A_264 = vector.extract_strided_slice %get3A_131 {offsets = [0, 12], sizes = [625, 1], strides = [1, 1]} : vector<625x16xi32> to vector<625x1xi32>
    %eq3A_265 = vector.broadcast %slice3A_264 : vector<625x1xi32> to vector<625x64xi32>
    %eq3A_266 = vector.broadcast %iota3A : vector<1x64xi32> to vector<625x64xi32>
    %eq3A_267 = arith.cmpi eq, %eq3A_265, %eq3A_266 : vector<625x64xi32>
    %convert_element_type3A_268 = arith.extui %eq3A_267 : vector<625x64xi1> to vector<625x64xi32>
    %convert_element_type3A_269 = arith.sitofp %convert_element_type3A_268 : vector<625x64xi32> to vector<625x64xf32>
    %add3A_270 = arith.addf %add3A_259, %convert_element_type3A_269 : vector<625x64xf32>
    %dot_general3A_271 = arith.constant dense<0.000000e+00> : vector<64x128xf32>
    %dot_general3A_272 = tpu.matmul %convert_element_type3A_269, %add3A_128, %dot_general3A_271 {dimension_numbers = #tpu.dot_dimension_numbers<[0], [0], [1], [1], [0, 1, 1, 1], [], []>, transpose_lhs_hint = false} : vector<625x64xf32>, vector<625x128xf32>, vector<64x128xf32> -> vector<64x128xf32>
    %slice3A_273 = vector.extract_strided_slice %dot_general3A_272 {offsets = [0, 96], sizes = [64, 8], strides = [1, 1]} : vector<64x128xf32> to vector<64x8xf32>
    %add3A_274 = arith.addf %add3A_263, %slice3A_273 : vector<64x8xf32>
    %slice3A_275 = vector.extract_strided_slice %get3A_131 {offsets = [0, 13], sizes = [625, 1], strides = [1, 1]} : vector<625x16xi32> to vector<625x1xi32>
    %eq3A_276 = vector.broadcast %slice3A_275 : vector<625x1xi32> to vector<625x64xi32>
    %eq3A_277 = vector.broadcast %iota3A : vector<1x64xi32> to vector<625x64xi32>
    %eq3A_278 = arith.cmpi eq, %eq3A_276, %eq3A_277 : vector<625x64xi32>
    %convert_element_type3A_279 = arith.extui %eq3A_278 : vector<625x64xi1> to vector<625x64xi32>
    %convert_element_type3A_280 = arith.sitofp %convert_element_type3A_279 : vector<625x64xi32> to vector<625x64xf32>
    %add3A_281 = arith.addf %add3A_270, %convert_element_type3A_280 : vector<625x64xf32>
    %dot_general3A_282 = arith.constant dense<0.000000e+00> : vector<64x128xf32>
    %dot_general3A_283 = tpu.matmul %convert_element_type3A_280, %add3A_128, %dot_general3A_282 {dimension_numbers = #tpu.dot_dimension_numbers<[0], [0], [1], [1], [0, 1, 1, 1], [], []>, transpose_lhs_hint = false} : vector<625x64xf32>, vector<625x128xf32>, vector<64x128xf32> -> vector<64x128xf32>
    %slice3A_284 = vector.extract_strided_slice %dot_general3A_283 {offsets = [0, 104], sizes = [64, 8], strides = [1, 1]} : vector<64x128xf32> to vector<64x8xf32>
    %add3A_285 = arith.addf %add3A_274, %slice3A_284 : vector<64x8xf32>
    %slice3A_286 = vector.extract_strided_slice %get3A_131 {offsets = [0, 14], sizes = [625, 1], strides = [1, 1]} : vector<625x16xi32> to vector<625x1xi32>
    %eq3A_287 = vector.broadcast %slice3A_286 : vector<625x1xi32> to vector<625x64xi32>
    %eq3A_288 = vector.broadcast %iota3A : vector<1x64xi32> to vector<625x64xi32>
    %eq3A_289 = arith.cmpi eq, %eq3A_287, %eq3A_288 : vector<625x64xi32>
    %convert_element_type3A_290 = arith.extui %eq3A_289 : vector<625x64xi1> to vector<625x64xi32>
    %convert_element_type3A_291 = arith.sitofp %convert_element_type3A_290 : vector<625x64xi32> to vector<625x64xf32>
    %add3A_292 = arith.addf %add3A_281, %convert_element_type3A_291 : vector<625x64xf32>
    %dot_general3A_293 = arith.constant dense<0.000000e+00> : vector<64x128xf32>
    %dot_general3A_294 = tpu.matmul %convert_element_type3A_291, %add3A_128, %dot_general3A_293 {dimension_numbers = #tpu.dot_dimension_numbers<[0], [0], [1], [1], [0, 1, 1, 1], [], []>, transpose_lhs_hint = false} : vector<625x64xf32>, vector<625x128xf32>, vector<64x128xf32> -> vector<64x128xf32>
    %slice3A_295 = vector.extract_strided_slice %dot_general3A_294 {offsets = [0, 112], sizes = [64, 8], strides = [1, 1]} : vector<64x128xf32> to vector<64x8xf32>
    %add3A_296 = arith.addf %add3A_285, %slice3A_295 : vector<64x8xf32>
    %slice3A_297 = vector.extract_strided_slice %get3A_131 {offsets = [0, 15], sizes = [625, 1], strides = [1, 1]} : vector<625x16xi32> to vector<625x1xi32>
    %eq3A_298 = vector.broadcast %slice3A_297 : vector<625x1xi32> to vector<625x64xi32>
    %eq3A_299 = vector.broadcast %iota3A : vector<1x64xi32> to vector<625x64xi32>
    %eq3A_300 = arith.cmpi eq, %eq3A_298, %eq3A_299 : vector<625x64xi32>
    %convert_element_type3A_301 = arith.extui %eq3A_300 : vector<625x64xi1> to vector<625x64xi32>
    %convert_element_type3A_302 = arith.sitofp %convert_element_type3A_301 : vector<625x64xi32> to vector<625x64xf32>
    %add3A_303 = arith.addf %add3A_292, %convert_element_type3A_302 : vector<625x64xf32>
    %dot_general3A_304 = arith.constant dense<0.000000e+00> : vector<64x128xf32>
    %dot_general3A_305 = tpu.matmul %convert_element_type3A_302, %add3A_128, %dot_general3A_304 {dimension_numbers = #tpu.dot_dimension_numbers<[0], [0], [1], [1], [0, 1, 1, 1], [], []>, transpose_lhs_hint = false} : vector<625x64xf32>, vector<625x128xf32>, vector<64x128xf32> -> vector<64x128xf32>
    %slice3A_306 = vector.extract_strided_slice %dot_general3A_305 {offsets = [0, 120], sizes = [64, 8], strides = [1, 1]} : vector<64x128xf32> to vector<64x8xf32>
    %add3A_307 = arith.addf %add3A_296, %slice3A_306 : vector<64x8xf32>
    %broadcast_in_dim3A_308 = arith.constant 1.000000e+00 : f32
    %broadcast_in_dim3A_309 = vector.broadcast %broadcast_in_dim3A_308 : f32 to vector<625x1xf32>
    %dot_general3A_310 = arith.constant dense<0.000000e+00> : vector<64x1xf32>
    %dot_general3A_311 = tpu.matmul %add3A_303, %broadcast_in_dim3A_309, %dot_general3A_310 {dimension_numbers = #tpu.dot_dimension_numbers<[0], [0], [1], [1], [0, 1, 1, 1], [], []>, transpose_lhs_hint = false} : vector<625x64xf32>, vector<625x1xf32>, vector<64x1xf32> -> vector<64x1xf32>
    %max3A_312 = arith.constant 1.000000e+00 : f32
    %max3A_313 = vector.broadcast %max3A_312 : f32 to vector<64x1xf32>
    %max3A_314 = arith.maximumf %dot_general3A_311, %max3A_313 : vector<64x1xf32>
    %div3A = vector.broadcast %max3A_314 : vector<64x1xf32> to vector<64x8xf32>
    %div3A_315 = arith.divf %add3A_307, %div3A : vector<64x8xf32>
    %get3A_316 = arith.constant 0 : index
    %get3A_317 = arith.constant 0 : index
    %get3A_318 = vector.load %arg22[%get3A_316, %get3A_317] : memref<8x1xf32, #tpu.memory_space<vmem>>, vector<8x1xf32>
    %dot_general3A_319 = arith.constant dense<0.000000e+00> : vector<64x1xf32>
    %dot_general3A_320 = tpu.matmul %div3A_315, %get3A_318, %dot_general3A_319 {dimension_numbers = #tpu.dot_dimension_numbers<[1], [0], [0], [1], [0, 0, 1, 1], [], []>, transpose_lhs_hint = false} : vector<64x8xf32>, vector<8x1xf32>, vector<64x1xf32> -> vector<64x1xf32>
    %get3A_321 = arith.constant 0 : index
    %get3A_322 = arith.constant 0 : index
    %get3A_323 = vector.load %arg23[%get3A_321, %get3A_322] : memref<1x1xf32, #tpu.memory_space<vmem>>, vector<1x1xf32>
    %add3A_324 = vector.broadcast %get3A_323 : vector<1x1xf32> to vector<64x1xf32>
    %add3A_325 = arith.addf %dot_general3A_320, %add3A_324 : vector<64x1xf32>
    %swap3A = arith.constant 0 : index
    %swap3A_326 = arith.constant 0 : index
    %swap3A_327 = vector.load %arg24[%swap3A, %swap3A_326] : memref<64x1xf32, #tpu.memory_space<vmem>>, vector<64x1xf32>
    tpu.vector_store %arg24[%swap3A, %swap3A_326], %add3A_325 {strides = array<i32>} : memref<64x1xf32, #tpu.memory_space<vmem>>, vector<64x1xf32>,
    return
  }
}

</mosaic_0001>

<sc_bundles>
// kernel: kernel.16.cloned.1.call-start
scs
__scs_entry_jumppad:
0x0: {  	(pc) =	sbr.rel $0x88, $3  }
0x1: {  	(tag) =	ssettag $0x0;
	lr =	simm.s32 $0x1  }
0x2: {  	[smem:$0x3F8B] =	sst lr;
	_ =	strace $0xD0000000  }
0x3: {  	_ = 	snop  }
0x4: {  	_ = 	snop  }
0x5: {  	_ = 	snop  }
0x6: {  	_ = 	snop  }
0x7: {  	_ = 	snop  }
__scs_overlays_trampoline_lowered:
0x8: {  	[smem:$0x3F9A] =	sst s0  }
0x9: {  	[smem:$0x3F9B] =	sst s1  }
0xa: {  	[smem:$0x3F9C] =	sst s2  }
0xb: {  	[smem:$0x3F9D] =	sst s3  }
0xc: {  	[smem:$0x3F9E] =	sst s4  }
0xd: {  	[smem:$0x3F9F] =	sst s5  }
0xe: {  	[smem:$0x3FA0] =	sst s6  }
0xf: {  	[smem:$0x3FA1] =	sst s7  }
0x10: {  	[smem:$0x3FA2] =	sst s8  }
0x11: {  	[smem:$0x3FA3] =	sst s9;
	s0 =	simm.s32 @!p0 $0x0  }
0x12: {  	s1 =	sld [smem:$0x3F89];
	s0 =	simm.s32 @p0 $0x1  }
0x13: {  	[smem:$0x3FA4] =	sst s0;
	s0 =	simm.s32 @!p1 $0x0  }
0x14: {  	s2 =	sld [smem:$0x3F88];
	s0 =	simm.s32 @p1 $0x1  }
0x15: {  	[smem:$0x3FA5] =	sst s0;
	s0 =	simm.s32 @!p2 $0x0  }
0x16: {  	s3 =	sld [smem:$0x3FDB];
	s0 =	simm.s32 @p2 $0x1  }
0x17: {  	s4 =	simm.s32 $0x1BF5;
	[smem:$0x3FA7] =	sst s0  }
0x18: {  	s0 =	sld [smem:$0x3F8A];
	_ =	swait.ge [sflag:s4], $0x0  }
0x19: {  	s7 =	sld [smem:$0x3F8B]  }
0x1a: {  	s8 =	sadd.s32 $0xFFFFE003, lr  }
0x1b: {  	s9 =	sadd.s32 $0xFFFFFEF7, lr;
	s5 =	simm.s32 $0xFFFFFFFF;
	p2 =	slt.u32 s8, $0xFFFFF086  }
0x1c: {  	p1 =	slt.u32 s9, $0xF7A;
	s5 =	simm.s32 @!p2 $0x0  }
0x1d: {  	s5 =	simm.s32 @p1 $0x1;
	p0 =	seq.s32 s7, s2  }
0x1e: {  	s7 =	smul.u32 @!p0 $0xF7A, s2;
	p2 =	seq.s32 @!p0 s5, $0x0  }
0x1f: {  	s9 =	smul.u32 $0xF7A, s1;
	s8 =	simm.s32 @!p0 $0x1BF5;
	p2 =	por !p2, p0  }
0x20: {  	[sflag:s8] =	ssyncset.s32 @!p0 $0xFFFFF086;
	s6 =	sadd.s32 @!p0 s3, s7;
	s7 =	simm.s32 @!p0 $0x108  }
0x21: {  	s3 =	sadd.s32 s3, s9;
	s6 =	sadd.s32 @!p0 $0x88, s6;
	s7 =	simm.s32 @p2 $0x1082  }
0x22: {  	[simem:s7], [sflag:s8] =	dma.local @!p0 [hbm:s6], $0xF7A  }
0x23: {  	s9 =	sor.u32 $0xD0000000, s2;
	s6 =	simm.s32 $0x108;
	_ =	swait.ge @!p0 [sflag:s8], $0x0  }
0x24: {  	s3 =	sadd.s32 $0x88, s3;
	s6 =	simm.s32 @!p1 $0x1082;
	[sflag:s4] =	ssyncset.s32 $0xFFFFF086  }
0x25: {  	[simem:s6], [sflag:s4] =	dma.local [hbm:s3], $0xF7A  }
0x26: {  	[smem:$0x3F8B] =	sst s1;
	(tag) =	ssettag s2;
	_ =	strace s9  }
0x27: {  	s1 =	sld [smem:$0x3F9B]  }
0x28: {  	s2 =	sld [smem:$0x3F9C]  }
0x29: {  	s4 =	sld [smem:$0x3F9E]  }
0x2a: {  	p0 =	seq.s32 s5, $0x0;
	s5 =	sld [smem:$0x3F9F]  }
0x2b: {  	s6 =	sld [smem:$0x3FA0]  }
0x2c: {  	s7 =	sld [smem:$0x3FA1]  }
0x2d: {  	s3 =	simm.s32 $0x108;
	s8 =	sld [smem:$0x3FA2]  }
0x2e: {  	s3 =	simm.s32 @!p0 $0x1082;
	s9 =	sld [smem:$0x3FA3]  }
0x2f: {  	lr =	sadd.s32 s0, s3;
	s0 =	sld [smem:$0x3F9A]  }
0x30: {  	s3 =	sld [smem:$0x3F9D]  }
0x31: {  	[smem:$0x3FA6] =	sst s10  }
0x32: {  	s10 =	sld [smem:$0x3FA4];
	_ =	sdelay $0x3  }
0x33: {  	p0 =	seq.s32 s10, $0x1;
	s10 =	sld [smem:$0x3FA6];
	_ =	sdelay $0x3  }
0x34: {  	[smem:$0x3FA6] =	sst s10  }
0x35: {  	s10 =	sld [smem:$0x3FA5];
	_ =	sdelay $0x3  }
0x36: {  	p1 =	seq.s32 s10, $0x1;
	s10 =	sld [smem:$0x3FA6];
	_ =	sdelay $0x3  }
0x37: {  	[smem:$0x3FA6] =	sst s10  }
0x38: {  	s10 =	sld [smem:$0x3FA7]  }
0x39: {  	_ = 	snop;
	(pc) =	sbr.ind lr, $3  }
0x3a: {  	_ = 	snop  }
0x3b: {  	_ = 	snop  }
0x3c: {  	p2 =	seq.s32 s10, $0x1;
	s10 =	sld [smem:$0x3FA6]  }
0x3d: {  	_ =	shalt  }
0x3e: {  	_ =	shalt  }
0x3f: {  	_ =	shalt  }
0x40: {  	_ =	shalt  }
0x41: {  	_ =	shalt  }
0x42: {  	_ =	shalt  }
0x43: {  	_ =	shalt  }
0x44: {  	_ =	shalt  }
0x45: {  	_ =	shalt  }
0x46: {  	_ =	shalt  }
0x47: {  	_ =	shalt  }
0x48: {  	_ =	shalt  }
0x49: {  	_ =	shalt  }
0x4a: {  	_ =	shalt  }
0x4b: {  	_ =	shalt  }
0x4c: {  	_ =	shalt  }
0x4d: {  	_ =	shalt  }
0x4e: {  	_ =	shalt  }
0x4f: {  	_ =	shalt  }
0x50: {  	_ =	shalt  }
0x51: {  	_ =	shalt  }
0x52: {  	_ =	shalt  }
0x53: {  	_ =	shalt  }
0x54: {  	_ =	shalt  }
0x55: {  	_ =	shalt  }
0x56: {  	_ =	shalt  }
0x57: {  	_ =	shalt  }
0x58: {  	_ =	shalt  }
0x59: {  	_ =	shalt  }
0x5a: {  	_ =	shalt  }
0x5b: {  	_ =	shalt  }
0x5c: {  	_ =	shalt  }
0x5d: {  	_ =	shalt  }
0x5e: {  	_ =	shalt  }
0x5f: {  	_ =	shalt  }
0x60: {  	_ =	shalt  }
0x61: {  	_ =	shalt  }
0x62: {  	_ =	shalt  }
0x63: {  	_ =	shalt  }
0x64: {  	_ =	shalt  }
0x65: {  	_ =	shalt  }
0x66: {  	_ =	shalt  }
0x67: {  	_ =	shalt  }
0x68: {  	_ =	shalt  }
0x69: {  	_ =	shalt  }
0x6a: {  	_ =	shalt  }
0x6b: {  	_ =	shalt  }
0x6c: {  	_ =	shalt  }
0x6d: {  	_ =	shalt  }
0x6e: {  	_ =	shalt  }
0x6f: {  	_ =	shalt  }
0x70: {  	_ =	shalt  }
0x71: {  	_ =	shalt  }
0x72: {  	_ =	shalt  }
0x73: {  	_ =	shalt  }
0x74: {  	_ =	shalt  }
0x75: {  	_ =	shalt  }
0x76: {  	_ =	shalt  }
0x77: {  	_ =	shalt  }
0x78: {  	_ =	shalt  }
0x79: {  	_ =	shalt  }
0x7a: {  	_ =	shalt  }
0x7b: {  	_ =	shalt  }
0x7c: {  	_ =	shalt  }
0x7d: {  	_ =	shalt  }
0x7e: {  	_ =	shalt  }
0x7f: {  	_ =	shalt  }
0x80: {  	_ =	shalt  }
0x81: {  	_ =	shalt  }
0x82: {  	_ =	shalt  }
0x83: {  	_ =	shalt  }
0x84: {  	_ =	shalt  }
0x85: {  	_ =	shalt  }
0x86: {  	_ =	shalt  }
0x87: {  	_ =	shalt  }
.Lfunc_end0:
.L_simem_size_0:
called_computation_lowered:
.L_overlay_start_0:
0x88: {  	s2 =	sld [smem:$0x3FD9]  }
0x89: {  	s3 =	sld [smem:$0x3FFE];
	_ =	sdelay $0x1  }
0x8a: {  	s1 =	srdreg.scid  }
0x8b: {  	s0 =	sand.u32 $0x1, s1  }
0x8c: {  	s16 =	sshll.u32 s0, $0xA;
	s2 =	sadd.s32 s3, s2  }
0x8d: {  	s2 =	sadd.s32 s2, s16  }
0x8e: {  	[smem:$0x3FB2] =	sst s2  }
0x8f: {  	_ = 	snop  }
0x90: {  	(tm) =	ssettm $0x1  }
0x91: {  	s17 =	sld [smem:$0x3FFB];
	_ =	sdelay $0x3  }
0x92: {  	_ =	strace s17  }
0x93: {  	s2 =	sld [smem:$0x3FFC];
	_ =	sdelay $0x3  }
0x94: {  	_ =	strace s2  }
0x95: {  	s2 =	sld [smem:$0x3FFD];
	_ =	sdelay $0x3  }
0x96: {  	_ =	strace s2  }
0x97: {  	_ =	strace $0x8FFFFFFF  }
0x98: {  	s18 =	sld [smem:$0x3FDB];
	_ =	sdelay $0x1  }
0x99: {  	s19 =	simm.s32 $_scs_section_size  }
0x9a: {  	s4 =	simm.s32 $_size__tile_overlayer_lowered;
	s5 =	simm.s32 $_tile_overlayer_lowered  }
0x9b: {  	s22 =	simm.s32 $0x1BFF;
	s21 =	sshll.u32 s5, $0x1;
	s2 =	sadd.s32 s19, s18  }
0x9c: {  	s6 =	simm.s32 $0x0;
	s20 =	sshll.u32 s4, $0x1;
	s4 =	sadd.s32 s21, s2  }
0x9d: {  	[timem:s6], [sflag:s22] =	dma.local [hbm:s4], s20  }
0x9e: {  	_ =	swait.ge [sflag:s22], s20  }
0x9f: {  	s3 =	ssub.s32 $0x0, s20;
	[sflag:s22] =	ssyncset.done $0x0  }
0xa0: {  	[sflag:s22] =	ssyncadd.s32 s3;
	_ =	sdelay $0x1  }
0xa1: {  	s23 =	simm.s32 $0x1B8B  }
0xa2: {  	_ =	swait.ge [sflag:s23], $0x1  }
0xa3: {  	[sflag:s23] =	ssyncset.done $0x0  }
0xa4: {  	s25 =	simm.s32 $0x1B8E;
	s24 =	sld [smem:$0x3FFE];
	[sflag:s23] =	ssyncadd.s32 $0xFFFFFFFF  }
0xa5: {  	s26 =	simm.s32 $execute0_lowered;
	[smem:$0x3FD2] =	sst s25  }
0xa6: {  	s4 =	sshll.u32 s26, $0x1;
	_ =	strace $0x80000046;
	[dreg:$0x1] =	wrdreg $0xFFFFFFFF  }
0xa7: {  	s28 =	simm.s32 $_size_execute0_lowered;
	s2 =	sadd.s32 s2, s4;
	[dreg:$0x0] =	wrdreg $0x0  }
0xa8: {  	s4 =	sshll.u32 s28, $0x1;
	[dreg:$0x2] =	wrdreg s2  }
0xa9: {  	[dreg:$0x3] =	wrdreg s4  }
0xaa: {  	[dreg:$0x4] =	wrdreg $0xC0  }
0xab: {  	_ =	task [dreg:s6], $0x5FFFF  }
0xac: {  	[dreg:$0x1] =	wrdreg $0xFFFFFFFF  }
0xad: {  	[dreg:$0x0] =	wrdreg $0x60  }
0xae: {  	[dreg:$0x2] =	wrdreg s24  }
0xaf: {  	[dreg:$0x3] =	wrdreg $0x9  }
0xb0: {  	_ =	task.clear_ibuf [dreg:s6], $0x4FFFF;
	_ =	strace $0x90000046  }
0xb1: {  	s29 =	simm.s32 $0x9;
	_ =	strace $0x80000048  }
0xb2: {  	_ =	swait.ge [sflag:s29], $0x1  }
0xb3: {  	[sflag:s29] =	ssyncadd.s32 $0xFFFFFFFF  }
0xb4: {  	_ =	strace $0x90000048  }
0xb5: {  	_ =	sfence  }
0xb6: {  	s30 =	sld [smem:$0x0];
	_ =	sdelay $0x2  }
0xb7: {  	s31 =	sshll.u32 s1, $0xD;
	s1 =	sshrl.u32 s1, $0x2  }
0xb8: {  	s3 =	sand.u32 $0x4000, s31;
	s1 =	sadd.s32 s1, s30  }
0xb9: {  	s0 =	sor.u32 s3, s0;
	s1 =	sshll.u32 s1, $0x11  }
0xba: {  	s0 =	sor.u32 s1, s0  }
0xbb: {  	s0 =	sadd.s32 $0x8F2B, s0  }
0xbc: {  	[sflag:s0] =	ssyncadd.remote.s32 $0x1  }
0xbd: {  	_ =	sfence.sel $0xFFFF  }
0xbe: {  	[dreg:$0x0] =	wrdreg $0xFFFFFFFF;
	(pc) =	sbr.abs _section_cstart, $3  }
0xbf: {  	[dreg:$0x1] =	wrdreg $0xFFFFFFFF  }
0xc0: {  	_ =	task.clear_ibuf [dreg:s6], $0x2FFFF;
	_ =	strace $0x9FFFFFFF  }
0xc1: {  	(tm) =	ssettm $0x7FFFFFFF  }
tec
execute0_lowered:
.L_overlay_start_1:
0x0: {  	(tag) =	ssettag $0x1  }
0x1: {  	s1 =	srdreg.scid  }
0x2: {  	s0 =	stileid.u32;
	s4 =	rddreg [dreg:$0x0];
	s2 =	simm.s32 $0x0  }
0x3: {  	s9 =	simm.s32 $0x2800;
	s3 =	sand.u32 $0x1, s1;
	s5 =	sshll.u32 s0, $0x1  }
0x4: {  	s10 =	simm.s32 $0x0;
	s1 =	rddreg [dreg:$0x1];
	s5 =	sor.u32 s3, s5  }
0x5: {  	[smem:$0x7FF] =	sst s2;
	s7 =	ssub.s32 $0x2, s3;
	s6 =	smul.u32 $0x500, s5  }
0x6: {  	_ =	strace $0x80000047;
	s5 =	smul.u32 $0x2710, s5;
	s8 =	sshrl.u32 s7, $0x1  }
0x7: {  	s3 =	sadd.s32 $0x5C00, s4;
	s7 =	ssub.s32 s7, s8;
	s6 =	sadd.s32 s6, s4  }
0x8: {  	s8 =	simm.s32 $0x1;
	s5 =	sadd.s32 s5, s4;
	s4 =	sadd.s32 $0x8400, s6  }
0x9: {  	s5 =	sadd.s32 $0x12400, s5;
	s6 =	smax.u32 s7, $0x1;
	s7 =	simm.s32 $0x2  }
.LBB2_1:
0xa: {  	[tilespmem:s2], [sflag:$0x2] =	stream.linear.gather [hbm4b:s4+s2], $0x2800, $0x38;
	[tilespmem:$0x16080] =	vst v63  }
0xb: {  	_ =	swait.ge [sflag:s7], $0x2800  }
0xc: {  	s11 =	simm.s32 $0x0;
	[sflag:s7] =	ssyncset.done $0x0  }
0xd: {  	s12 =	simm.s32 $0x2800;
	s13 =	simm.s32 $0x0;
	[sflag:s7] =	ssyncadd.s32 $0xFFFFD800  }
.LBB2_2:
0xe: {  	p0 =	sgt.u32 s13, $0x4F  }
0xf: {  	s14 =	simm.s32 @!p0 $0x7D;
	p1 =	slt.u32 @!p0 s13, $0x20  }
0x10: {  	[tilespmem:s12], [sflag:$0x1] =	stream.indirect.gather @!p0 [hbm4b:s3+s14], $0x8, s11, s14, $0xb8;
	[tilespmem:$0x16080] =	vst v63  }
0x11: {  	p0 =	por p0, !p1  }
0x12: {  	_ =	swait.ge @p0 [sflag:s8], $0x3E8  }
0x13: {  	s13 =	sadd.s32 $0x1, s13;
	[sflag:s8] =	ssyncset.done @p0 $0x0  }
0x14: {  	[sflag:s8] =	ssyncadd.s32 @p0 $0xFFFFFC18;
	p0 =	sne.s32 s13, $0x70  }
.Ltmp0:
0x15: {  	_ = 	snop;
	(pc) =	sbr.rel @p0 .LBB2_2-.Ltmp0, $2  }
0x16: {  	_ =	sdelay $0x2  }
0x17: {  	s12 =	sadd.s32 $0x3E8, s12;
	s11 =	sadd.s32 $0x80, s11  }
0x18: {  	s10 =	sadd.s32 $0x1, s10  }
0x19: {  	p0 =	sne.s32 s10, s6  }
.Ltmp1:
0x1a: {  	_ = 	snop;
	(pc) =	sbr.rel @p0 .LBB2_1-.Ltmp1, $4  }
0x1b: {  	[hbm4b:s5+s2] =	stream.linear.scatter [tilespmem:s9], [sflag:$0x2], $0x13880, $0x38;
	[tilespmem:$0x16080] =	vst v63  }
0x1c: {  	_ =	swait.ge [sflag:s7], $0x13880  }
0x1d: {  	[sflag:s7] =	ssyncset.done $0x0  }
0x1e: {  	[sflag:s7] =	ssyncadd.s32 $0xFFFEC780  }
0x1f: {  	_ =	sfence.sel $0x180000  }
0x20: {  	[bflag:$0x0] =	sbarrier.arrive $0xFFFF  }
0x21: {  	p0 =	sne.s32 s0, $0x0;
	_ =	strace $0x90000047  }
0x22: {  	s0 =	sadd.s32 @!p0 $0x100000, s1;
	[bflag:$0x2] =	sbarrier.arrive $0xFFFF  }
0x23: {  	[sflag:s0] =	ssyncadd.tile.s32 @!p0 $0x1;
	_ =	shalt  }
.Lfunc_end2:
_tile_overlayer_lowered:
.L_overlay_start_2:
0x24: {  	(tag) =	ssettag $0x2  }
0x25: {  	s0 =	rddreg [dreg:$0x0];
	s2 =	stileid.u32  }
0x26: {  	s1 =	rddreg [dreg:$0x1];
	p0 =	sne.s32 s2, $0x0  }
0x27: {  	s3 =	rddreg [dreg:$0x2];
	[bflag:$0x3] =	sbarrier.arrive $0xFFFF;
	s2 =	simm.s32 @!p0 $0x1C02  }
0x28: {  	[timem:s3], [sflag:s2] =	dma.local @!p0 [hbm:s0], s1  }
0x29: {  	s0 =	simm.s32 @!p0 $0x2  }
0x2a: {  	_ =	swait.ge @!p0 [sflag:s0], s1  }
0x2b: {  	s1 =	ssub.s32 @!p0 $0x0, s1;
	[sflag:s0] =	ssyncset.done @!p0 $0x0  }
0x2c: {  	[sflag:s0] =	ssyncadd.s32 @!p0 s1  }
0x2d: {  	[bflag:$0x3] =	sbarrier.arrive $0xFFFF  }
0x2e: {  	_ =	shalt  }

// kernel: kernel.19.cloned.1.call-start
scs
__scs_entry_jumppad:
0x0: {  	(pc) =	sbr.rel $0x88, $3  }
0x1: {  	(tag) =	ssettag $0x0;
	lr =	simm.s32 $0x1  }
0x2: {  	[smem:$0x3F8B] =	sst lr;
	_ =	strace $0xD0000000  }
0x3: {  	_ = 	snop  }
0x4: {  	_ = 	snop  }
0x5: {  	_ = 	snop  }
0x6: {  	_ = 	snop  }
0x7: {  	_ = 	snop  }
__scs_overlays_trampoline_lowered:
0x8: {  	[smem:$0x3F9A] =	sst s0  }
0x9: {  	[smem:$0x3F9B] =	sst s1  }
0xa: {  	[smem:$0x3F9C] =	sst s2  }
0xb: {  	[smem:$0x3F9D] =	sst s3  }
0xc: {  	[smem:$0x3F9E] =	sst s4  }
0xd: {  	[smem:$0x3F9F] =	sst s5  }
0xe: {  	[smem:$0x3FA0] =	sst s6  }
0xf: {  	[smem:$0x3FA1] =	sst s7  }
0x10: {  	[smem:$0x3FA2] =	sst s8  }
0x11: {  	[smem:$0x3FA3] =	sst s9;
	s0 =	simm.s32 @!p0 $0x0  }
0x12: {  	s1 =	sld [smem:$0x3F89];
	s0 =	simm.s32 @p0 $0x1  }
0x13: {  	[smem:$0x3FA4] =	sst s0;
	s0 =	simm.s32 @!p1 $0x0  }
0x14: {  	s2 =	sld [smem:$0x3F88];
	s0 =	simm.s32 @p1 $0x1  }
0x15: {  	[smem:$0x3FA5] =	sst s0;
	s0 =	simm.s32 @!p2 $0x0  }
0x16: {  	s3 =	sld [smem:$0x3FDB];
	s0 =	simm.s32 @p2 $0x1  }
0x17: {  	s4 =	simm.s32 $0x1BF5;
	[smem:$0x3FA7] =	sst s0  }
0x18: {  	s0 =	sld [smem:$0x3F8A];
	_ =	swait.ge [sflag:s4], $0x0  }
0x19: {  	s7 =	sld [smem:$0x3F8B]  }
0x1a: {  	s8 =	sadd.s32 $0xFFFFE003, lr  }
0x1b: {  	s9 =	sadd.s32 $0xFFFFFEF7, lr;
	s5 =	simm.s32 $0xFFFFFFFF;
	p2 =	slt.u32 s8, $0xFFFFF086  }
0x1c: {  	p1 =	slt.u32 s9, $0xF7A;
	s5 =	simm.s32 @!p2 $0x0  }
0x1d: {  	s5 =	simm.s32 @p1 $0x1;
	p0 =	seq.s32 s7, s2  }
0x1e: {  	s7 =	smul.u32 @!p0 $0xF7A, s2;
	p2 =	seq.s32 @!p0 s5, $0x0  }
0x1f: {  	s9 =	smul.u32 $0xF7A, s1;
	s8 =	simm.s32 @!p0 $0x1BF5;
	p2 =	por !p2, p0  }
0x20: {  	[sflag:s8] =	ssyncset.s32 @!p0 $0xFFFFF086;
	s6 =	sadd.s32 @!p0 s3, s7;
	s7 =	simm.s32 @!p0 $0x108  }
0x21: {  	s3 =	sadd.s32 s3, s9;
	s6 =	sadd.s32 @!p0 $0x88, s6;
	s7 =	simm.s32 @p2 $0x1082  }
0x22: {  	[simem:s7], [sflag:s8] =	dma.local @!p0 [hbm:s6], $0xF7A  }
0x23: {  	s9 =	sor.u32 $0xD0000000, s2;
	s6 =	simm.s32 $0x108;
	_ =	swait.ge @!p0 [sflag:s8], $0x0  }
0x24: {  	s3 =	sadd.s32 $0x88, s3;
	s6 =	simm.s32 @!p1 $0x1082;
	[sflag:s4] =	ssyncset.s32 $0xFFFFF086  }
0x25: {  	[simem:s6], [sflag:s4] =	dma.local [hbm:s3], $0xF7A  }
0x26: {  	[smem:$0x3F8B] =	sst s1;
	(tag) =	ssettag s2;
	_ =	strace s9  }
0x27: {  	s1 =	sld [smem:$0x3F9B]  }
0x28: {  	s2 =	sld [smem:$0x3F9C]  }
0x29: {  	s4 =	sld [smem:$0x3F9E]  }
0x2a: {  	p0 =	seq.s32 s5, $0x0;
	s5 =	sld [smem:$0x3F9F]  }
0x2b: {  	s6 =	sld [smem:$0x3FA0]  }
0x2c: {  	s7 =	sld [smem:$0x3FA1]  }
0x2d: {  	s3 =	simm.s32 $0x108;
	s8 =	sld [smem:$0x3FA2]  }
0x2e: {  	s3 =	simm.s32 @!p0 $0x1082;
	s9 =	sld [smem:$0x3FA3]  }
0x2f: {  	lr =	sadd.s32 s0, s3;
	s0 =	sld [smem:$0x3F9A]  }
0x30: {  	s3 =	sld [smem:$0x3F9D]  }
0x31: {  	[smem:$0x3FA6] =	sst s10  }
0x32: {  	s10 =	sld [smem:$0x3FA4];
	_ =	sdelay $0x3  }
0x33: {  	p0 =	seq.s32 s10, $0x1;
	s10 =	sld [smem:$0x3FA6];
	_ =	sdelay $0x3  }
0x34: {  	[smem:$0x3FA6] =	sst s10  }
0x35: {  	s10 =	sld [smem:$0x3FA5];
	_ =	sdelay $0x3  }
0x36: {  	p1 =	seq.s32 s10, $0x1;
	s10 =	sld [smem:$0x3FA6];
	_ =	sdelay $0x3  }
0x37: {  	[smem:$0x3FA6] =	sst s10  }
0x38: {  	s10 =	sld [smem:$0x3FA7]  }
0x39: {  	_ = 	snop;
	(pc) =	sbr.ind lr, $3  }
0x3a: {  	_ = 	snop  }
0x3b: {  	_ = 	snop  }
0x3c: {  	p2 =	seq.s32 s10, $0x1;
	s10 =	sld [smem:$0x3FA6]  }
0x3d: {  	_ =	shalt  }
0x3e: {  	_ =	shalt  }
0x3f: {  	_ =	shalt  }
0x40: {  	_ =	shalt  }
0x41: {  	_ =	shalt  }
0x42: {  	_ =	shalt  }
0x43: {  	_ =	shalt  }
0x44: {  	_ =	shalt  }
0x45: {  	_ =	shalt  }
0x46: {  	_ =	shalt  }
0x47: {  	_ =	shalt  }
0x48: {  	_ =	shalt  }
0x49: {  	_ =	shalt  }
0x4a: {  	_ =	shalt  }
0x4b: {  	_ =	shalt  }
0x4c: {  	_ =	shalt  }
0x4d: {  	_ =	shalt  }
0x4e: {  	_ =	shalt  }
0x4f: {  	_ =	shalt  }
0x50: {  	_ =	shalt  }
0x51: {  	_ =	shalt  }
0x52: {  	_ =	shalt  }
0x53: {  	_ =	shalt  }
0x54: {  	_ =	shalt  }
0x55: {  	_ =	shalt  }
0x56: {  	_ =	shalt  }
0x57: {  	_ =	shalt  }
0x58: {  	_ =	shalt  }
0x59: {  	_ =	shalt  }
0x5a: {  	_ =	shalt  }
0x5b: {  	_ =	shalt  }
0x5c: {  	_ =	shalt  }
0x5d: {  	_ =	shalt  }
0x5e: {  	_ =	shalt  }
0x5f: {  	_ =	shalt  }
0x60: {  	_ =	shalt  }
0x61: {  	_ =	shalt  }
0x62: {  	_ =	shalt  }
0x63: {  	_ =	shalt  }
0x64: {  	_ =	shalt  }
0x65: {  	_ =	shalt  }
0x66: {  	_ =	shalt  }
0x67: {  	_ =	shalt  }
0x68: {  	_ =	shalt  }
0x69: {  	_ =	shalt  }
0x6a: {  	_ =	shalt  }
0x6b: {  	_ =	shalt  }
0x6c: {  	_ =	shalt  }
0x6d: {  	_ =	shalt  }
0x6e: {  	_ =	shalt  }
0x6f: {  	_ =	shalt  }
0x70: {  	_ =	shalt  }
0x71: {  	_ =	shalt  }
0x72: {  	_ =	shalt  }
0x73: {  	_ =	shalt  }
0x74: {  	_ =	shalt  }
0x75: {  	_ =	shalt  }
0x76: {  	_ =	shalt  }
0x77: {  	_ =	shalt  }
0x78: {  	_ =	shalt  }
0x79: {  	_ =	shalt  }
0x7a: {  	_ =	shalt  }
0x7b: {  	_ =	shalt  }
0x7c: {  	_ =	shalt  }
0x7d: {  	_ =	shalt  }
0x7e: {  	_ =	shalt  }
0x7f: {  	_ =	shalt  }
0x80: {  	_ =	shalt  }
0x81: {  	_ =	shalt  }
0x82: {  	_ =	shalt  }
0x83: {  	_ =	shalt  }
0x84: {  	_ =	shalt  }
0x85: {  	_ =	shalt  }
0x86: {  	_ =	shalt  }
0x87: {  	_ =	shalt  }
.Lfunc_end0:
.L_simem_size_0:
called_computation.1_lowered:
.L_overlay_start_0:
0x88: {  	s2 =	sld [smem:$0x3FD9]  }
0x89: {  	s3 =	sld [smem:$0x3FFE];
	_ =	sdelay $0x1  }
0x8a: {  	s1 =	srdreg.scid  }
0x8b: {  	s0 =	sand.u32 $0x1, s1  }
0x8c: {  	s16 =	sshll.u32 s0, $0xA;
	s2 =	sadd.s32 s3, s2  }
0x8d: {  	s2 =	sadd.s32 s2, s16  }
0x8e: {  	[smem:$0x3FB2] =	sst s2  }
0x8f: {  	_ = 	snop  }
0x90: {  	(tm) =	ssettm $0x1  }
0x91: {  	s17 =	sld [smem:$0x3FFB];
	_ =	sdelay $0x3  }
0x92: {  	_ =	strace s17  }
0x93: {  	s2 =	sld [smem:$0x3FFC];
	_ =	sdelay $0x3  }
0x94: {  	_ =	strace s2  }
0x95: {  	s2 =	sld [smem:$0x3FFD];
	_ =	sdelay $0x3  }
0x96: {  	_ =	strace s2  }
0x97: {  	_ =	strace $0x8FFFFFFF  }
0x98: {  	s18 =	sld [smem:$0x3FDB];
	_ =	sdelay $0x1  }
0x99: {  	s19 =	simm.s32 $_scs_section_size  }
0x9a: {  	s4 =	simm.s32 $_size__tile_overlayer_lowered;
	s5 =	simm.s32 $_tile_overlayer_lowered  }
0x9b: {  	s22 =	simm.s32 $0x1BFF;
	s21 =	sshll.u32 s5, $0x1;
	s2 =	sadd.s32 s19, s18  }
0x9c: {  	s6 =	simm.s32 $0x0;
	s20 =	sshll.u32 s4, $0x1;
	s4 =	sadd.s32 s21, s2  }
0x9d: {  	[timem:s6], [sflag:s22] =	dma.local [hbm:s4], s20  }
0x9e: {  	_ =	swait.ge [sflag:s22], s20  }
0x9f: {  	s3 =	ssub.s32 $0x0, s20;
	[sflag:s22] =	ssyncset.done $0x0  }
0xa0: {  	[sflag:s22] =	ssyncadd.s32 s3;
	_ =	sdelay $0x1  }
0xa1: {  	s23 =	simm.s32 $0x1B8B  }
0xa2: {  	_ =	swait.ge [sflag:s23], $0x1  }
0xa3: {  	[sflag:s23] =	ssyncset.done $0x0  }
0xa4: {  	s25 =	simm.s32 $0x1B8E;
	s24 =	sld [smem:$0x3FFE];
	[sflag:s23] =	ssyncadd.s32 $0xFFFFFFFF  }
0xa5: {  	s26 =	simm.s32 $execute0_lowered;
	[smem:$0x3FD2] =	sst s25  }
0xa6: {  	s4 =	sshll.u32 s26, $0x1;
	_ =	strace $0x80000049;
	[dreg:$0x1] =	wrdreg $0xFFFFFFFF  }
0xa7: {  	s28 =	simm.s32 $_size_execute0_lowered;
	s2 =	sadd.s32 s2, s4;
	[dreg:$0x0] =	wrdreg $0x0  }
0xa8: {  	s4 =	sshll.u32 s28, $0x1;
	[dreg:$0x2] =	wrdreg s2  }
0xa9: {  	[dreg:$0x3] =	wrdreg s4  }
0xaa: {  	[dreg:$0x4] =	wrdreg $0xC0  }
0xab: {  	_ =	task [dreg:s6], $0x5FFFF  }
0xac: {  	[dreg:$0x1] =	wrdreg $0xFFFFFFFF  }
0xad: {  	[dreg:$0x0] =	wrdreg $0x60  }
0xae: {  	[dreg:$0x2] =	wrdreg s24  }
0xaf: {  	[dreg:$0x3] =	wrdreg $0x160800  }
0xb0: {  	[dreg:$0x4] =	wrdreg $0x9  }
0xb1: {  	_ =	task.clear_ibuf [dreg:s6], $0x5FFFF;
	_ =	strace $0x90000049  }
0xb2: {  	s29 =	simm.s32 $0x9;
	_ =	strace $0x8000004B  }
0xb3: {  	_ =	swait.ge [sflag:s29], $0x1  }
0xb4: {  	[sflag:s29] =	ssyncadd.s32 $0xFFFFFFFF  }
0xb5: {  	_ =	strace $0x9000004B  }
0xb6: {  	_ =	sfence  }
0xb7: {  	s30 =	sld [smem:$0x0];
	_ =	sdelay $0x2  }
0xb8: {  	s31 =	sshll.u32 s1, $0xD;
	s1 =	sshrl.u32 s1, $0x2  }
0xb9: {  	s3 =	sand.u32 $0x4000, s31;
	s1 =	sadd.s32 s1, s30  }
0xba: {  	s0 =	sor.u32 s3, s0;
	s1 =	sshll.u32 s1, $0x11  }
0xbb: {  	s0 =	sor.u32 s1, s0  }
0xbc: {  	s0 =	sadd.s32 $0x8F2B, s0  }
0xbd: {  	[sflag:s0] =	ssyncadd.remote.s32 $0x1  }
0xbe: {  	_ =	sfence.sel $0xFFFF  }
0xbf: {  	[dreg:$0x0] =	wrdreg $0xFFFFFFFF;
	(pc) =	sbr.abs _section_cstart, $3  }
0xc0: {  	[dreg:$0x1] =	wrdreg $0xFFFFFFFF  }
0xc1: {  	_ =	task.clear_ibuf [dreg:s6], $0x2FFFF;
	_ =	strace $0x9FFFFFFF  }
0xc2: {  	(tm) =	ssettm $0x7FFFFFFF  }
0xc3: {  	_ =	shalt  }
tec
execute0_lowered:
.L_overlay_start_1:
0x0: {  	(tag) =	ssettag $0x1  }
0x1: {  	s1 =	srdreg.scid;
	s5 =	rddreg [dreg:$0x0]  }
0x2: {  	s0 =	stileid.u32;
	s2 =	rddreg [dreg:$0x1];
	s3 =	simm.s32 $0x0  }
0x3: {  	s4 =	sand.u32 $0x1, s1;
	s30 =	sshll.u32 s0, $0x1;
	s8 =	smul.u32 $0x1388, s0  }
0x4: {  	s13 =	simm.s32 $0x2;
	s1 =	sor.u32 s4, s30;
	s9 =	smul.u32 $0x13880, s4  }
0x5: {  	s14 =	simm.s32 $0x0;
	[smem:$0x7FF] =	sst s3;
	s6 =	smul.u32 $0x2710, s1  }
0x6: {  	s31 =	sshll.u32 s0, $0x6;
	s4 =	ssub.s32 $0x2, s4;
	s7 =	smul.u32 $0x500, s1  }
0x7: {  	s1 =	rddreg [dreg:$0x2];
	_ =	strace $0x8000004A;
	s10 =	sshrl.u32 s8, $0x3  }
0x8: {  	s11 =	sshrl.u32 s4, $0x1;
	s12 =	sadd.s32 s8, s2;
	s9 =	sadd.s32 s8, s9  }
0x9: {  	s10 =	sadd.s32 s10, s5;
	s11 =	ssub.s32 s4, s11;
	s6 =	sadd.s32 s6, s5  }
0xa: {  	s7 =	sadd.s32 s7, s5;
	s9 =	sshrl.u32 s9, $0x3;
	s4 =	sadd.s32 $0x5C00, s10  }
0xb: {  	s10 =	sshrl.u32 s12, $0x3;
	s12 =	simm.s32 $0x1;
	s9 =	sadd.s32 s9, s5  }
0xc: {  	s5 =	sor.u32 $0x1C03, s31;
	s6 =	sadd.s32 $0x12400, s6;
	s7 =	sadd.s32 $0x60600, s7  }
0xd: {  	s8 =	sadd.s32 $0x106A00, s9;
	s9 =	smax.u32 s11, $0x1;
	s11 =	simm.s32 $0x3  }
.LBB2_1:
0xe: {  	[spmem:s10], [sflag:s5] =	dma.local [hbm:s4], $0x271  }
0xf: {  	_ =	swait.ge [sflag:s11], $0x271  }
0x10: {  	[sflag:s11] =	ssyncset.done $0x0  }
0x11: {  	s15 =	simm.s32 $0x2800;
	[sflag:s11] =	ssyncadd.s32 $0xFFFFFD8F  }
0x12: {  	[tilespmem:s15], [sflag:$0x1] =	stream.linear.gather [hbm4b:s6+s3], $0x13880, $0x38;
	[tilespmem:$0x17408] =	vst v63  }
0x13: {  	_ = 	snop  }
0x14: {  	[tilespmem:s3], [sflag:$0x3] =	stream.linear.gather [hbm4b:s7+s3], $0x2800, $0x38;
	[tilespmem:$0x17408] =	vst v63  }
0x15: {  	_ =	swait.ge [sflag:s11], $0x2800  }
0x16: {  	[sflag:s11] =	ssyncset.done $0x0  }
0x17: {  	[sflag:s11] =	ssyncadd.s32 $0xFFFFD800  }
0x18: {  	[bflag:$0x0] =	sbarrier.arrive $0xFFFF  }
0x19: {  	_ =	swait.ge [sflag:s12], $0x13880  }
0x1a: {  	[sflag:s12] =	ssyncset.done $0x0  }
0x1b: {  	s16 =	simm.s32 $0x0;
	s17 =	simm.s32 $0x0;
	[sflag:s12] =	ssyncadd.s32 $0xFFFEC780  }
.LBB2_2:
0x1c: {  	p0 =	sgt.u32 s17, $0x4F  }
0x1d: {  	s18 =	simm.s32 @!p0 $0x7D;
	p1 =	slt.u32 @!p0 s17, $0x20  }
0x1e: {  	[spmem:s2] =	stream.indirect.scatter.add.f32 @!p0 [tilespmem:s15], [sflag:$0x2], $0x8, s16, s18, $0xb8;
	[tilespmem:$0x17408] =	vst v63  }
0x1f: {  	p0 =	por p0, !p1  }
0x20: {  	_ =	swait.ge @p0 [sflag:s13], $0x3E8  }
0x21: {  	s17 =	sadd.s32 $0x1, s17;
	[sflag:s13] =	ssyncset.done @p0 $0x0  }
0x22: {  	[sflag:s13] =	ssyncadd.s32 @p0 $0xFFFFFC18;
	p0 =	sne.s32 s17, $0x70  }
.Ltmp0:
0x23: {  	_ = 	snop;
	(pc) =	sbr.rel @p0 .LBB2_2-.Ltmp0, $2  }
0x24: {  	_ =	sdelay $0x2  }
0x25: {  	s15 =	sadd.s32 $0x3E8, s15;
	s16 =	sadd.s32 $0x80, s16  }
0x26: {  	s14 =	sadd.s32 $0x1, s14  }
0x27: {  	p0 =	sne.s32 s14, s9  }
.Ltmp1:
0x28: {  	[bflag:$0x0] =	sbarrier.arrive $0xFFFF;
	(pc) =	sbr.rel @p0 .LBB2_1-.Ltmp1, $4  }
0x29: {  	[hbm:s8], [sflag:s5] =	dma.local [spmem:s10], $0x271  }
0x2a: {  	_ =	swait.ge [sflag:s11], $0x271  }
0x2b: {  	[sflag:s11] =	ssyncset.done $0x0  }
0x2c: {  	[sflag:s11] =	ssyncadd.s32 $0xFFFFFD8F  }
0x2d: {  	_ =	sfence.sel $0x180000  }
0x2e: {  	[bflag:$0x0] =	sbarrier.arrive $0xFFFF  }
0x2f: {  	p0 =	sne.s32 s0, $0x0;
	_ =	strace $0x9000004A  }
0x30: {  	s0 =	sadd.s32 @!p0 $0x100000, s1;
	[bflag:$0x2] =	sbarrier.arrive $0xFFFF  }
0x31: {  	[sflag:s0] =	ssyncadd.tile.s32 @!p0 $0x1;
	_ =	shalt  }
.Lfunc_end2:
_tile_overlayer_lowered:
.L_overlay_start_2:
0x32: {  	(tag) =	ssettag $0x2  }
0x33: {  	s0 =	rddreg [dreg:$0x0];
	s2 =	stileid.u32  }
0x34: {  	s1 =	rddreg [dreg:$0x1];
	p0 =	sne.s32 s2, $0x0  }
0x35: {  	s3 =	rddreg [dreg:$0x2];
	[bflag:$0x3] =	sbarrier.arrive $0xFFFF;
	s2 =	simm.s32 @!p0 $0x1C03  }
0x36: {  	[timem:s3], [sflag:s2] =	dma.local @!p0 [hbm:s0], s1  }
0x37: {  	s0 =	simm.s32 @!p0 $0x3  }
0x38: {  	_ =	swait.ge @!p0 [sflag:s0], s1  }
0x39: {  	s1 =	ssub.s32 @!p0 $0x0, s1;
	[sflag:s0] =	ssyncset.done @!p0 $0x0  }
0x3a: {  	[sflag:s0] =	ssyncadd.s32 @!p0 s1  }
0x3b: {  	[bflag:$0x3] =	sbarrier.arrive $0xFFFF  }
0x3c: {  	_ =	shalt  }

// kernel: kernel.22.cloned.1.call-start
scs
__scs_entry_jumppad:
0x0: {  	(pc) =	sbr.rel $0x88, $3  }
0x1: {  	(tag) =	ssettag $0x0;
	lr =	simm.s32 $0x1  }
0x2: {  	[smem:$0x3F8B] =	sst lr;
	_ =	strace $0xD0000000  }
0x3: {  	_ = 	snop  }
0x4: {  	_ = 	snop  }
0x5: {  	_ = 	snop  }
0x6: {  	_ = 	snop  }
0x7: {  	_ = 	snop  }
__scs_overlays_trampoline_lowered:
0x8: {  	[smem:$0x3F9A] =	sst s0  }
0x9: {  	[smem:$0x3F9B] =	sst s1  }
0xa: {  	[smem:$0x3F9C] =	sst s2  }
0xb: {  	[smem:$0x3F9D] =	sst s3  }
0xc: {  	[smem:$0x3F9E] =	sst s4  }
0xd: {  	[smem:$0x3F9F] =	sst s5  }
0xe: {  	[smem:$0x3FA0] =	sst s6  }
0xf: {  	[smem:$0x3FA1] =	sst s7  }
0x10: {  	[smem:$0x3FA2] =	sst s8  }
0x11: {  	[smem:$0x3FA3] =	sst s9;
	s0 =	simm.s32 @!p0 $0x0  }
0x12: {  	s1 =	sld [smem:$0x3F89];
	s0 =	simm.s32 @p0 $0x1  }
0x13: {  	[smem:$0x3FA4] =	sst s0;
	s0 =	simm.s32 @!p1 $0x0  }
0x14: {  	s2 =	sld [smem:$0x3F88];
	s0 =	simm.s32 @p1 $0x1  }
0x15: {  	[smem:$0x3FA5] =	sst s0;
	s0 =	simm.s32 @!p2 $0x0  }
0x16: {  	s3 =	sld [smem:$0x3FDB];
	s0 =	simm.s32 @p2 $0x1  }
0x17: {  	s4 =	simm.s32 $0x1BF5;
	[smem:$0x3FA7] =	sst s0  }
0x18: {  	s0 =	sld [smem:$0x3F8A];
	_ =	swait.ge [sflag:s4], $0x0  }
0x19: {  	s7 =	sld [smem:$0x3F8B]  }
0x1a: {  	s8 =	sadd.s32 $0xFFFFE003, lr  }
0x1b: {  	s9 =	sadd.s32 $0xFFFFFEF7, lr;
	s5 =	simm.s32 $0xFFFFFFFF;
	p2 =	slt.u32 s8, $0xFFFFF086  }
0x1c: {  	p1 =	slt.u32 s9, $0xF7A;
	s5 =	simm.s32 @!p2 $0x0  }
0x1d: {  	s5 =	simm.s32 @p1 $0x1;
	p0 =	seq.s32 s7, s2  }
0x1e: {  	s7 =	smul.u32 @!p0 $0xF7A, s2;
	p2 =	seq.s32 @!p0 s5, $0x0  }
0x1f: {  	s9 =	smul.u32 $0xF7A, s1;
	s8 =	simm.s32 @!p0 $0x1BF5;
	p2 =	por !p2, p0  }
0x20: {  	[sflag:s8] =	ssyncset.s32 @!p0 $0xFFFFF086;
	s6 =	sadd.s32 @!p0 s3, s7;
	s7 =	simm.s32 @!p0 $0x108  }
0x21: {  	s3 =	sadd.s32 s3, s9;
	s6 =	sadd.s32 @!p0 $0x88, s6;
	s7 =	simm.s32 @p2 $0x1082  }
0x22: {  	[simem:s7], [sflag:s8] =	dma.local @!p0 [hbm:s6], $0xF7A  }
0x23: {  	s9 =	sor.u32 $0xD0000000, s2;
	s6 =	simm.s32 $0x108;
	_ =	swait.ge @!p0 [sflag:s8], $0x0  }
0x24: {  	s3 =	sadd.s32 $0x88, s3;
	s6 =	simm.s32 @!p1 $0x1082;
	[sflag:s4] =	ssyncset.s32 $0xFFFFF086  }
0x25: {  	[simem:s6], [sflag:s4] =	dma.local [hbm:s3], $0xF7A  }
0x26: {  	[smem:$0x3F8B] =	sst s1;
	(tag) =	ssettag s2;
	_ =	strace s9  }
0x27: {  	s1 =	sld [smem:$0x3F9B]  }
0x28: {  	s2 =	sld [smem:$0x3F9C]  }
0x29: {  	s4 =	sld [smem:$0x3F9E]  }
0x2a: {  	p0 =	seq.s32 s5, $0x0;
	s5 =	sld [smem:$0x3F9F]  }
0x2b: {  	s6 =	sld [smem:$0x3FA0]  }
0x2c: {  	s7 =	sld [smem:$0x3FA1]  }
0x2d: {  	s3 =	simm.s32 $0x108;
	s8 =	sld [smem:$0x3FA2]  }
0x2e: {  	s3 =	simm.s32 @!p0 $0x1082;
	s9 =	sld [smem:$0x3FA3]  }
0x2f: {  	lr =	sadd.s32 s0, s3;
	s0 =	sld [smem:$0x3F9A]  }
0x30: {  	s3 =	sld [smem:$0x3F9D]  }
0x31: {  	[smem:$0x3FA6] =	sst s10  }
0x32: {  	s10 =	sld [smem:$0x3FA4];
	_ =	sdelay $0x3  }
0x33: {  	p0 =	seq.s32 s10, $0x1;
	s10 =	sld [smem:$0x3FA6];
	_ =	sdelay $0x3  }
0x34: {  	[smem:$0x3FA6] =	sst s10  }
0x35: {  	s10 =	sld [smem:$0x3FA5];
	_ =	sdelay $0x3  }
0x36: {  	p1 =	seq.s32 s10, $0x1;
	s10 =	sld [smem:$0x3FA6];
	_ =	sdelay $0x3  }
0x37: {  	[smem:$0x3FA6] =	sst s10  }
0x38: {  	s10 =	sld [smem:$0x3FA7]  }
0x39: {  	_ = 	snop;
	(pc) =	sbr.ind lr, $3  }
0x3a: {  	_ = 	snop  }
0x3b: {  	_ = 	snop  }
0x3c: {  	p2 =	seq.s32 s10, $0x1;
	s10 =	sld [smem:$0x3FA6]  }
0x3d: {  	_ =	shalt  }
0x3e: {  	_ =	shalt  }
0x3f: {  	_ =	shalt  }
0x40: {  	_ =	shalt  }
0x41: {  	_ =	shalt  }
0x42: {  	_ =	shalt  }
0x43: {  	_ =	shalt  }
0x44: {  	_ =	shalt  }
0x45: {  	_ =	shalt  }
0x46: {  	_ =	shalt  }
0x47: {  	_ =	shalt  }
0x48: {  	_ =	shalt  }
0x49: {  	_ =	shalt  }
0x4a: {  	_ =	shalt  }
0x4b: {  	_ =	shalt  }
0x4c: {  	_ =	shalt  }
0x4d: {  	_ =	shalt  }
0x4e: {  	_ =	shalt  }
0x4f: {  	_ =	shalt  }
0x50: {  	_ =	shalt  }
0x51: {  	_ =	shalt  }
0x52: {  	_ =	shalt  }
0x53: {  	_ =	shalt  }
0x54: {  	_ =	shalt  }
0x55: {  	_ =	shalt  }
0x56: {  	_ =	shalt  }
0x57: {  	_ =	shalt  }
0x58: {  	_ =	shalt  }
0x59: {  	_ =	shalt  }
0x5a: {  	_ =	shalt  }
0x5b: {  	_ =	shalt  }
0x5c: {  	_ =	shalt  }
0x5d: {  	_ =	shalt  }
0x5e: {  	_ =	shalt  }
0x5f: {  	_ =	shalt  }
0x60: {  	_ =	shalt  }
0x61: {  	_ =	shalt  }
0x62: {  	_ =	shalt  }
0x63: {  	_ =	shalt  }
0x64: {  	_ =	shalt  }
0x65: {  	_ =	shalt  }
0x66: {  	_ =	shalt  }
0x67: {  	_ =	shalt  }
0x68: {  	_ =	shalt  }
0x69: {  	_ =	shalt  }
0x6a: {  	_ =	shalt  }
0x6b: {  	_ =	shalt  }
0x6c: {  	_ =	shalt  }
0x6d: {  	_ =	shalt  }
0x6e: {  	_ =	shalt  }
0x6f: {  	_ =	shalt  }
0x70: {  	_ =	shalt  }
0x71: {  	_ =	shalt  }
0x72: {  	_ =	shalt  }
0x73: {  	_ =	shalt  }
0x74: {  	_ =	shalt  }
0x75: {  	_ =	shalt  }
0x76: {  	_ =	shalt  }
0x77: {  	_ =	shalt  }
0x78: {  	_ =	shalt  }
0x79: {  	_ =	shalt  }
0x7a: {  	_ =	shalt  }
0x7b: {  	_ =	shalt  }
0x7c: {  	_ =	shalt  }
0x7d: {  	_ =	shalt  }
0x7e: {  	_ =	shalt  }
0x7f: {  	_ =	shalt  }
0x80: {  	_ =	shalt  }
0x81: {  	_ =	shalt  }
0x82: {  	_ =	shalt  }
0x83: {  	_ =	shalt  }
0x84: {  	_ =	shalt  }
0x85: {  	_ =	shalt  }
0x86: {  	_ =	shalt  }
0x87: {  	_ =	shalt  }
.Lfunc_end0:
.L_simem_size_0:
called_computation.2_lowered:
.L_overlay_start_0:
0x88: {  	s2 =	sld [smem:$0x3FD9]  }
0x89: {  	s3 =	sld [smem:$0x3FFE];
	_ =	sdelay $0x1  }
0x8a: {  	s1 =	srdreg.scid  }
0x8b: {  	s0 =	sand.u32 $0x1, s1  }
0x8c: {  	s16 =	sshll.u32 s0, $0xA;
	s2 =	sadd.s32 s3, s2  }
0x8d: {  	s2 =	sadd.s32 s2, s16  }
0x8e: {  	[smem:$0x3FB2] =	sst s2  }
0x8f: {  	_ = 	snop  }
0x90: {  	(tm) =	ssettm $0x1  }
0x91: {  	s17 =	sld [smem:$0x3FFB];
	_ =	sdelay $0x3  }
0x92: {  	_ =	strace s17  }
0x93: {  	s2 =	sld [smem:$0x3FFC];
	_ =	sdelay $0x3  }
0x94: {  	_ =	strace s2  }
0x95: {  	s2 =	sld [smem:$0x3FFD];
	_ =	sdelay $0x3  }
0x96: {  	_ =	strace s2  }
0x97: {  	_ =	strace $0x8FFFFFFF  }
0x98: {  	s18 =	sld [smem:$0x3FDB];
	_ =	sdelay $0x1  }
0x99: {  	s19 =	simm.s32 $_scs_section_size  }
0x9a: {  	s4 =	simm.s32 $_size__tile_overlayer_lowered;
	s5 =	simm.s32 $_tile_overlayer_lowered  }
0x9b: {  	s22 =	simm.s32 $0x1BFF;
	s21 =	sshll.u32 s5, $0x1;
	s2 =	sadd.s32 s19, s18  }
0x9c: {  	s6 =	simm.s32 $0x0;
	s20 =	sshll.u32 s4, $0x1;
	s4 =	sadd.s32 s21, s2  }
0x9d: {  	[timem:s6], [sflag:s22] =	dma.local [hbm:s4], s20  }
0x9e: {  	_ =	swait.ge [sflag:s22], s20  }
0x9f: {  	s3 =	ssub.s32 $0x0, s20;
	[sflag:s22] =	ssyncset.done $0x0  }
0xa0: {  	[sflag:s22] =	ssyncadd.s32 s3;
	_ =	sdelay $0x1  }
0xa1: {  	s23 =	simm.s32 $0x1B8B  }
0xa2: {  	_ =	swait.ge [sflag:s23], $0x1  }
0xa3: {  	[sflag:s23] =	ssyncset.done $0x0  }
0xa4: {  	s25 =	simm.s32 $0x1B8E;
	s24 =	sld [smem:$0x3FFE];
	[sflag:s23] =	ssyncadd.s32 $0xFFFFFFFF  }
0xa5: {  	s26 =	simm.s32 $execute0_lowered;
	[smem:$0x3FD2] =	sst s25  }
0xa6: {  	s4 =	sshll.u32 s26, $0x1;
	_ =	strace $0x8000004C;
	[dreg:$0x1] =	wrdreg $0xFFFFFFFF  }
0xa7: {  	s28 =	simm.s32 $_size_execute0_lowered;
	s2 =	sadd.s32 s2, s4;
	[dreg:$0x0] =	wrdreg $0x0  }
0xa8: {  	s4 =	sshll.u32 s28, $0x1;
	[dreg:$0x2] =	wrdreg s2  }
0xa9: {  	[dreg:$0x3] =	wrdreg s4  }
0xaa: {  	[dreg:$0x4] =	wrdreg $0xC0  }
0xab: {  	_ =	task [dreg:s6], $0x5FFFF  }
0xac: {  	[dreg:$0x1] =	wrdreg $0xFFFFFFFF  }
0xad: {  	[dreg:$0x0] =	wrdreg $0x60  }
0xae: {  	[dreg:$0x2] =	wrdreg s24  }
0xaf: {  	[dreg:$0x3] =	wrdreg $0x9  }
0xb0: {  	_ =	task.clear_ibuf [dreg:s6], $0x4FFFF;
	_ =	strace $0x9000004C  }
0xb1: {  	s29 =	simm.s32 $0x9;
	_ =	strace $0x8000004E  }
0xb2: {  	_ =	swait.ge [sflag:s29], $0x1  }
0xb3: {  	[sflag:s29] =	ssyncadd.s32 $0xFFFFFFFF  }
0xb4: {  	_ =	strace $0x9000004E  }
0xb5: {  	_ =	sfence  }
0xb6: {  	s30 =	sld [smem:$0x0];
	_ =	sdelay $0x2  }
0xb7: {  	s31 =	sshll.u32 s1, $0xD;
	s1 =	sshrl.u32 s1, $0x2  }
0xb8: {  	s3 =	sand.u32 $0x4000, s31;
	s1 =	sadd.s32 s1, s30  }
0xb9: {  	s0 =	sor.u32 s3, s0;
	s1 =	sshll.u32 s1, $0x11  }
0xba: {  	s0 =	sor.u32 s1, s0  }
0xbb: {  	s0 =	sadd.s32 $0x8F2B, s0  }
0xbc: {  	[sflag:s0] =	ssyncadd.remote.s32 $0x1  }
0xbd: {  	_ =	sfence.sel $0xFFFF  }
0xbe: {  	[dreg:$0x0] =	wrdreg $0xFFFFFFFF;
	(pc) =	sbr.abs _section_cstart, $3  }
0xbf: {  	[dreg:$0x1] =	wrdreg $0xFFFFFFFF  }
0xc0: {  	_ =	task.clear_ibuf [dreg:s6], $0x2FFFF;
	_ =	strace $0x9FFFFFFF  }
0xc1: {  	(tm) =	ssettm $0x7FFFFFFF  }
tec
execute0_lowered:
.L_overlay_start_1:
0x0: {  	(tag) =	ssettag $0x1  }
0x1: {  	s1 =	srdreg.scid  }
0x2: {  	s0 =	stileid.u32;
	s4 =	rddreg [dreg:$0x0];
	s2 =	simm.s32 $0x0  }
0x3: {  	s9 =	simm.s32 $0x2800;
	s3 =	sand.u32 $0x1, s1;
	s5 =	sshll.u32 s0, $0x1  }
0x4: {  	s10 =	simm.s32 $0x0;
	s1 =	rddreg [dreg:$0x1];
	s5 =	sor.u32 s3, s5  }
0x5: {  	[smem:$0x7FF] =	sst s2;
	s7 =	ssub.s32 $0x2, s3;
	s6 =	smul.u32 $0x500, s5  }
0x6: {  	_ =	strace $0x8000004D;
	s5 =	smul.u32 $0x2710, s5;
	s8 =	sshrl.u32 s7, $0x1  }
0x7: {  	s3 =	sadd.s32 $0x12400, s4;
	s7 =	ssub.s32 s7, s8;
	s6 =	sadd.s32 s6, s4  }
0x8: {  	s8 =	simm.s32 $0x1;
	s5 =	sadd.s32 s5, s4;
	s4 =	sadd.s32 $0x8400, s6  }
0x9: {  	s5 =	sadd.s32 $0x106A00, s5;
	s6 =	smax.u32 s7, $0x1;
	s7 =	simm.s32 $0x2  }
.LBB2_1:
0xa: {  	[tilespmem:s2], [sflag:$0x2] =	stream.linear.gather [hbm4b:s4+s2], $0x2800, $0x38;
	[tilespmem:$0x16080] =	vst v63  }
0xb: {  	_ =	swait.ge [sflag:s7], $0x2800  }
0xc: {  	s11 =	simm.s32 $0x0;
	[sflag:s7] =	ssyncset.done $0x0  }
0xd: {  	s12 =	simm.s32 $0x2800;
	s13 =	simm.s32 $0x0;
	[sflag:s7] =	ssyncadd.s32 $0xFFFFD800  }
.LBB2_2:
0xe: {  	p0 =	sgt.u32 s13, $0x4F  }
0xf: {  	s14 =	simm.s32 @!p0 $0x7D;
	p1 =	slt.u32 @!p0 s13, $0x20  }
0x10: {  	[tilespmem:s12], [sflag:$0x1] =	stream.indirect.gather @!p0 [hbm4b:s3+s14], $0x8, s11, s14, $0xb8;
	[tilespmem:$0x16080] =	vst v63  }
0x11: {  	p0 =	por p0, !p1  }
0x12: {  	_ =	swait.ge @p0 [sflag:s8], $0x3E8  }
0x13: {  	s13 =	sadd.s32 $0x1, s13;
	[sflag:s8] =	ssyncset.done @p0 $0x0  }
0x14: {  	[sflag:s8] =	ssyncadd.s32 @p0 $0xFFFFFC18;
	p0 =	sne.s32 s13, $0x70  }
.Ltmp0:
0x15: {  	_ = 	snop;
	(pc) =	sbr.rel @p0 .LBB2_2-.Ltmp0, $2  }
0x16: {  	_ =	sdelay $0x2  }
0x17: {  	s12 =	sadd.s32 $0x3E8, s12;
	s11 =	sadd.s32 $0x80, s11  }
0x18: {  	s10 =	sadd.s32 $0x1, s10  }
0x19: {  	p0 =	sne.s32 s10, s6  }
.Ltmp1:
0x1a: {  	_ = 	snop;
	(pc) =	sbr.rel @p0 .LBB2_1-.Ltmp1, $4  }
0x1b: {  	[hbm4b:s5+s2] =	stream.linear.scatter [tilespmem:s9], [sflag:$0x2], $0x13880, $0x38;
	[tilespmem:$0x16080] =	vst v63  }
0x1c: {  	_ =	swait.ge [sflag:s7], $0x13880  }
0x1d: {  	[sflag:s7] =	ssyncset.done $0x0  }
0x1e: {  	[sflag:s7] =	ssyncadd.s32 $0xFFFEC780  }
0x1f: {  	_ =	sfence.sel $0x180000  }
0x20: {  	[bflag:$0x0] =	sbarrier.arrive $0xFFFF  }
0x21: {  	p0 =	sne.s32 s0, $0x0;
	_ =	strace $0x9000004D  }
0x22: {  	s0 =	sadd.s32 @!p0 $0x100000, s1;
	[bflag:$0x2] =	sbarrier.arrive $0xFFFF  }
0x23: {  	[sflag:s0] =	ssyncadd.tile.s32 @!p0 $0x1;
	_ =	shalt  }
.Lfunc_end2:
_tile_overlayer_lowered:
.L_overlay_start_2:
0x24: {  	(tag) =	ssettag $0x2  }
0x25: {  	s0 =	rddreg [dreg:$0x0];
	s2 =	stileid.u32  }
0x26: {  	s1 =	rddreg [dreg:$0x1];
	p0 =	sne.s32 s2, $0x0  }
0x27: {  	s3 =	rddreg [dreg:$0x2];
	[bflag:$0x3] =	sbarrier.arrive $0xFFFF;
	s2 =	simm.s32 @!p0 $0x1C02  }
0x28: {  	[timem:s3], [sflag:s2] =	dma.local @!p0 [hbm:s0], s1  }
0x29: {  	s0 =	simm.s32 @!p0 $0x2  }
0x2a: {  	_ =	swait.ge @!p0 [sflag:s0], s1  }
0x2b: {  	s1 =	ssub.s32 @!p0 $0x0, s1;
	[sflag:s0] =	ssyncset.done @!p0 $0x0  }
0x2c: {  	[sflag:s0] =	ssyncadd.s32 @!p0 s1  }
0x2d: {  	[bflag:$0x3] =	sbarrier.arrive $0xFFFF  }
0x2e: {  	_ =	shalt  }

// kernel: kernel.25.cloned.1.call-start
scs
__scs_entry_jumppad:
0x0: {  	(pc) =	sbr.rel $0x88, $3  }
0x1: {  	(tag) =	ssettag $0x0;
	lr =	simm.s32 $0x1  }
0x2: {  	[smem:$0x3F8B] =	sst lr;
	_ =	strace $0xD0000000  }
0x3: {  	_ = 	snop  }
0x4: {  	_ = 	snop  }
0x5: {  	_ = 	snop  }
0x6: {  	_ = 	snop  }
0x7: {  	_ = 	snop  }
__scs_overlays_trampoline_lowered:
0x8: {  	[smem:$0x3F9A] =	sst s0  }
0x9: {  	[smem:$0x3F9B] =	sst s1  }
0xa: {  	[smem:$0x3F9C] =	sst s2  }
0xb: {  	[smem:$0x3F9D] =	sst s3  }
0xc: {  	[smem:$0x3F9E] =	sst s4  }
0xd: {  	[smem:$0x3F9F] =	sst s5  }
0xe: {  	[smem:$0x3FA0] =	sst s6  }
0xf: {  	[smem:$0x3FA1] =	sst s7  }
0x10: {  	[smem:$0x3FA2] =	sst s8  }
0x11: {  	[smem:$0x3FA3] =	sst s9;
	s0 =	simm.s32 @!p0 $0x0  }
0x12: {  	s1 =	sld [smem:$0x3F89];
	s0 =	simm.s32 @p0 $0x1  }
0x13: {  	[smem:$0x3FA4] =	sst s0;
	s0 =	simm.s32 @!p1 $0x0  }
0x14: {  	s2 =	sld [smem:$0x3F88];
	s0 =	simm.s32 @p1 $0x1  }
0x15: {  	[smem:$0x3FA5] =	sst s0;
	s0 =	simm.s32 @!p2 $0x0  }
0x16: {  	s3 =	sld [smem:$0x3FDB];
	s0 =	simm.s32 @p2 $0x1  }
0x17: {  	s4 =	simm.s32 $0x1BF5;
	[smem:$0x3FA7] =	sst s0  }
0x18: {  	s0 =	sld [smem:$0x3F8A];
	_ =	swait.ge [sflag:s4], $0x0  }
0x19: {  	s7 =	sld [smem:$0x3F8B]  }
0x1a: {  	s8 =	sadd.s32 $0xFFFFE003, lr  }
0x1b: {  	s9 =	sadd.s32 $0xFFFFFEF7, lr;
	s5 =	simm.s32 $0xFFFFFFFF;
	p2 =	slt.u32 s8, $0xFFFFF086  }
0x1c: {  	p1 =	slt.u32 s9, $0xF7A;
	s5 =	simm.s32 @!p2 $0x0  }
0x1d: {  	s5 =	simm.s32 @p1 $0x1;
	p0 =	seq.s32 s7, s2  }
0x1e: {  	s7 =	smul.u32 @!p0 $0xF7A, s2;
	p2 =	seq.s32 @!p0 s5, $0x0  }
0x1f: {  	s9 =	smul.u32 $0xF7A, s1;
	s8 =	simm.s32 @!p0 $0x1BF5;
	p2 =	por !p2, p0  }
0x20: {  	[sflag:s8] =	ssyncset.s32 @!p0 $0xFFFFF086;
	s6 =	sadd.s32 @!p0 s3, s7;
	s7 =	simm.s32 @!p0 $0x108  }
0x21: {  	s3 =	sadd.s32 s3, s9;
	s6 =	sadd.s32 @!p0 $0x88, s6;
	s7 =	simm.s32 @p2 $0x1082  }
0x22: {  	[simem:s7], [sflag:s8] =	dma.local @!p0 [hbm:s6], $0xF7A  }
0x23: {  	s9 =	sor.u32 $0xD0000000, s2;
	s6 =	simm.s32 $0x108;
	_ =	swait.ge @!p0 [sflag:s8], $0x0  }
0x24: {  	s3 =	sadd.s32 $0x88, s3;
	s6 =	simm.s32 @!p1 $0x1082;
	[sflag:s4] =	ssyncset.s32 $0xFFFFF086  }
0x25: {  	[simem:s6], [sflag:s4] =	dma.local [hbm:s3], $0xF7A  }
0x26: {  	[smem:$0x3F8B] =	sst s1;
	(tag) =	ssettag s2;
	_ =	strace s9  }
0x27: {  	s1 =	sld [smem:$0x3F9B]  }
0x28: {  	s2 =	sld [smem:$0x3F9C]  }
0x29: {  	s4 =	sld [smem:$0x3F9E]  }
0x2a: {  	p0 =	seq.s32 s5, $0x0;
	s5 =	sld [smem:$0x3F9F]  }
0x2b: {  	s6 =	sld [smem:$0x3FA0]  }
0x2c: {  	s7 =	sld [smem:$0x3FA1]  }
0x2d: {  	s3 =	simm.s32 $0x108;
	s8 =	sld [smem:$0x3FA2]  }
0x2e: {  	s3 =	simm.s32 @!p0 $0x1082;
	s9 =	sld [smem:$0x3FA3]  }
0x2f: {  	lr =	sadd.s32 s0, s3;
	s0 =	sld [smem:$0x3F9A]  }
0x30: {  	s3 =	sld [smem:$0x3F9D]  }
0x31: {  	[smem:$0x3FA6] =	sst s10  }
0x32: {  	s10 =	sld [smem:$0x3FA4];
	_ =	sdelay $0x3  }
0x33: {  	p0 =	seq.s32 s10, $0x1;
	s10 =	sld [smem:$0x3FA6];
	_ =	sdelay $0x3  }
0x34: {  	[smem:$0x3FA6] =	sst s10  }
0x35: {  	s10 =	sld [smem:$0x3FA5];
	_ =	sdelay $0x3  }
0x36: {  	p1 =	seq.s32 s10, $0x1;
	s10 =	sld [smem:$0x3FA6];
	_ =	sdelay $0x3  }
0x37: {  	[smem:$0x3FA6] =	sst s10  }
0x38: {  	s10 =	sld [smem:$0x3FA7]  }
0x39: {  	_ = 	snop;
	(pc) =	sbr.ind lr, $3  }
0x3a: {  	_ = 	snop  }
0x3b: {  	_ = 	snop  }
0x3c: {  	p2 =	seq.s32 s10, $0x1;
	s10 =	sld [smem:$0x3FA6]  }
0x3d: {  	_ =	shalt  }
0x3e: {  	_ =	shalt  }
0x3f: {  	_ =	shalt  }
0x40: {  	_ =	shalt  }
0x41: {  	_ =	shalt  }
0x42: {  	_ =	shalt  }
0x43: {  	_ =	shalt  }
0x44: {  	_ =	shalt  }
0x45: {  	_ =	shalt  }
0x46: {  	_ =	shalt  }
0x47: {  	_ =	shalt  }
0x48: {  	_ =	shalt  }
0x49: {  	_ =	shalt  }
0x4a: {  	_ =	shalt  }
0x4b: {  	_ =	shalt  }
0x4c: {  	_ =	shalt  }
0x4d: {  	_ =	shalt  }
0x4e: {  	_ =	shalt  }
0x4f: {  	_ =	shalt  }
0x50: {  	_ =	shalt  }
0x51: {  	_ =	shalt  }
0x52: {  	_ =	shalt  }
0x53: {  	_ =	shalt  }
0x54: {  	_ =	shalt  }
0x55: {  	_ =	shalt  }
0x56: {  	_ =	shalt  }
0x57: {  	_ =	shalt  }
0x58: {  	_ =	shalt  }
0x59: {  	_ =	shalt  }
0x5a: {  	_ =	shalt  }
0x5b: {  	_ =	shalt  }
0x5c: {  	_ =	shalt  }
0x5d: {  	_ =	shalt  }
0x5e: {  	_ =	shalt  }
0x5f: {  	_ =	shalt  }
0x60: {  	_ =	shalt  }
0x61: {  	_ =	shalt  }
0x62: {  	_ =	shalt  }
0x63: {  	_ =	shalt  }
0x64: {  	_ =	shalt  }
0x65: {  	_ =	shalt  }
0x66: {  	_ =	shalt  }
0x67: {  	_ =	shalt  }
0x68: {  	_ =	shalt  }
0x69: {  	_ =	shalt  }
0x6a: {  	_ =	shalt  }
0x6b: {  	_ =	shalt  }
0x6c: {  	_ =	shalt  }
0x6d: {  	_ =	shalt  }
0x6e: {  	_ =	shalt  }
0x6f: {  	_ =	shalt  }
0x70: {  	_ =	shalt  }
0x71: {  	_ =	shalt  }
0x72: {  	_ =	shalt  }
0x73: {  	_ =	shalt  }
0x74: {  	_ =	shalt  }
0x75: {  	_ =	shalt  }
0x76: {  	_ =	shalt  }
0x77: {  	_ =	shalt  }
0x78: {  	_ =	shalt  }
0x79: {  	_ =	shalt  }
0x7a: {  	_ =	shalt  }
0x7b: {  	_ =	shalt  }
0x7c: {  	_ =	shalt  }
0x7d: {  	_ =	shalt  }
0x7e: {  	_ =	shalt  }
0x7f: {  	_ =	shalt  }
0x80: {  	_ =	shalt  }
0x81: {  	_ =	shalt  }
0x82: {  	_ =	shalt  }
0x83: {  	_ =	shalt  }
0x84: {  	_ =	shalt  }
0x85: {  	_ =	shalt  }
0x86: {  	_ =	shalt  }
0x87: {  	_ =	shalt  }
.Lfunc_end0:
.L_simem_size_0:
called_computation.3_lowered:
.L_overlay_start_0:
0x88: {  	s2 =	sld [smem:$0x3FD9]  }
0x89: {  	s3 =	sld [smem:$0x3FFE];
	_ =	sdelay $0x1  }
0x8a: {  	s1 =	srdreg.scid  }
0x8b: {  	s0 =	sand.u32 $0x1, s1  }
0x8c: {  	s16 =	sshll.u32 s0, $0xA;
	s2 =	sadd.s32 s3, s2  }
0x8d: {  	s2 =	sadd.s32 s2, s16  }
0x8e: {  	[smem:$0x3FB2] =	sst s2  }
0x8f: {  	_ = 	snop  }
0x90: {  	(tm) =	ssettm $0x1  }
0x91: {  	s17 =	sld [smem:$0x3FFB];
	_ =	sdelay $0x3  }
0x92: {  	_ =	strace s17  }
0x93: {  	s2 =	sld [smem:$0x3FFC];
	_ =	sdelay $0x3  }
0x94: {  	_ =	strace s2  }
0x95: {  	s2 =	sld [smem:$0x3FFD];
	_ =	sdelay $0x3  }
0x96: {  	_ =	strace s2  }
0x97: {  	_ =	strace $0x8FFFFFFF  }
0x98: {  	s18 =	sld [smem:$0x3FDB];
	_ =	sdelay $0x1  }
0x99: {  	s19 =	simm.s32 $_scs_section_size  }
0x9a: {  	s4 =	simm.s32 $_size__tile_overlayer_lowered;
	s5 =	simm.s32 $_tile_overlayer_lowered  }
0x9b: {  	s22 =	simm.s32 $0x1BFF;
	s21 =	sshll.u32 s5, $0x1;
	s2 =	sadd.s32 s19, s18  }
0x9c: {  	s6 =	simm.s32 $0x0;
	s20 =	sshll.u32 s4, $0x1;
	s4 =	sadd.s32 s21, s2  }
0x9d: {  	[timem:s6], [sflag:s22] =	dma.local [hbm:s4], s20  }
0x9e: {  	_ =	swait.ge [sflag:s22], s20  }
0x9f: {  	s3 =	ssub.s32 $0x0, s20;
	[sflag:s22] =	ssyncset.done $0x0  }
0xa0: {  	[sflag:s22] =	ssyncadd.s32 s3;
	_ =	sdelay $0x1  }
0xa1: {  	s23 =	simm.s32 $0x1B8B  }
0xa2: {  	_ =	swait.ge [sflag:s23], $0x1  }
0xa3: {  	[sflag:s23] =	ssyncset.done $0x0  }
0xa4: {  	s25 =	simm.s32 $0x1B8E;
	s24 =	sld [smem:$0x3FFE];
	[sflag:s23] =	ssyncadd.s32 $0xFFFFFFFF  }
0xa5: {  	s26 =	simm.s32 $execute0_lowered;
	[smem:$0x3FD2] =	sst s25  }
0xa6: {  	s4 =	sshll.u32 s26, $0x1;
	_ =	strace $0x8000004F;
	[dreg:$0x1] =	wrdreg $0xFFFFFFFF  }
0xa7: {  	s28 =	simm.s32 $_size_execute0_lowered;
	s2 =	sadd.s32 s2, s4;
	[dreg:$0x0] =	wrdreg $0x0  }
0xa8: {  	s4 =	sshll.u32 s28, $0x1;
	[dreg:$0x2] =	wrdreg s2  }
0xa9: {  	[dreg:$0x3] =	wrdreg s4  }
0xaa: {  	[dreg:$0x4] =	wrdreg $0xC0  }
0xab: {  	_ =	task [dreg:s6], $0x5FFFF  }
0xac: {  	[dreg:$0x1] =	wrdreg $0xFFFFFFFF  }
0xad: {  	[dreg:$0x0] =	wrdreg $0x60  }
0xae: {  	[dreg:$0x2] =	wrdreg s24  }
0xaf: {  	[dreg:$0x3] =	wrdreg $0x160800  }
0xb0: {  	[dreg:$0x4] =	wrdreg $0x9  }
0xb1: {  	_ =	task.clear_ibuf [dreg:s6], $0x5FFFF;
	_ =	strace $0x9000004F  }
0xb2: {  	s29 =	simm.s32 $0x9;
	_ =	strace $0x80000051  }
0xb3: {  	_ =	swait.ge [sflag:s29], $0x1  }
0xb4: {  	[sflag:s29] =	ssyncadd.s32 $0xFFFFFFFF  }
0xb5: {  	_ =	strace $0x90000051  }
0xb6: {  	_ =	sfence  }
0xb7: {  	s30 =	sld [smem:$0x0];
	_ =	sdelay $0x2  }
0xb8: {  	s31 =	sshll.u32 s1, $0xD;
	s1 =	sshrl.u32 s1, $0x2  }
0xb9: {  	s3 =	sand.u32 $0x4000, s31;
	s1 =	sadd.s32 s1, s30  }
0xba: {  	s0 =	sor.u32 s3, s0;
	s1 =	sshll.u32 s1, $0x11  }
0xbb: {  	s0 =	sor.u32 s1, s0  }
0xbc: {  	s0 =	sadd.s32 $0x8F2B, s0  }
0xbd: {  	[sflag:s0] =	ssyncadd.remote.s32 $0x1  }
0xbe: {  	_ =	sfence.sel $0xFFFF  }
0xbf: {  	[dreg:$0x0] =	wrdreg $0xFFFFFFFF;
	(pc) =	sbr.abs _section_cstart, $3  }
0xc0: {  	[dreg:$0x1] =	wrdreg $0xFFFFFFFF  }
0xc1: {  	_ =	task.clear_ibuf [dreg:s6], $0x2FFFF;
	_ =	strace $0x9FFFFFFF  }
0xc2: {  	(tm) =	ssettm $0x7FFFFFFF  }
0xc3: {  	_ =	shalt  }
tec
execute0_lowered:
.L_overlay_start_1:
0x0: {  	(tag) =	ssettag $0x1  }
0x1: {  	s1 =	srdreg.scid;
	s5 =	rddreg [dreg:$0x0]  }
0x2: {  	s0 =	stileid.u32;
	s2 =	rddreg [dreg:$0x1];
	s3 =	simm.s32 $0x0  }
0x3: {  	s4 =	sand.u32 $0x1, s1;
	s30 =	sshll.u32 s0, $0x1;
	s8 =	smul.u32 $0x1388, s0  }
0x4: {  	s13 =	simm.s32 $0x2;
	s1 =	sor.u32 s4, s30;
	s9 =	smul.u32 $0x13880, s4  }
0x5: {  	s14 =	simm.s32 $0x0;
	[smem:$0x7FF] =	sst s3;
	s6 =	smul.u32 $0x2710, s1  }
0x6: {  	s31 =	sshll.u32 s0, $0x6;
	s4 =	ssub.s32 $0x2, s4;
	s7 =	smul.u32 $0x500, s1  }
0x7: {  	s1 =	rddreg [dreg:$0x2];
	_ =	strace $0x80000050;
	s10 =	sshrl.u32 s8, $0x3  }
0x8: {  	s11 =	sshrl.u32 s4, $0x1;
	s12 =	sadd.s32 s8, s2;
	s9 =	sadd.s32 s8, s9  }
0x9: {  	s10 =	sadd.s32 s10, s5;
	s11 =	ssub.s32 s4, s11;
	s6 =	sadd.s32 s6, s5  }
0xa: {  	s7 =	sadd.s32 s7, s5;
	s9 =	sshrl.u32 s9, $0x3;
	s4 =	sadd.s32 $0x5C00, s10  }
0xb: {  	s10 =	sshrl.u32 s12, $0x3;
	s12 =	simm.s32 $0x1;
	s9 =	sadd.s32 s9, s5  }
0xc: {  	s5 =	sor.u32 $0x1C03, s31;
	s6 =	sadd.s32 $0x106A00, s6;
	s7 =	sadd.s32 $0x60600, s7  }
0xd: {  	s8 =	sadd.s32 $0x14C00, s9;
	s9 =	smax.u32 s11, $0x1;
	s11 =	simm.s32 $0x3  }
.LBB2_1:
0xe: {  	[spmem:s10], [sflag:s5] =	dma.local [hbm:s4], $0x271  }
0xf: {  	_ =	swait.ge [sflag:s11], $0x271  }
0x10: {  	[sflag:s11] =	ssyncset.done $0x0  }
0x11: {  	s15 =	simm.s32 $0x2800;
	[sflag:s11] =	ssyncadd.s32 $0xFFFFFD8F  }
0x12: {  	[tilespmem:s15], [sflag:$0x1] =	stream.linear.gather [hbm4b:s6+s3], $0x13880, $0x38;
	[tilespmem:$0x17408] =	vst v63  }
0x13: {  	_ = 	snop  }
0x14: {  	[tilespmem:s3], [sflag:$0x3] =	stream.linear.gather [hbm4b:s7+s3], $0x2800, $0x38;
	[tilespmem:$0x17408] =	vst v63  }
0x15: {  	_ =	swait.ge [sflag:s11], $0x2800  }
0x16: {  	[sflag:s11] =	ssyncset.done $0x0  }
0x17: {  	[sflag:s11] =	ssyncadd.s32 $0xFFFFD800  }
0x18: {  	[bflag:$0x0] =	sbarrier.arrive $0xFFFF  }
0x19: {  	_ =	swait.ge [sflag:s12], $0x13880  }
0x1a: {  	[sflag:s12] =	ssyncset.done $0x0  }
0x1b: {  	s16 =	simm.s32 $0x0;
	s17 =	simm.s32 $0x0;
	[sflag:s12] =	ssyncadd.s32 $0xFFFEC780  }
.LBB2_2:
0x1c: {  	p0 =	sgt.u32 s17, $0x4F  }
0x1d: {  	s18 =	simm.s32 @!p0 $0x7D;
	p1 =	slt.u32 @!p0 s17, $0x20  }
0x1e: {  	[spmem:s2] =	stream.indirect.scatter.add.f32 @!p0 [tilespmem:s15], [sflag:$0x2], $0x8, s16, s18, $0xb8;
	[tilespmem:$0x17408] =	vst v63  }
0x1f: {  	p0 =	por p0, !p1  }
0x20: {  	_ =	swait.ge @p0 [sflag:s13], $0x3E8  }
0x21: {  	s17 =	sadd.s32 $0x1, s17;
	[sflag:s13] =	ssyncset.done @p0 $0x0  }
0x22: {  	[sflag:s13] =	ssyncadd.s32 @p0 $0xFFFFFC18;
	p0 =	sne.s32 s17, $0x70  }
.Ltmp0:
0x23: {  	_ = 	snop;
	(pc) =	sbr.rel @p0 .LBB2_2-.Ltmp0, $2  }
0x24: {  	_ =	sdelay $0x2  }
0x25: {  	s15 =	sadd.s32 $0x3E8, s15;
	s16 =	sadd.s32 $0x80, s16  }
0x26: {  	s14 =	sadd.s32 $0x1, s14  }
0x27: {  	p0 =	sne.s32 s14, s9  }
.Ltmp1:
0x28: {  	[bflag:$0x0] =	sbarrier.arrive $0xFFFF;
	(pc) =	sbr.rel @p0 .LBB2_1-.Ltmp1, $4  }
0x29: {  	[hbm:s8], [sflag:s5] =	dma.local [spmem:s10], $0x271  }
0x2a: {  	_ =	swait.ge [sflag:s11], $0x271  }
0x2b: {  	[sflag:s11] =	ssyncset.done $0x0  }
0x2c: {  	[sflag:s11] =	ssyncadd.s32 $0xFFFFFD8F  }
0x2d: {  	_ =	sfence.sel $0x180000  }
0x2e: {  	[bflag:$0x0] =	sbarrier.arrive $0xFFFF  }
0x2f: {  	p0 =	sne.s32 s0, $0x0;
	_ =	strace $0x90000050  }
0x30: {  	s0 =	sadd.s32 @!p0 $0x100000, s1;
	[bflag:$0x2] =	sbarrier.arrive $0xFFFF  }
0x31: {  	[sflag:s0] =	ssyncadd.tile.s32 @!p0 $0x1;
	_ =	shalt  }
.Lfunc_end2:
_tile_overlayer_lowered:
.L_overlay_start_2:
0x32: {  	(tag) =	ssettag $0x2  }
0x33: {  	s0 =	rddreg [dreg:$0x0];
	s2 =	stileid.u32  }
0x34: {  	s1 =	rddreg [dreg:$0x1];
	p0 =	sne.s32 s2, $0x0  }
0x35: {  	s3 =	rddreg [dreg:$0x2];
	[bflag:$0x3] =	sbarrier.arrive $0xFFFF;
	s2 =	simm.s32 @!p0 $0x1C03  }
0x36: {  	[timem:s3], [sflag:s2] =	dma.local @!p0 [hbm:s0], s1  }
0x37: {  	s0 =	simm.s32 @!p0 $0x3  }
0x38: {  	_ =	swait.ge @!p0 [sflag:s0], s1  }
0x39: {  	s1 =	ssub.s32 @!p0 $0x0, s1;
	[sflag:s0] =	ssyncset.done @!p0 $0x0  }
0x3a: {  	[sflag:s0] =	ssyncadd.s32 @!p0 s1  }
0x3b: {  	[bflag:$0x3] =	sbarrier.arrive $0xFFFF  }
0x3c: {  	_ =	shalt  }

// kernel: kernel.28.cloned.1.call-start
scs
__scs_entry_jumppad:
0x0: {  	(pc) =	sbr.rel $0x88, $3  }
0x1: {  	(tag) =	ssettag $0x0;
	lr =	simm.s32 $0x1  }
0x2: {  	[smem:$0x3F8B] =	sst lr;
	_ =	strace $0xD0000000  }
0x3: {  	_ = 	snop  }
0x4: {  	_ = 	snop  }
0x5: {  	_ = 	snop  }
0x6: {  	_ = 	snop  }
0x7: {  	_ = 	snop  }
__scs_overlays_trampoline_lowered:
0x8: {  	[smem:$0x3F9A] =	sst s0  }
0x9: {  	[smem:$0x3F9B] =	sst s1  }
0xa: {  	[smem:$0x3F9C] =	sst s2  }
0xb: {  	[smem:$0x3F9D] =	sst s3  }
0xc: {  	[smem:$0x3F9E] =	sst s4  }
0xd: {  	[smem:$0x3F9F] =	sst s5  }
0xe: {  	[smem:$0x3FA0] =	sst s6  }
0xf: {  	[smem:$0x3FA1] =	sst s7  }
0x10: {  	[smem:$0x3FA2] =	sst s8  }
0x11: {  	[smem:$0x3FA3] =	sst s9;
	s0 =	simm.s32 @!p0 $0x0  }
0x12: {  	s1 =	sld [smem:$0x3F89];
	s0 =	simm.s32 @p0 $0x1  }
0x13: {  	[smem:$0x3FA4] =	sst s0;
	s0 =	simm.s32 @!p1 $0x0  }
0x14: {  	s2 =	sld [smem:$0x3F88];
	s0 =	simm.s32 @p1 $0x1  }
0x15: {  	[smem:$0x3FA5] =	sst s0;
	s0 =	simm.s32 @!p2 $0x0  }
0x16: {  	s3 =	sld [smem:$0x3FDB];
	s0 =	simm.s32 @p2 $0x1  }
0x17: {  	s4 =	simm.s32 $0x1BF5;
	[smem:$0x3FA7] =	sst s0  }
0x18: {  	s0 =	sld [smem:$0x3F8A];
	_ =	swait.ge [sflag:s4], $0x0  }
0x19: {  	s7 =	sld [smem:$0x3F8B]  }
0x1a: {  	s8 =	sadd.s32 $0xFFFFE003, lr  }
0x1b: {  	s9 =	sadd.s32 $0xFFFFFEF7, lr;
	s5 =	simm.s32 $0xFFFFFFFF;
	p2 =	slt.u32 s8, $0xFFFFF086  }
0x1c: {  	p1 =	slt.u32 s9, $0xF7A;
	s5 =	simm.s32 @!p2 $0x0  }
0x1d: {  	s5 =	simm.s32 @p1 $0x1;
	p0 =	seq.s32 s7, s2  }
0x1e: {  	s7 =	smul.u32 @!p0 $0xF7A, s2;
	p2 =	seq.s32 @!p0 s5, $0x0  }
0x1f: {  	s9 =	smul.u32 $0xF7A, s1;
	s8 =	simm.s32 @!p0 $0x1BF5;
	p2 =	por !p2, p0  }
0x20: {  	[sflag:s8] =	ssyncset.s32 @!p0 $0xFFFFF086;
	s6 =	sadd.s32 @!p0 s3, s7;
	s7 =	simm.s32 @!p0 $0x108  }
0x21: {  	s3 =	sadd.s32 s3, s9;
	s6 =	sadd.s32 @!p0 $0x88, s6;
	s7 =	simm.s32 @p2 $0x1082  }
0x22: {  	[simem:s7], [sflag:s8] =	dma.local @!p0 [hbm:s6], $0xF7A  }
0x23: {  	s9 =	sor.u32 $0xD0000000, s2;
	s6 =	simm.s32 $0x108;
	_ =	swait.ge @!p0 [sflag:s8], $0x0  }
0x24: {  	s3 =	sadd.s32 $0x88, s3;
	s6 =	simm.s32 @!p1 $0x1082;
	[sflag:s4] =	ssyncset.s32 $0xFFFFF086  }
0x25: {  	[simem:s6], [sflag:s4] =	dma.local [hbm:s3], $0xF7A  }
0x26: {  	[smem:$0x3F8B] =	sst s1;
	(tag) =	ssettag s2;
	_ =	strace s9  }
0x27: {  	s1 =	sld [smem:$0x3F9B]  }
0x28: {  	s2 =	sld [smem:$0x3F9C]  }
0x29: {  	s4 =	sld [smem:$0x3F9E]  }
0x2a: {  	p0 =	seq.s32 s5, $0x0;
	s5 =	sld [smem:$0x3F9F]  }
0x2b: {  	s6 =	sld [smem:$0x3FA0]  }
0x2c: {  	s7 =	sld [smem:$0x3FA1]  }
0x2d: {  	s3 =	simm.s32 $0x108;
	s8 =	sld [smem:$0x3FA2]  }
0x2e: {  	s3 =	simm.s32 @!p0 $0x1082;
	s9 =	sld [smem:$0x3FA3]  }
0x2f: {  	lr =	sadd.s32 s0, s3;
	s0 =	sld [smem:$0x3F9A]  }
0x30: {  	s3 =	sld [smem:$0x3F9D]  }
0x31: {  	[smem:$0x3FA6] =	sst s10  }
0x32: {  	s10 =	sld [smem:$0x3FA4];
	_ =	sdelay $0x3  }
0x33: {  	p0 =	seq.s32 s10, $0x1;
	s10 =	sld [smem:$0x3FA6];
	_ =	sdelay $0x3  }
0x34: {  	[smem:$0x3FA6] =	sst s10  }
0x35: {  	s10 =	sld [smem:$0x3FA5];
	_ =	sdelay $0x3  }
0x36: {  	p1 =	seq.s32 s10, $0x1;
	s10 =	sld [smem:$0x3FA6];
	_ =	sdelay $0x3  }
0x37: {  	[smem:$0x3FA6] =	sst s10  }
0x38: {  	s10 =	sld [smem:$0x3FA7]  }
0x39: {  	_ = 	snop;
	(pc) =	sbr.ind lr, $3  }
0x3a: {  	_ = 	snop  }
0x3b: {  	_ = 	snop  }
0x3c: {  	p2 =	seq.s32 s10, $0x1;
	s10 =	sld [smem:$0x3FA6]  }
0x3d: {  	_ =	shalt  }
0x3e: {  	_ =	shalt  }
0x3f: {  	_ =	shalt  }
0x40: {  	_ =	shalt  }
0x41: {  	_ =	shalt  }
0x42: {  	_ =	shalt  }
0x43: {  	_ =	shalt  }
0x44: {  	_ =	shalt  }
0x45: {  	_ =	shalt  }
0x46: {  	_ =	shalt  }
0x47: {  	_ =	shalt  }
0x48: {  	_ =	shalt  }
0x49: {  	_ =	shalt  }
0x4a: {  	_ =	shalt  }
0x4b: {  	_ =	shalt  }
0x4c: {  	_ =	shalt  }
0x4d: {  	_ =	shalt  }
0x4e: {  	_ =	shalt  }
0x4f: {  	_ =	shalt  }
0x50: {  	_ =	shalt  }
0x51: {  	_ =	shalt  }
0x52: {  	_ =	shalt  }
0x53: {  	_ =	shalt  }
0x54: {  	_ =	shalt  }
0x55: {  	_ =	shalt  }
0x56: {  	_ =	shalt  }
0x57: {  	_ =	shalt  }
0x58: {  	_ =	shalt  }
0x59: {  	_ =	shalt  }
0x5a: {  	_ =	shalt  }
0x5b: {  	_ =	shalt  }
0x5c: {  	_ =	shalt  }
0x5d: {  	_ =	shalt  }
0x5e: {  	_ =	shalt  }
0x5f: {  	_ =	shalt  }
0x60: {  	_ =	shalt  }
0x61: {  	_ =	shalt  }
0x62: {  	_ =	shalt  }
0x63: {  	_ =	shalt  }
0x64: {  	_ =	shalt  }
0x65: {  	_ =	shalt  }
0x66: {  	_ =	shalt  }
0x67: {  	_ =	shalt  }
0x68: {  	_ =	shalt  }
0x69: {  	_ =	shalt  }
0x6a: {  	_ =	shalt  }
0x6b: {  	_ =	shalt  }
0x6c: {  	_ =	shalt  }
0x6d: {  	_ =	shalt  }
0x6e: {  	_ =	shalt  }
0x6f: {  	_ =	shalt  }
0x70: {  	_ =	shalt  }
0x71: {  	_ =	shalt  }
0x72: {  	_ =	shalt  }
0x73: {  	_ =	shalt  }
0x74: {  	_ =	shalt  }
0x75: {  	_ =	shalt  }
0x76: {  	_ =	shalt  }
0x77: {  	_ =	shalt  }
0x78: {  	_ =	shalt  }
0x79: {  	_ =	shalt  }
0x7a: {  	_ =	shalt  }
0x7b: {  	_ =	shalt  }
0x7c: {  	_ =	shalt  }
0x7d: {  	_ =	shalt  }
0x7e: {  	_ =	shalt  }
0x7f: {  	_ =	shalt  }
0x80: {  	_ =	shalt  }
0x81: {  	_ =	shalt  }
0x82: {  	_ =	shalt  }
0x83: {  	_ =	shalt  }
0x84: {  	_ =	shalt  }
0x85: {  	_ =	shalt  }
0x86: {  	_ =	shalt  }
0x87: {  	_ =	shalt  }
.Lfunc_end0:
.L_simem_size_0:
called_computation.4_lowered:
.L_overlay_start_0:
0x88: {  	s2 =	sld [smem:$0x3FD9]  }
0x89: {  	s3 =	sld [smem:$0x3FFE];
	_ =	sdelay $0x1  }
0x8a: {  	s1 =	srdreg.scid  }
0x8b: {  	s0 =	sand.u32 $0x1, s1  }
0x8c: {  	s16 =	sshll.u32 s0, $0xA;
	s2 =	sadd.s32 s3, s2  }
0x8d: {  	s2 =	sadd.s32 s2, s16  }
0x8e: {  	[smem:$0x3FB2] =	sst s2  }
0x8f: {  	_ = 	snop  }
0x90: {  	(tm) =	ssettm $0x1  }
0x91: {  	s17 =	sld [smem:$0x3FFB];
	_ =	sdelay $0x3  }
0x92: {  	_ =	strace s17  }
0x93: {  	s2 =	sld [smem:$0x3FFC];
	_ =	sdelay $0x3  }
0x94: {  	_ =	strace s2  }
0x95: {  	s2 =	sld [smem:$0x3FFD];
	_ =	sdelay $0x3  }
0x96: {  	_ =	strace s2  }
0x97: {  	_ =	strace $0x8FFFFFFF  }
0x98: {  	s18 =	sld [smem:$0x3FDB];
	_ =	sdelay $0x1  }
0x99: {  	s19 =	simm.s32 $_scs_section_size  }
0x9a: {  	s4 =	simm.s32 $_size__tile_overlayer_lowered;
	s5 =	simm.s32 $_tile_overlayer_lowered  }
0x9b: {  	s22 =	simm.s32 $0x1BFF;
	s21 =	sshll.u32 s5, $0x1;
	s2 =	sadd.s32 s19, s18  }
0x9c: {  	s6 =	simm.s32 $0x0;
	s20 =	sshll.u32 s4, $0x1;
	s4 =	sadd.s32 s21, s2  }
0x9d: {  	[timem:s6], [sflag:s22] =	dma.local [hbm:s4], s20  }
0x9e: {  	_ =	swait.ge [sflag:s22], s20  }
0x9f: {  	s3 =	ssub.s32 $0x0, s20;
	[sflag:s22] =	ssyncset.done $0x0  }
0xa0: {  	[sflag:s22] =	ssyncadd.s32 s3;
	_ =	sdelay $0x1  }
0xa1: {  	s23 =	simm.s32 $0x1B8B  }
0xa2: {  	_ =	swait.ge [sflag:s23], $0x1  }
0xa3: {  	[sflag:s23] =	ssyncset.done $0x0  }
0xa4: {  	s25 =	simm.s32 $0x1B8E;
	s24 =	sld [smem:$0x3FFE];
	[sflag:s23] =	ssyncadd.s32 $0xFFFFFFFF  }
0xa5: {  	s26 =	simm.s32 $execute0_lowered;
	[smem:$0x3FD2] =	sst s25  }
0xa6: {  	s4 =	sshll.u32 s26, $0x1;
	_ =	strace $0x80000052;
	[dreg:$0x1] =	wrdreg $0xFFFFFFFF  }
0xa7: {  	s28 =	simm.s32 $_size_execute0_lowered;
	s2 =	sadd.s32 s2, s4;
	[dreg:$0x0] =	wrdreg $0x0  }
0xa8: {  	s4 =	sshll.u32 s28, $0x1;
	[dreg:$0x2] =	wrdreg s2  }
0xa9: {  	[dreg:$0x3] =	wrdreg s4  }
0xaa: {  	[dreg:$0x4] =	wrdreg $0xC0  }
0xab: {  	_ =	task [dreg:s6], $0x5FFFF  }
0xac: {  	[dreg:$0x1] =	wrdreg $0xFFFFFFFF  }
0xad: {  	[dreg:$0x0] =	wrdreg $0x60  }
0xae: {  	[dreg:$0x2] =	wrdreg s24  }
0xaf: {  	[dreg:$0x3] =	wrdreg $0x9  }
0xb0: {  	_ =	task.clear_ibuf [dreg:s6], $0x4FFFF;
	_ =	strace $0x90000052  }
0xb1: {  	s29 =	simm.s32 $0x9;
	_ =	strace $0x80000054  }
0xb2: {  	_ =	swait.ge [sflag:s29], $0x1  }
0xb3: {  	[sflag:s29] =	ssyncadd.s32 $0xFFFFFFFF  }
0xb4: {  	_ =	strace $0x90000054  }
0xb5: {  	_ =	sfence  }
0xb6: {  	s30 =	sld [smem:$0x0];
	_ =	sdelay $0x2  }
0xb7: {  	s31 =	sshll.u32 s1, $0xD;
	s1 =	sshrl.u32 s1, $0x2  }
0xb8: {  	s3 =	sand.u32 $0x4000, s31;
	s1 =	sadd.s32 s1, s30  }
0xb9: {  	s0 =	sor.u32 s3, s0;
	s1 =	sshll.u32 s1, $0x11  }
0xba: {  	s0 =	sor.u32 s1, s0  }
0xbb: {  	s0 =	sadd.s32 $0x8F2B, s0  }
0xbc: {  	[sflag:s0] =	ssyncadd.remote.s32 $0x1  }
0xbd: {  	_ =	sfence.sel $0xFFFF  }
0xbe: {  	[dreg:$0x0] =	wrdreg $0xFFFFFFFF;
	(pc) =	sbr.abs _section_cstart, $3  }
0xbf: {  	[dreg:$0x1] =	wrdreg $0xFFFFFFFF  }
0xc0: {  	_ =	task.clear_ibuf [dreg:s6], $0x2FFFF;
	_ =	strace $0x9FFFFFFF  }
0xc1: {  	(tm) =	ssettm $0x7FFFFFFF  }
tec
execute0_lowered:
.L_overlay_start_1:
0x0: {  	(tag) =	ssettag $0x1  }
0x1: {  	s1 =	srdreg.scid  }
0x2: {  	s0 =	stileid.u32;
	s4 =	rddreg [dreg:$0x0];
	s2 =	simm.s32 $0x0  }
0x3: {  	s9 =	simm.s32 $0x2800;
	s3 =	sand.u32 $0x1, s1;
	s5 =	sshll.u32 s0, $0x1  }
0x4: {  	s10 =	simm.s32 $0x0;
	s1 =	rddreg [dreg:$0x1];
	s5 =	sor.u32 s3, s5  }
0x5: {  	[smem:$0x7FF] =	sst s2;
	s7 =	ssub.s32 $0x2, s3;
	s6 =	smul.u32 $0x500, s5  }
0x6: {  	_ =	strace $0x80000053;
	s5 =	smul.u32 $0x2710, s5;
	s8 =	sshrl.u32 s7, $0x1  }
0x7: {  	s3 =	sadd.s32 $0x12400, s4;
	s7 =	ssub.s32 s7, s8;
	s6 =	sadd.s32 s6, s4  }
0x8: {  	s8 =	simm.s32 $0x1;
	s5 =	sadd.s32 s5, s4;
	s4 =	sadd.s32 $0x8400, s6  }
0x9: {  	s5 =	sadd.s32 $0x106A00, s5;
	s6 =	smax.u32 s7, $0x1;
	s7 =	simm.s32 $0x2  }
.LBB2_1:
0xa: {  	[tilespmem:s2], [sflag:$0x2] =	stream.linear.gather [hbm4b:s4+s2], $0x2800, $0x38;
	[tilespmem:$0x16080] =	vst v63  }
0xb: {  	_ =	swait.ge [sflag:s7], $0x2800  }
0xc: {  	s11 =	simm.s32 $0x0;
	[sflag:s7] =	ssyncset.done $0x0  }
0xd: {  	s12 =	simm.s32 $0x2800;
	s13 =	simm.s32 $0x0;
	[sflag:s7] =	ssyncadd.s32 $0xFFFFD800  }
.LBB2_2:
0xe: {  	p0 =	sgt.u32 s13, $0x4F  }
0xf: {  	s14 =	simm.s32 @!p0 $0x7D;
	p1 =	slt.u32 @!p0 s13, $0x20  }
0x10: {  	[tilespmem:s12], [sflag:$0x1] =	stream.indirect.gather @!p0 [hbm4b:s3+s14], $0x8, s11, s14, $0xb8;
	[tilespmem:$0x16080] =	vst v63  }
0x11: {  	p0 =	por p0, !p1  }
0x12: {  	_ =	swait.ge @p0 [sflag:s8], $0x3E8  }
0x13: {  	s13 =	sadd.s32 $0x1, s13;
	[sflag:s8] =	ssyncset.done @p0 $0x0  }
0x14: {  	[sflag:s8] =	ssyncadd.s32 @p0 $0xFFFFFC18;
	p0 =	sne.s32 s13, $0x70  }
.Ltmp0:
0x15: {  	_ = 	snop;
	(pc) =	sbr.rel @p0 .LBB2_2-.Ltmp0, $2  }
0x16: {  	_ =	sdelay $0x2  }
0x17: {  	s12 =	sadd.s32 $0x3E8, s12;
	s11 =	sadd.s32 $0x80, s11  }
0x18: {  	s10 =	sadd.s32 $0x1, s10  }
0x19: {  	p0 =	sne.s32 s10, s6  }
.Ltmp1:
0x1a: {  	_ = 	snop;
	(pc) =	sbr.rel @p0 .LBB2_1-.Ltmp1, $4  }
0x1b: {  	[hbm4b:s5+s2] =	stream.linear.scatter [tilespmem:s9], [sflag:$0x2], $0x13880, $0x38;
	[tilespmem:$0x16080] =	vst v63  }
0x1c: {  	_ =	swait.ge [sflag:s7], $0x13880  }
0x1d: {  	[sflag:s7] =	ssyncset.done $0x0  }
0x1e: {  	[sflag:s7] =	ssyncadd.s32 $0xFFFEC780  }
0x1f: {  	_ =	sfence.sel $0x180000  }
0x20: {  	[bflag:$0x0] =	sbarrier.arrive $0xFFFF  }
0x21: {  	p0 =	sne.s32 s0, $0x0;
	_ =	strace $0x90000053  }
0x22: {  	s0 =	sadd.s32 @!p0 $0x100000, s1;
	[bflag:$0x2] =	sbarrier.arrive $0xFFFF  }
0x23: {  	[sflag:s0] =	ssyncadd.tile.s32 @!p0 $0x1;
	_ =	shalt  }
.Lfunc_end2:
_tile_overlayer_lowered:
.L_overlay_start_2:
0x24: {  	(tag) =	ssettag $0x2  }
0x25: {  	s0 =	rddreg [dreg:$0x0];
	s2 =	stileid.u32  }
0x26: {  	s1 =	rddreg [dreg:$0x1];
	p0 =	sne.s32 s2, $0x0  }
0x27: {  	s3 =	rddreg [dreg:$0x2];
	[bflag:$0x3] =	sbarrier.arrive $0xFFFF;
	s2 =	simm.s32 @!p0 $0x1C02  }
0x28: {  	[timem:s3], [sflag:s2] =	dma.local @!p0 [hbm:s0], s1  }
0x29: {  	s0 =	simm.s32 @!p0 $0x2  }
0x2a: {  	_ =	swait.ge @!p0 [sflag:s0], s1  }
0x2b: {  	s1 =	ssub.s32 @!p0 $0x0, s1;
	[sflag:s0] =	ssyncset.done @!p0 $0x0  }
0x2c: {  	[sflag:s0] =	ssyncadd.s32 @!p0 s1  }
0x2d: {  	[bflag:$0x3] =	sbarrier.arrive $0xFFFF  }
0x2e: {  	_ =	shalt  }

// kernel: kernel.31.cloned.1.call-start
scs
__scs_entry_jumppad:
0x0: {  	(pc) =	sbr.rel $0x88, $3  }
0x1: {  	(tag) =	ssettag $0x0;
	lr =	simm.s32 $0x1  }
0x2: {  	[smem:$0x3F8B] =	sst lr;
	_ =	strace $0xD0000000  }
0x3: {  	_ = 	snop  }
0x4: {  	_ = 	snop  }
0x5: {  	_ = 	snop  }
0x6: {  	_ = 	snop  }
0x7: {  	_ = 	snop  }
__scs_overlays_trampoline_lowered:
0x8: {  	[smem:$0x3F9A] =	sst s0  }
0x9: {  	[smem:$0x3F9B] =	sst s1  }
0xa: {  	[smem:$0x3F9C] =	sst s2  }
0xb: {  	[smem:$0x3F9D] =	sst s3  }
0xc: {  	[smem:$0x3F9E] =	sst s4  }
0xd: {  	[smem:$0x3F9F] =	sst s5  }
0xe: {  	[smem:$0x3FA0] =	sst s6  }
0xf: {  	[smem:$0x3FA1] =	sst s7  }
0x10: {  	[smem:$0x3FA2] =	sst s8  }
0x11: {  	[smem:$0x3FA3] =	sst s9;
	s0 =	simm.s32 @!p0 $0x0  }
0x12: {  	s1 =	sld [smem:$0x3F89];
	s0 =	simm.s32 @p0 $0x1  }
0x13: {  	[smem:$0x3FA4] =	sst s0;
	s0 =	simm.s32 @!p1 $0x0  }
0x14: {  	s2 =	sld [smem:$0x3F88];
	s0 =	simm.s32 @p1 $0x1  }
0x15: {  	[smem:$0x3FA5] =	sst s0;
	s0 =	simm.s32 @!p2 $0x0  }
0x16: {  	s3 =	sld [smem:$0x3FDB];
	s0 =	simm.s32 @p2 $0x1  }
0x17: {  	s4 =	simm.s32 $0x1BF5;
	[smem:$0x3FA7] =	sst s0  }
0x18: {  	s0 =	sld [smem:$0x3F8A];
	_ =	swait.ge [sflag:s4], $0x0  }
0x19: {  	s7 =	sld [smem:$0x3F8B]  }
0x1a: {  	s8 =	sadd.s32 $0xFFFFE003, lr  }
0x1b: {  	s9 =	sadd.s32 $0xFFFFFEF7, lr;
	s5 =	simm.s32 $0xFFFFFFFF;
	p2 =	slt.u32 s8, $0xFFFFF086  }
0x1c: {  	p1 =	slt.u32 s9, $0xF7A;
	s5 =	simm.s32 @!p2 $0x0  }
0x1d: {  	s5 =	simm.s32 @p1 $0x1;
	p0 =	seq.s32 s7, s2  }
0x1e: {  	s7 =	smul.u32 @!p0 $0xF7A, s2;
	p2 =	seq.s32 @!p0 s5, $0x0  }
0x1f: {  	s9 =	smul.u32 $0xF7A, s1;
	s8 =	simm.s32 @!p0 $0x1BF5;
	p2 =	por !p2, p0  }
0x20: {  	[sflag:s8] =	ssyncset.s32 @!p0 $0xFFFFF086;
	s6 =	sadd.s32 @!p0 s3, s7;
	s7 =	simm.s32 @!p0 $0x108  }
0x21: {  	s3 =	sadd.s32 s3, s9;
	s6 =	sadd.s32 @!p0 $0x88, s6;
	s7 =	simm.s32 @p2 $0x1082  }
0x22: {  	[simem:s7], [sflag:s8] =	dma.local @!p0 [hbm:s6], $0xF7A  }
0x23: {  	s9 =	sor.u32 $0xD0000000, s2;
	s6 =	simm.s32 $0x108;
	_ =	swait.ge @!p0 [sflag:s8], $0x0  }
0x24: {  	s3 =	sadd.s32 $0x88, s3;
	s6 =	simm.s32 @!p1 $0x1082;
	[sflag:s4] =	ssyncset.s32 $0xFFFFF086  }
0x25: {  	[simem:s6], [sflag:s4] =	dma.local [hbm:s3], $0xF7A  }
0x26: {  	[smem:$0x3F8B] =	sst s1;
	(tag) =	ssettag s2;
	_ =	strace s9  }
0x27: {  	s1 =	sld [smem:$0x3F9B]  }
0x28: {  	s2 =	sld [smem:$0x3F9C]  }
0x29: {  	s4 =	sld [smem:$0x3F9E]  }
0x2a: {  	p0 =	seq.s32 s5, $0x0;
	s5 =	sld [smem:$0x3F9F]  }
0x2b: {  	s6 =	sld [smem:$0x3FA0]  }
0x2c: {  	s7 =	sld [smem:$0x3FA1]  }
0x2d: {  	s3 =	simm.s32 $0x108;
	s8 =	sld [smem:$0x3FA2]  }
0x2e: {  	s3 =	simm.s32 @!p0 $0x1082;
	s9 =	sld [smem:$0x3FA3]  }
0x2f: {  	lr =	sadd.s32 s0, s3;
	s0 =	sld [smem:$0x3F9A]  }
0x30: {  	s3 =	sld [smem:$0x3F9D]  }
0x31: {  	[smem:$0x3FA6] =	sst s10  }
0x32: {  	s10 =	sld [smem:$0x3FA4];
	_ =	sdelay $0x3  }
0x33: {  	p0 =	seq.s32 s10, $0x1;
	s10 =	sld [smem:$0x3FA6];
	_ =	sdelay $0x3  }
0x34: {  	[smem:$0x3FA6] =	sst s10  }
0x35: {  	s10 =	sld [smem:$0x3FA5];
	_ =	sdelay $0x3  }
0x36: {  	p1 =	seq.s32 s10, $0x1;
	s10 =	sld [smem:$0x3FA6];
	_ =	sdelay $0x3  }
0x37: {  	[smem:$0x3FA6] =	sst s10  }
0x38: {  	s10 =	sld [smem:$0x3FA7]  }
0x39: {  	_ = 	snop;
	(pc) =	sbr.ind lr, $3  }
0x3a: {  	_ = 	snop  }
0x3b: {  	_ = 	snop  }
0x3c: {  	p2 =	seq.s32 s10, $0x1;
	s10 =	sld [smem:$0x3FA6]  }
0x3d: {  	_ =	shalt  }
0x3e: {  	_ =	shalt  }
0x3f: {  	_ =	shalt  }
0x40: {  	_ =	shalt  }
0x41: {  	_ =	shalt  }
0x42: {  	_ =	shalt  }
0x43: {  	_ =	shalt  }
0x44: {  	_ =	shalt  }
0x45: {  	_ =	shalt  }
0x46: {  	_ =	shalt  }
0x47: {  	_ =	shalt  }
0x48: {  	_ =	shalt  }
0x49: {  	_ =	shalt  }
0x4a: {  	_ =	shalt  }
0x4b: {  	_ =	shalt  }
0x4c: {  	_ =	shalt  }
0x4d: {  	_ =	shalt  }
0x4e: {  	_ =	shalt  }
0x4f: {  	_ =	shalt  }
0x50: {  	_ =	shalt  }
0x51: {  	_ =	shalt  }
0x52: {  	_ =	shalt  }
0x53: {  	_ =	shalt  }
0x54: {  	_ =	shalt  }
0x55: {  	_ =	shalt  }
0x56: {  	_ =	shalt  }
0x57: {  	_ =	shalt  }
0x58: {  	_ =	shalt  }
0x59: {  	_ =	shalt  }
0x5a: {  	_ =	shalt  }
0x5b: {  	_ =	shalt  }
0x5c: {  	_ =	shalt  }
0x5d: {  	_ =	shalt  }
0x5e: {  	_ =	shalt  }
0x5f: {  	_ =	shalt  }
0x60: {  	_ =	shalt  }
0x61: {  	_ =	shalt  }
0x62: {  	_ =	shalt  }
0x63: {  	_ =	shalt  }
0x64: {  	_ =	shalt  }
0x65: {  	_ =	shalt  }
0x66: {  	_ =	shalt  }
0x67: {  	_ =	shalt  }
0x68: {  	_ =	shalt  }
0x69: {  	_ =	shalt  }
0x6a: {  	_ =	shalt  }
0x6b: {  	_ =	shalt  }
0x6c: {  	_ =	shalt  }
0x6d: {  	_ =	shalt  }
0x6e: {  	_ =	shalt  }
0x6f: {  	_ =	shalt  }
0x70: {  	_ =	shalt  }
0x71: {  	_ =	shalt  }
0x72: {  	_ =	shalt  }
0x73: {  	_ =	shalt  }
0x74: {  	_ =	shalt  }
0x75: {  	_ =	shalt  }
0x76: {  	_ =	shalt  }
0x77: {  	_ =	shalt  }
0x78: {  	_ =	shalt  }
0x79: {  	_ =	shalt  }
0x7a: {  	_ =	shalt  }
0x7b: {  	_ =	shalt  }
0x7c: {  	_ =	shalt  }
0x7d: {  	_ =	shalt  }
0x7e: {  	_ =	shalt  }
0x7f: {  	_ =	shalt  }
0x80: {  	_ =	shalt  }
0x81: {  	_ =	shalt  }
0x82: {  	_ =	shalt  }
0x83: {  	_ =	shalt  }
0x84: {  	_ =	shalt  }
0x85: {  	_ =	shalt  }
0x86: {  	_ =	shalt  }
0x87: {  	_ =	shalt  }
.Lfunc_end0:
.L_simem_size_0:
called_computation.5_lowered:
.L_overlay_start_0:
0x88: {  	s2 =	sld [smem:$0x3FD9]  }
0x89: {  	s3 =	sld [smem:$0x3FFE];
	_ =	sdelay $0x1  }
0x8a: {  	s1 =	srdreg.scid  }
0x8b: {  	s0 =	sand.u32 $0x1, s1  }
0x8c: {  	s16 =	sshll.u32 s0, $0xA;
	s2 =	sadd.s32 s3, s2  }
0x8d: {  	s2 =	sadd.s32 s2, s16  }
0x8e: {  	[smem:$0x3FB2] =	sst s2  }
0x8f: {  	_ = 	snop  }
0x90: {  	(tm) =	ssettm $0x1  }
0x91: {  	s17 =	sld [smem:$0x3FFB];
	_ =	sdelay $0x3  }
0x92: {  	_ =	strace s17  }
0x93: {  	s2 =	sld [smem:$0x3FFC];
	_ =	sdelay $0x3  }
0x94: {  	_ =	strace s2  }
0x95: {  	s2 =	sld [smem:$0x3FFD];
	_ =	sdelay $0x3  }
0x96: {  	_ =	strace s2  }
0x97: {  	_ =	strace $0x8FFFFFFF  }
0x98: {  	s18 =	sld [smem:$0x3FDB];
	_ =	sdelay $0x1  }
0x99: {  	s19 =	simm.s32 $_scs_section_size  }
0x9a: {  	s4 =	simm.s32 $_size__tile_overlayer_lowered;
	s5 =	simm.s32 $_tile_overlayer_lowered  }
0x9b: {  	s22 =	simm.s32 $0x1BFF;
	s21 =	sshll.u32 s5, $0x1;
	s2 =	sadd.s32 s19, s18  }
0x9c: {  	s6 =	simm.s32 $0x0;
	s20 =	sshll.u32 s4, $0x1;
	s4 =	sadd.s32 s21, s2  }
0x9d: {  	[timem:s6], [sflag:s22] =	dma.local [hbm:s4], s20  }
0x9e: {  	_ =	swait.ge [sflag:s22], s20  }
0x9f: {  	s3 =	ssub.s32 $0x0, s20;
	[sflag:s22] =	ssyncset.done $0x0  }
0xa0: {  	[sflag:s22] =	ssyncadd.s32 s3;
	_ =	sdelay $0x1  }
0xa1: {  	s23 =	simm.s32 $0x1B8B  }
0xa2: {  	_ =	swait.ge [sflag:s23], $0x1  }
0xa3: {  	[sflag:s23] =	ssyncset.done $0x0  }
0xa4: {  	s25 =	simm.s32 $0x1B8E;
	s24 =	sld [smem:$0x3FFE];
	[sflag:s23] =	ssyncadd.s32 $0xFFFFFFFF  }
0xa5: {  	s26 =	simm.s32 $execute0_lowered;
	[smem:$0x3FD2] =	sst s25  }
0xa6: {  	s4 =	sshll.u32 s26, $0x1;
	_ =	strace $0x80000055;
	[dreg:$0x1] =	wrdreg $0xFFFFFFFF  }
0xa7: {  	s28 =	simm.s32 $_size_execute0_lowered;
	s2 =	sadd.s32 s2, s4;
	[dreg:$0x0] =	wrdreg $0x0  }
0xa8: {  	s4 =	sshll.u32 s28, $0x1;
	[dreg:$0x2] =	wrdreg s2  }
0xa9: {  	[dreg:$0x3] =	wrdreg s4  }
0xaa: {  	[dreg:$0x4] =	wrdreg $0xC0  }
0xab: {  	_ =	task [dreg:s6], $0x5FFFF  }
0xac: {  	[dreg:$0x1] =	wrdreg $0xFFFFFFFF  }
0xad: {  	[dreg:$0x0] =	wrdreg $0x60  }
0xae: {  	[dreg:$0x2] =	wrdreg s24  }
0xaf: {  	[dreg:$0x3] =	wrdreg $0x160800  }
0xb0: {  	[dreg:$0x4] =	wrdreg $0x9  }
0xb1: {  	_ =	task.clear_ibuf [dreg:s6], $0x5FFFF;
	_ =	strace $0x90000055  }
0xb2: {  	s29 =	simm.s32 $0x9;
	_ =	strace $0x80000057  }
0xb3: {  	_ =	swait.ge [sflag:s29], $0x1  }
0xb4: {  	[sflag:s29] =	ssyncadd.s32 $0xFFFFFFFF  }
0xb5: {  	_ =	strace $0x90000057  }
0xb6: {  	_ =	sfence  }
0xb7: {  	s30 =	sld [smem:$0x0];
	_ =	sdelay $0x2  }
0xb8: {  	s31 =	sshll.u32 s1, $0xD;
	s1 =	sshrl.u32 s1, $0x2  }
0xb9: {  	s3 =	sand.u32 $0x4000, s31;
	s1 =	sadd.s32 s1, s30  }
0xba: {  	s0 =	sor.u32 s3, s0;
	s1 =	sshll.u32 s1, $0x11  }
0xbb: {  	s0 =	sor.u32 s1, s0  }
0xbc: {  	s0 =	sadd.s32 $0x8F2B, s0  }
0xbd: {  	[sflag:s0] =	ssyncadd.remote.s32 $0x1  }
0xbe: {  	_ =	sfence.sel $0xFFFF  }
0xbf: {  	[dreg:$0x0] =	wrdreg $0xFFFFFFFF;
	(pc) =	sbr.abs _section_cstart, $3  }
0xc0: {  	[dreg:$0x1] =	wrdreg $0xFFFFFFFF  }
0xc1: {  	_ =	task.clear_ibuf [dreg:s6], $0x2FFFF;
	_ =	strace $0x9FFFFFFF  }
0xc2: {  	(tm) =	ssettm $0x7FFFFFFF  }
0xc3: {  	_ =	shalt  }
tec
execute0_lowered:
.L_overlay_start_1:
0x0: {  	(tag) =	ssettag $0x1  }
0x1: {  	s1 =	srdreg.scid;
	s5 =	rddreg [dreg:$0x0]  }
0x2: {  	s0 =	stileid.u32;
	s2 =	rddreg [dreg:$0x1];
	s3 =	simm.s32 $0x0  }
0x3: {  	s4 =	sand.u32 $0x1, s1;
	s30 =	sshll.u32 s0, $0x1;
	s8 =	smul.u32 $0x1388, s0  }
0x4: {  	s13 =	simm.s32 $0x2;
	s1 =	sor.u32 s4, s30;
	s9 =	smul.u32 $0x13880, s4  }
0x5: {  	s14 =	simm.s32 $0x0;
	[smem:$0x7FF] =	sst s3;
	s6 =	smul.u32 $0x2710, s1  }
0x6: {  	s31 =	sshll.u32 s0, $0x6;
	s4 =	ssub.s32 $0x2, s4;
	s7 =	smul.u32 $0x500, s1  }
0x7: {  	s1 =	rddreg [dreg:$0x2];
	_ =	strace $0x80000056;
	s10 =	sshrl.u32 s8, $0x3  }
0x8: {  	s11 =	sshrl.u32 s4, $0x1;
	s12 =	sadd.s32 s8, s2;
	s9 =	sadd.s32 s8, s9  }
0x9: {  	s10 =	sadd.s32 s10, s5;
	s11 =	ssub.s32 s4, s11;
	s6 =	sadd.s32 s6, s5  }
0xa: {  	s7 =	sadd.s32 s7, s5;
	s9 =	sshrl.u32 s9, $0x3;
	s4 =	sadd.s32 $0x5C00, s10  }
0xb: {  	s10 =	sshrl.u32 s12, $0x3;
	s12 =	simm.s32 $0x1;
	s9 =	sadd.s32 s9, s5  }
0xc: {  	s5 =	sor.u32 $0x1C03, s31;
	s6 =	sadd.s32 $0x6A600, s6;
	s7 =	sadd.s32 $0x60600, s7  }
0xd: {  	s8 =	sadd.s32 $0x8400, s9;
	s9 =	smax.u32 s11, $0x1;
	s11 =	simm.s32 $0x3  }
.LBB2_1:
0xe: {  	[spmem:s10], [sflag:s5] =	dma.local [hbm:s4], $0x271  }
0xf: {  	_ =	swait.ge [sflag:s11], $0x271  }
0x10: {  	[sflag:s11] =	ssyncset.done $0x0  }
0x11: {  	s15 =	simm.s32 $0x2800;
	[sflag:s11] =	ssyncadd.s32 $0xFFFFFD8F  }
0x12: {  	[tilespmem:s15], [sflag:$0x1] =	stream.linear.gather [hbm4b:s6+s3], $0x13880, $0x38;
	[tilespmem:$0x17408] =	vst v63  }
0x13: {  	_ = 	snop  }
0x14: {  	[tilespmem:s3], [sflag:$0x3] =	stream.linear.gather [hbm4b:s7+s3], $0x2800, $0x38;
	[tilespmem:$0x17408] =	vst v63  }
0x15: {  	_ =	swait.ge [sflag:s11], $0x2800  }
0x16: {  	[sflag:s11] =	ssyncset.done $0x0  }
0x17: {  	[sflag:s11] =	ssyncadd.s32 $0xFFFFD800  }
0x18: {  	[bflag:$0x0] =	sbarrier.arrive $0xFFFF  }
0x19: {  	_ =	swait.ge [sflag:s12], $0x13880  }
0x1a: {  	[sflag:s12] =	ssyncset.done $0x0  }
0x1b: {  	s16 =	simm.s32 $0x0;
	s17 =	simm.s32 $0x0;
	[sflag:s12] =	ssyncadd.s32 $0xFFFEC780  }
.LBB2_2:
0x1c: {  	p0 =	sgt.u32 s17, $0x4F  }
0x1d: {  	s18 =	simm.s32 @!p0 $0x7D;
	p1 =	slt.u32 @!p0 s17, $0x20  }
0x1e: {  	[spmem:s2] =	stream.indirect.scatter.add.f32 @!p0 [tilespmem:s15], [sflag:$0x2], $0x8, s16, s18, $0xb8;
	[tilespmem:$0x17408] =	vst v63  }
0x1f: {  	p0 =	por p0, !p1  }
0x20: {  	_ =	swait.ge @p0 [sflag:s13], $0x3E8  }
0x21: {  	s17 =	sadd.s32 $0x1, s17;
	[sflag:s13] =	ssyncset.done @p0 $0x0  }
0x22: {  	[sflag:s13] =	ssyncadd.s32 @p0 $0xFFFFFC18;
	p0 =	sne.s32 s17, $0x70  }
.Ltmp0:
0x23: {  	_ = 	snop;
	(pc) =	sbr.rel @p0 .LBB2_2-.Ltmp0, $2  }
0x24: {  	_ =	sdelay $0x2  }
0x25: {  	s15 =	sadd.s32 $0x3E8, s15;
	s16 =	sadd.s32 $0x80, s16  }
0x26: {  	s14 =	sadd.s32 $0x1, s14  }
0x27: {  	p0 =	sne.s32 s14, s9  }
.Ltmp1:
0x28: {  	[bflag:$0x0] =	sbarrier.arrive $0xFFFF;
	(pc) =	sbr.rel @p0 .LBB2_1-.Ltmp1, $4  }
0x29: {  	[hbm:s8], [sflag:s5] =	dma.local [spmem:s10], $0x271  }
0x2a: {  	_ =	swait.ge [sflag:s11], $0x271  }
0x2b: {  	[sflag:s11] =	ssyncset.done $0x0  }
0x2c: {  	[sflag:s11] =	ssyncadd.s32 $0xFFFFFD8F  }
0x2d: {  	_ =	sfence.sel $0x180000  }
0x2e: {  	[bflag:$0x0] =	sbarrier.arrive $0xFFFF  }
0x2f: {  	p0 =	sne.s32 s0, $0x0;
	_ =	strace $0x90000056  }
0x30: {  	s0 =	sadd.s32 @!p0 $0x100000, s1;
	[bflag:$0x2] =	sbarrier.arrive $0xFFFF  }
0x31: {  	[sflag:s0] =	ssyncadd.tile.s32 @!p0 $0x1;
	_ =	shalt  }
.Lfunc_end2:
_tile_overlayer_lowered:
.L_overlay_start_2:
0x32: {  	(tag) =	ssettag $0x2  }
0x33: {  	s0 =	rddreg [dreg:$0x0];
	s2 =	stileid.u32  }
0x34: {  	s1 =	rddreg [dreg:$0x1];
	p0 =	sne.s32 s2, $0x0  }
0x35: {  	s3 =	rddreg [dreg:$0x2];
	[bflag:$0x3] =	sbarrier.arrive $0xFFFF;
	s2 =	simm.s32 @!p0 $0x1C03  }
0x36: {  	[timem:s3], [sflag:s2] =	dma.local @!p0 [hbm:s0], s1  }
0x37: {  	s0 =	simm.s32 @!p0 $0x3  }
0x38: {  	_ =	swait.ge @!p0 [sflag:s0], s1  }
0x39: {  	s1 =	ssub.s32 @!p0 $0x0, s1;
	[sflag:s0] =	ssyncset.done @!p0 $0x0  }
0x3a: {  	[sflag:s0] =	ssyncadd.s32 @!p0 s1  }
0x3b: {  	[bflag:$0x3] =	sbarrier.arrive $0xFFFF  }
0x3c: {  	_ =	shalt  }

</sc_bundles>
